<compile_context>
chip_gen: v7x
topology: tpu7x:2x2x1
jax: 0.10.2.dev20260603
libtpu: 0.0.44.dev20260713+nightly
codegen_flags: <defaults>
</compile_context>

<pallas_src>
import functools

import jax
import jax.numpy as jnp
from jax import lax
from jax.experimental import pallas as pl
from jax.experimental.pallas import tpu as pltpu
from jax.experimental.pallas import tpu_sc as plsc

N_NODES = 10000
N_EDGES = 320000
D = 128
L = 16
NC = 2
NS = 16
NW = NC * NS
EPW = N_EDGES // NW
CH = 80
NCHUNK = EPW // CH
NPAD = 10112
RPT = NPAD // NS



def _node_proj_body(nf_ref, wst_ref, wdt_ref, g_ref, h_ref):
    nf = nf_ref[...]
    g_ref[...] = jnp.dot(nf, wst_ref[...], preferred_element_type=jnp.float32)
    h_ref[...] = jnp.dot(nf, wdt_ref[...], preferred_element_type=jnp.float32)


def _edge_proj_body(ef_ref, wet_ref, b_ref, em_ref):
    em_ref[...] = (
        jnp.dot(ef_ref[...], wet_ref[...], preferred_element_type=jnp.float32)
        + b_ref[...]
    )


def _update_body(nf_ref, p0_ref, p1_ref, c0_ref, c1_ref, wu1_ref, wu2_ref,
                 b_ref, out_ref):
    cnt = c0_ref[:, 0:1] + c1_ref[:, 0:1] + 1e-6
    agg = (p0_ref[...] + p1_ref[...]) / cnt
    acc = jnp.dot(nf_ref[...], wu1_ref[...], preferred_element_type=jnp.float32)
    acc += jnp.dot(agg, wu2_ref[...], preferred_element_type=jnp.float32)
    out_ref[...] = jnp.maximum(acc + b_ref[...], 0.0)



@functools.cache
def _sc_mesh():
  return plsc.VectorSubcoreMesh(
      core_axis_name="c", subcore_axis_name="s", num_cores=NC, num_subcores=NS)


@functools.cache
def _build_sc_counts():

  @functools.partial(
      pl.kernel,
      out_type=jax.ShapeDtypeStruct((NC * NPAD, D), jnp.float32),
      mesh=_sc_mesh(),
      scratch_types=[
          pltpu.VMEM((CH,), jnp.int32),
          pltpu.VMEM((CH,), jnp.int32),
          pltpu.VMEM((CH, D), jnp.float32),
          pltpu.VMEM_SHARED((NPAD, D), jnp.float32),
          pltpu.SemaphoreType.DMA,
      ],
  )
  def _sc_counts(col_hbm, cnt_out, col0, col1, ones_v, agg_sh, sc2):
    c = lax.axis_index("c")
    s = lax.axis_index("s")
    wid = s * NC + c
    zero16 = jnp.zeros((L,), jnp.float32)
    one16 = jnp.ones((L,), jnp.float32)
    base_r = s * RPT
    nfull = RPT // CH
    rem = RPT - nfull * CH
    ebase = wid * EPW
    out_base = c * NPAD + base_r
    COL = (col0, col1)

    def _fill(val):
      def _f(i, carry):
        for j in range(D // L):
          ones_v[i, pl.ds(j * L, L)] = val
        return carry
      lax.fori_loop(0, CH, _f, 0)

    _fill(zero16)
    for kk in range(nfull):
      pltpu.sync_copy(ones_v, agg_sh.at[pl.ds(base_r + kk * CH, CH)])
    if rem:
      pltpu.sync_copy(ones_v.at[pl.ds(0, rem)],
                      agg_sh.at[pl.ds(base_r + nfull * CH, rem)])
    plsc.subcore_barrier()
    _fill(one16)
    pltpu.sync_copy(col_hbm.at[pl.ds(ebase, CH)], col0)

    def _loop(i, carry):
      b0 = ebase + (2 * i) * CH
      pltpu.async_copy(ones_v, agg_sh.at[COL[0]], sc2, add=True)
      pltpu.sync_copy(col_hbm.at[pl.ds(b0 + CH, CH)], COL[1])
      pltpu.make_async_copy(ones_v, agg_sh.at[COL[0]], sc2).wait()
      pltpu.async_copy(ones_v, agg_sh.at[COL[1]], sc2, add=True)

      @pl.when(i < (NCHUNK // 2) - 1)
      def _():
        pltpu.sync_copy(col_hbm.at[pl.ds(b0 + 2 * CH, CH)], COL[0])

      pltpu.make_async_copy(ones_v, agg_sh.at[COL[1]], sc2).wait()
      return carry
    lax.fori_loop(0, NCHUNK // 2, _loop, 0)
    if NCHUNK % 2:
      pltpu.sync_copy(col_hbm.at[pl.ds(ebase + (NCHUNK - 1) * CH, CH)], col0)
      pltpu.async_copy(ones_v, agg_sh.at[COL[0]], sc2, add=True)
      pltpu.make_async_copy(ones_v, agg_sh.at[COL[0]], sc2).wait()
    plsc.subcore_barrier()
    pltpu.sync_copy(agg_sh.at[pl.ds(base_r, RPT)],
                    cnt_out.at[pl.ds(out_base, RPT)])

  return _sc_counts


@functools.cache
def _build_sc_aggregate():

  @functools.partial(
      pl.kernel,
      out_type=jax.ShapeDtypeStruct((NC * NPAD, D), jnp.float32),
      mesh=_sc_mesh(),
      scratch_types=[
          pltpu.VMEM((CH,), jnp.int32),
          pltpu.VMEM((CH,), jnp.int32),
          pltpu.VMEM((CH,), jnp.int32),
          pltpu.VMEM((CH, D), jnp.float32),
          pltpu.VMEM((CH, D), jnp.float32),
          pltpu.VMEM((CH, D), jnp.float32),
          pltpu.VMEM((CH, D), jnp.float32),
          pltpu.VMEM_SHARED((NPAD, D), jnp.float32),
          pltpu.SemaphoreType.DMA,
          pltpu.SemaphoreType.DMA,
          pltpu.SemaphoreType.DMA,
          pltpu.SemaphoreType.DMA,
          pltpu.SemaphoreType.DMA,
      ],
  )
  def _sc_aggregate(g_hbm, h_hbm, em_hbm, row_hbm, col_hbm, agg_out,
                    row_v, col0, col1, g_v, h_v, e0, e1, agg_sh,
                    sem_g, sem_h, se0, se1, ss):
    c = lax.axis_index("c")
    s = lax.axis_index("s")
    wid = s * NC + c
    zero16 = jnp.zeros((L,), jnp.float32)
    base_r = s * RPT
    nfull = RPT // CH
    rem = RPT - nfull * CH
    ebase = wid * EPW
    out_base = c * NPAD + base_r

    COL = (col0, col1)
    E = (e0, e1)
    SE = (se0, se1)

    def _f(i, carry):
      for j in range(D // L):
        e0[i, pl.ds(j * L, L)] = zero16
      return carry
    lax.fori_loop(0, CH, _f, 0)
    for kk in range(nfull):
      pltpu.sync_copy(e0, agg_sh.at[pl.ds(base_r + kk * CH, CH)])
    if rem:
      pltpu.sync_copy(e0.at[pl.ds(0, rem)],
                      agg_sh.at[pl.ds(base_r + nfull * CH, rem)])
    plsc.subcore_barrier()

    def _issue(b, p):
      pltpu.sync_copy(row_hbm.at[pl.ds(b, CH)], row_v)
      pltpu.sync_copy(col_hbm.at[pl.ds(b, CH)], COL[p])
      pltpu.async_copy(em_hbm.at[pl.ds(b, CH)], E[p], SE[p])
      pltpu.async_copy(g_hbm.at[row_v], g_v, sem_g)
      pltpu.async_copy(h_hbm.at[COL[p]], h_v, sem_h)

    def _wait_inputs(b, p):
      pltpu.make_async_copy(em_hbm.at[pl.ds(b, CH)], E[p], SE[p]).wait()
      pltpu.make_async_copy(g_hbm.at[row_v], g_v, sem_g).wait()
      pltpu.make_async_copy(h_hbm.at[COL[p]], h_v, sem_h).wait()

    def _compute(p):
      def _row(i, c2):
        for j in range(D // L):
          sl = pl.ds(j * L, L)
          v = g_v[i, sl] + h_v[i, sl] + E[p][i, sl]
          E[p][i, sl] = jnp.maximum(v, 0.0)
        return c2
      lax.fori_loop(0, CH, _row, 0)

    _issue(ebase, 0)
    _wait_inputs(ebase, 0)
    _compute(0)
    pltpu.async_copy(E[0], agg_sh.at[COL[0]], ss, add=True)
    _issue(ebase + CH, 1)

    def _chunk(k2, carry):
      b0 = ebase + (2 * k2 + 1) * CH
      _wait_inputs(b0, 1)
      pltpu.make_async_copy(E[0], agg_sh.at[COL[0]], ss).wait()
      _compute(1)
      pltpu.async_copy(E[1], agg_sh.at[COL[1]], ss, add=True)
      _issue(b0 + CH, 0)
      b1 = b0 + CH
      _wait_inputs(b1, 0)
      pltpu.make_async_copy(E[1], agg_sh.at[COL[1]], ss).wait()
      _compute(0)
      pltpu.async_copy(E[0], agg_sh.at[COL[0]], ss, add=True)
      _issue(b1 + CH, 1)
      return carry
    lax.fori_loop(0, (NCHUNK - 2) // 2, _chunk, 0)
    b_pen = ebase + (NCHUNK - 2) * CH
    _wait_inputs(b_pen, 1)
    pltpu.make_async_copy(E[0], agg_sh.at[COL[0]], ss).wait()
    _compute(1)
    pltpu.async_copy(E[1], agg_sh.at[COL[1]], ss, add=True)
    _issue(b_pen + CH, 0)
    _wait_inputs(b_pen + CH, 0)
    pltpu.make_async_copy(E[1], agg_sh.at[COL[1]], ss).wait()
    _compute(0)
    pltpu.async_copy(E[0], agg_sh.at[COL[0]], ss, add=True)
    pltpu.make_async_copy(E[0], agg_sh.at[COL[0]], ss).wait()
    plsc.subcore_barrier()
    pltpu.sync_copy(agg_sh.at[pl.ds(base_r, RPT)],
                    agg_out.at[pl.ds(out_base, RPT)])

  return _sc_aggregate



def kernel(node_features, edge_features, edge_index, W_msg, b_msg, W_upd, b_upd):
    nf = node_features.astype(jnp.float32)
    ef = edge_features.astype(jnp.float32)
    row = edge_index[0].astype(jnp.int32)
    col = edge_index[1].astype(jnp.int32)

    wst = W_msg[:, 0:D].T
    wdt = W_msg[:, D:2 * D].T
    wet = W_msg[:, 2 * D:3 * D].T
    wu1 = W_upd[:, 0:D].T
    wu2 = W_upd[:, D:2 * D].T
    bm = b_msg.reshape(1, D)
    bu = b_upd.reshape(1, D)

    cnt = _build_sc_counts()(col)

    nb = 2000
    g, h = pl.pallas_call(
        _node_proj_body,
        grid=(N_NODES // nb,),
        in_specs=[
            pl.BlockSpec((nb, D), lambda i: (i, 0)),
            pl.BlockSpec((D, D), lambda i: (0, 0)),
            pl.BlockSpec((D, D), lambda i: (0, 0)),
        ],
        out_specs=[
            pl.BlockSpec((nb, D), lambda i: (i, 0)),
            pl.BlockSpec((nb, D), lambda i: (i, 0)),
        ],
        out_shape=[
            jax.ShapeDtypeStruct((N_NODES, D), jnp.float32),
            jax.ShapeDtypeStruct((N_NODES, D), jnp.float32),
        ],
    )(nf, wst, wdt)

    eb = 2000
    em = pl.pallas_call(
        _edge_proj_body,
        grid=(N_EDGES // eb,),
        in_specs=[
            pl.BlockSpec((eb, D), lambda i: (i, 0)),
            pl.BlockSpec((D, D), lambda i: (0, 0)),
            pl.BlockSpec((1, D), lambda i: (0, 0)),
        ],
        out_specs=pl.BlockSpec((eb, D), lambda i: (i, 0)),
        out_shape=jax.ShapeDtypeStruct((N_EDGES, D), jnp.float32),
    )(ef, wet, bm)

    agg = _build_sc_aggregate()(g, h, em, row, col)

    p0 = lax.slice(agg, (0, 0), (N_NODES, D))
    p1 = lax.slice(agg, (NPAD, 0), (NPAD + N_NODES, D))
    c0 = lax.slice(cnt, (0, 0), (N_NODES, L))
    c1 = lax.slice(cnt, (NPAD, 0), (NPAD + N_NODES, L))

    out = pl.pallas_call(
        _update_body,
        grid=(N_NODES // nb,),
        in_specs=[
            pl.BlockSpec((nb, D), lambda i: (i, 0)),
            pl.BlockSpec((nb, D), lambda i: (i, 0)),
            pl.BlockSpec((nb, D), lambda i: (i, 0)),
            pl.BlockSpec((nb, L), lambda i: (i, 0)),
            pl.BlockSpec((nb, L), lambda i: (i, 0)),
            pl.BlockSpec((D, D), lambda i: (0, 0)),
            pl.BlockSpec((D, D), lambda i: (0, 0)),
            pl.BlockSpec((1, D), lambda i: (0, 0)),
        ],
        out_specs=pl.BlockSpec((nb, D), lambda i: (i, 0)),
        out_shape=jax.ShapeDtypeStruct((N_NODES, D), jnp.float32),
    )(nf, p0, p1, c0, c1, wu1, wu2, bu)

    return out

# --- scband reference (transcript-rebuilt; emitter-appended) ---
"""Pipeline reference for scband-graph-conv-layer-15564961481203 (READ-ONLY COPY).

The authoritative reference and input builder live on the scoring server;
editing this copy changes nothing except your own understanding.
"""

import jax, jax.numpy as jnp
import numpy as np

N_NODES = 10000
N_EDGES = 320000
IN_DIM = 128
OUT_DIM = 128

def setup_inputs(seed: int = 0) -> dict:
    key = jax.random.key(seed)
    k1, k2, k3, k4, k5, k6, k7 = jax.random.split(key, 7)
    node_features = jax.random.normal(k1, (N_NODES, IN_DIM), dtype=jnp.float32)
    edge_features = jax.random.normal(k2, (N_EDGES, OUT_DIM), dtype=jnp.float32)
    edge_index = jax.random.randint(k3, (2, N_EDGES), 0, N_NODES, dtype=jnp.int64)
    # message_net: Linear(in_dim*2 + out_dim -> out_dim)
    fan_in_msg = IN_DIM * 2 + OUT_DIM
    bound_msg = 1.0 / np.sqrt(fan_in_msg)
    W_msg = jax.random.uniform(k4, (OUT_DIM, fan_in_msg), minval=-bound_msg, maxval=bound_msg, dtype=jnp.float32)
    b_msg = jax.random.uniform(k5, (OUT_DIM,), minval=-bound_msg, maxval=bound_msg, dtype=jnp.float32)
    # update_net: Linear(in_dim + out_dim -> out_dim)
    fan_in_upd = IN_DIM + OUT_DIM
    bound_upd = 1.0 / np.sqrt(fan_in_upd)
    W_upd = jax.random.uniform(k6, (OUT_DIM, fan_in_upd), minval=-bound_upd, maxval=bound_upd, dtype=jnp.float32)
    b_upd = jax.random.uniform(k7, (OUT_DIM,), minval=-bound_upd, maxval=bound_upd, dtype=jnp.float32)
    return {
        "node_features": node_features,
        "edge_features": edge_features,
        "edge_index": edge_index,
        "W_msg": W_msg,
        "b_msg": b_msg,
        "W_upd": W_upd,
        "b_upd": b_upd,
    }

def reference(node_features, edge_features, edge_index, W_msg, b_msg, W_upd, b_upd):
    # Dropout is inference-mode identity.
    row = edge_index[0]
    col = edge_index[1]
    src_features = jnp.take(node_features, row, axis=0)
    dst_features = jnp.take(node_features, col, axis=0)
    messages = jnp.concatenate([src_features, dst_features, edge_features], axis=-1)
    messages = jax.nn.relu(messages @ W_msg.T + b_msg)
    num_nodes = node_features.shape[0]
    aggregated = jnp.zeros_like(node_features).at[col].add(messages)
    message_count = jnp.zeros((num_nodes, 1), dtype=jnp.float32).at[col].add(
        jnp.ones((col.shape[0], 1), dtype=jnp.float32)
    )
    aggregated = aggregated / (message_count + 1e-06)
    updated = jax.nn.relu(jnp.concatenate([node_features, aggregated], axis=-1) @ W_upd.T + b_upd)
    return updated

if __name__ == "__main__":
    import jax
    _d = setup_inputs()
    print(jax.jit(kernel)(*tuple(_d.values())))

</pallas_src>

<mosaic_0001>
#map = affine_map<(d0, d1) -> (0)>
#map1 = affine_map<(d0, d1) -> (0, 0)>
module attributes {stable_mosaic.version = 14 : i64} {
  func.func @_sc_counts(%arg0: i32, %arg1: i32, %arg2: memref<320000xi32, #tpu.memory_space<hbm>>, %arg3: memref<20224x128xf32, #tpu.memory_space<hbm>>, %arg4: memref<80xi32, #tpu.memory_space<vmem>>, %arg5: memref<80xi32, #tpu.memory_space<vmem>>, %arg6: memref<80x128xf32, #tpu.memory_space<vmem>>, %arg7: memref<10112x128xf32, #tpu.memory_space<vmem_shared>>, %arg8: memref<!tpu.dma_semaphore, #tpu.memory_space<semaphore_mem>>) attributes {dimension_semantics = [#tpu.dimension_semantics<core_parallel>, #tpu.dimension_semantics<subcore_parallel>], iteration_bounds = array<i64: 2, 16>, scalar_prefetch = 0 : i64, scratch_operands = 5 : i64, tpu.core_type = #tpu.core_type<sc_vector_subcore>, window_params = [{transform_indices = #map}, {transform_indices = #map1}]} {
    %mul3A = arith.constant 2 : i32
    %mul3A_0 = arith.muli %arg1, %mul3A : i32
    %add3A = arith.addi %mul3A_0, %arg0 : i32
    %broadcast_in_dim3A = arith.constant 0.000000e+00 : f32
    %broadcast_in_dim3A_1 = vector.broadcast %broadcast_in_dim3A : f32 to vector<16xf32>
    %broadcast_in_dim3A_2 = arith.constant 1.000000e+00 : f32
    %broadcast_in_dim3A_3 = vector.broadcast %broadcast_in_dim3A_2 : f32 to vector<16xf32>
    %mul3A_4 = arith.constant 632 : i32
    %mul3A_5 = arith.muli %arg1, %mul3A_4 : i32
    %mul3A_6 = arith.constant 10000 : i32
    %mul3A_7 = arith.muli %add3A, %mul3A_6 : i32
    %mul3A_8 = arith.constant 10112 : i32
    %mul3A_9 = arith.muli %arg0, %mul3A_8 : i32
    %add3A_10 = arith.addi %mul3A_9, %mul3A_5 : i32
    %scan3A = arith.constant 0 : i32
    %scan3A_11 = arith.constant 0 : i32
    %scan3A_12 = arith.constant 80 : i32
    %scan3A_13 = arith.addi %scan3A_11, %scan3A_12 : i32
    %scan3A_14 = arith.constant 1 : i32
    scf.for %scan3A_51 = %scan3A_11 to %scan3A_13 step %scan3A_14  : i32 {
      %swap3A = arith.index_cast %scan3A_51 : i32 to index
      %swap3A_52 = arith.constant 0 : index
      %swap3A_53 = tpu.vector_load %arg6[%swap3A, %swap3A_52] {strides = array<i32>} : memref<80x128xf32, #tpu.memory_space<vmem>>, vector<1x16xf32>,
      %swap3A_54 = vector.shape_cast %swap3A_53 : vector<1x16xf32> to vector<16xf32>
      %swap3A_55 = vector.shape_cast %broadcast_in_dim3A_1 : vector<16xf32> to vector<1x16xf32>
      tpu.vector_store %arg6[%swap3A, %swap3A_52], %swap3A_55 {strides = array<i32>} : memref<80x128xf32, #tpu.memory_space<vmem>>, vector<1x16xf32>,
      %swap3A_56 = arith.index_cast %scan3A_51 : i32 to index
      %swap3A_57 = arith.constant 16 : index
      %swap3A_58 = tpu.vector_load %arg6[%swap3A_56, %swap3A_57] {strides = array<i32>} : memref<80x128xf32, #tpu.memory_space<vmem>>, vector<1x16xf32>,
      %swap3A_59 = vector.shape_cast %swap3A_58 : vector<1x16xf32> to vector<16xf32>
      %swap3A_60 = vector.shape_cast %broadcast_in_dim3A_1 : vector<16xf32> to vector<1x16xf32>
      tpu.vector_store %arg6[%swap3A_56, %swap3A_57], %swap3A_60 {strides = array<i32>} : memref<80x128xf32, #tpu.memory_space<vmem>>, vector<1x16xf32>,
      %swap3A_61 = arith.index_cast %scan3A_51 : i32 to index
      %swap3A_62 = arith.constant 32 : index
      %swap3A_63 = tpu.vector_load %arg6[%swap3A_61, %swap3A_62] {strides = array<i32>} : memref<80x128xf32, #tpu.memory_space<vmem>>, vector<1x16xf32>,
      %swap3A_64 = vector.shape_cast %swap3A_63 : vector<1x16xf32> to vector<16xf32>
      %swap3A_65 = vector.shape_cast %broadcast_in_dim3A_1 : vector<16xf32> to vector<1x16xf32>
      tpu.vector_store %arg6[%swap3A_61, %swap3A_62], %swap3A_65 {strides = array<i32>} : memref<80x128xf32, #tpu.memory_space<vmem>>, vector<1x16xf32>,
      %swap3A_66 = arith.index_cast %scan3A_51 : i32 to index
      %swap3A_67 = arith.constant 48 : index
      %swap3A_68 = tpu.vector_load %arg6[%swap3A_66, %swap3A_67] {strides = array<i32>} : memref<80x128xf32, #tpu.memory_space<vmem>>, vector<1x16xf32>,
      %swap3A_69 = vector.shape_cast %swap3A_68 : vector<1x16xf32> to vector<16xf32>
      %swap3A_70 = vector.shape_cast %broadcast_in_dim3A_1 : vector<16xf32> to vector<1x16xf32>
      tpu.vector_store %arg6[%swap3A_66, %swap3A_67], %swap3A_70 {strides = array<i32>} : memref<80x128xf32, #tpu.memory_space<vmem>>, vector<1x16xf32>,
      %swap3A_71 = arith.index_cast %scan3A_51 : i32 to index
      %swap3A_72 = arith.constant 64 : index
      %swap3A_73 = tpu.vector_load %arg6[%swap3A_71, %swap3A_72] {strides = array<i32>} : memref<80x128xf32, #tpu.memory_space<vmem>>, vector<1x16xf32>,
      %swap3A_74 = vector.shape_cast %swap3A_73 : vector<1x16xf32> to vector<16xf32>
      %swap3A_75 = vector.shape_cast %broadcast_in_dim3A_1 : vector<16xf32> to vector<1x16xf32>
      tpu.vector_store %arg6[%swap3A_71, %swap3A_72], %swap3A_75 {strides = array<i32>} : memref<80x128xf32, #tpu.memory_space<vmem>>, vector<1x16xf32>,
      %swap3A_76 = arith.index_cast %scan3A_51 : i32 to index
      %swap3A_77 = arith.constant 80 : index
      %swap3A_78 = tpu.vector_load %arg6[%swap3A_76, %swap3A_77] {strides = array<i32>} : memref<80x128xf32, #tpu.memory_space<vmem>>, vector<1x16xf32>,
      %swap3A_79 = vector.shape_cast %swap3A_78 : vector<1x16xf32> to vector<16xf32>
      %swap3A_80 = vector.shape_cast %broadcast_in_dim3A_1 : vector<16xf32> to vector<1x16xf32>
      tpu.vector_store %arg6[%swap3A_76, %swap3A_77], %swap3A_80 {strides = array<i32>} : memref<80x128xf32, #tpu.memory_space<vmem>>, vector<1x16xf32>,
      %swap3A_81 = arith.index_cast %scan3A_51 : i32 to index
      %swap3A_82 = arith.constant 96 : index
      %swap3A_83 = tpu.vector_load %arg6[%swap3A_81, %swap3A_82] {strides = array<i32>} : memref<80x128xf32, #tpu.memory_space<vmem>>, vector<1x16xf32>,
      %swap3A_84 = vector.shape_cast %swap3A_83 : vector<1x16xf32> to vector<16xf32>
      %swap3A_85 = vector.shape_cast %broadcast_in_dim3A_1 : vector<16xf32> to vector<1x16xf32>
      tpu.vector_store %arg6[%swap3A_81, %swap3A_82], %swap3A_85 {strides = array<i32>} : memref<80x128xf32, #tpu.memory_space<vmem>>, vector<1x16xf32>,
      %swap3A_86 = arith.index_cast %scan3A_51 : i32 to index
      %swap3A_87 = arith.constant 112 : index
      %swap3A_88 = tpu.vector_load %arg6[%swap3A_86, %swap3A_87] {strides = array<i32>} : memref<80x128xf32, #tpu.memory_space<vmem>>, vector<1x16xf32>,
      %swap3A_89 = vector.shape_cast %swap3A_88 : vector<1x16xf32> to vector<16xf32>
      %swap3A_90 = vector.shape_cast %broadcast_in_dim3A_1 : vector<16xf32> to vector<1x16xf32>
      tpu.vector_store %arg6[%swap3A_86, %swap3A_87], %swap3A_90 {strides = array<i32>} : memref<80x128xf32, #tpu.memory_space<vmem>>, vector<1x16xf32>,
    }
    %scan3A_15 = arith.constant 80 : i32
    %add3A_16 = arith.constant 0 : i32
    %add3A_17 = arith.addi %mul3A_5, %add3A_16 : i32
    "tpu.region"() ({
      %run_scoped3A = tpu.sem_alloc : memref<!tpu.dma_semaphore, #tpu.memory_space<semaphore_mem>>
      %dma_start3A_51 = arith.constant 0 : i32
      %dma_start3A_52 = tpu.memref_slice %arg7[%add3A_17, %dma_start3A_51] : memref<10112x128xf32, #tpu.memory_space<vmem_shared>> -> memref<80x128xf32, #tpu.memory_space<vmem_shared>>
      %dma_start3A_53 = arith.constant 0 : i32
      %dma_start3A_54 = tpu.memref_slice %arg7[%add3A_17, %dma_start3A_53] : memref<10112x128xf32, #tpu.memory_space<vmem_shared>> -> memref<80x128xf32, #tpu.memory_space<vmem_shared>>
      tpu.enqueue_dma source(%arg6 : memref<80x128xf32, #tpu.memory_space<vmem>>) target(%dma_start3A_54 : memref<80x128xf32, #tpu.memory_space<vmem_shared>>) target_semaphore(%run_scoped3A : memref<!tpu.dma_semaphore, #tpu.memory_space<semaphore_mem>>)
      %dma_wait3A_55 = arith.constant 0 : i32
      %dma_wait3A_56 = tpu.memref_slice %arg7[%add3A_17, %dma_wait3A_55] : memref<10112x128xf32, #tpu.memory_space<vmem_shared>> -> memref<80x128xf32, #tpu.memory_space<vmem_shared>>
      %dma_wait3A_57 = arith.constant 0 : i32
      %dma_wait3A_58 = tpu.memref_slice %arg7[%add3A_17, %dma_wait3A_57] : memref<10112x128xf32, #tpu.memory_space<vmem_shared>> -> memref<80x128xf32, #tpu.memory_space<vmem_shared>>
      tpu.wait_dma2 semaphore(%run_scoped3A : memref<!tpu.dma_semaphore, #tpu.memory_space<semaphore_mem>>) src(%arg6 : memref<80x128xf32, #tpu.memory_space<vmem>>) dst(%dma_wait3A_58 : memref<80x128xf32, #tpu.memory_space<vmem_shared>>)
      tpu.yield
    }) : () -> ()
    %add3A_18 = arith.constant 80 : i32
    %add3A_19 = arith.addi %mul3A_5, %add3A_18 : i32
    "tpu.region"() ({
      %run_scoped3A = tpu.sem_alloc : memref<!tpu.dma_semaphore, #tpu.memory_space<semaphore_mem>>
      %dma_start3A_51 = arith.constant 0 : i32
      %dma_start3A_52 = tpu.memref_slice %arg7[%add3A_19, %dma_start3A_51] : memref<10112x128xf32, #tpu.memory_space<vmem_shared>> -> memref<80x128xf32, #tpu.memory_space<vmem_shared>>
      %dma_start3A_53 = arith.constant 0 : i32
      %dma_start3A_54 = tpu.memref_slice %arg7[%add3A_19, %dma_start3A_53] : memref<10112x128xf32, #tpu.memory_space<vmem_shared>> -> memref<80x128xf32, #tpu.memory_space<vmem_shared>>
      tpu.enqueue_dma source(%arg6 : memref<80x128xf32, #tpu.memory_space<vmem>>) target(%dma_start3A_54 : memref<80x128xf32, #tpu.memory_space<vmem_shared>>) target_semaphore(%run_scoped3A : memref<!tpu.dma_semaphore, #tpu.memory_space<semaphore_mem>>)
      %dma_wait3A_55 = arith.constant 0 : i32
      %dma_wait3A_56 = tpu.memref_slice %arg7[%add3A_19, %dma_wait3A_55] : memref<10112x128xf32, #tpu.memory_space<vmem_shared>> -> memref<80x128xf32, #tpu.memory_space<vmem_shared>>
      %dma_wait3A_57 = arith.constant 0 : i32
      %dma_wait3A_58 = tpu.memref_slice %arg7[%add3A_19, %dma_wait3A_57] : memref<10112x128xf32, #tpu.memory_space<vmem_shared>> -> memref<80x128xf32, #tpu.memory_space<vmem_shared>>
      tpu.wait_dma2 semaphore(%run_scoped3A : memref<!tpu.dma_semaphore, #tpu.memory_space<semaphore_mem>>) src(%arg6 : memref<80x128xf32, #tpu.memory_space<vmem>>) dst(%dma_wait3A_58 : memref<80x128xf32, #tpu.memory_space<vmem_shared>>)
      tpu.yield
    }) : () -> ()
    %add3A_20 = arith.constant 160 : i32
    %add3A_21 = arith.addi %mul3A_5, %add3A_20 : i32
    "tpu.region"() ({
      %run_scoped3A = tpu.sem_alloc : memref<!tpu.dma_semaphore, #tpu.memory_space<semaphore_mem>>
      %dma_start3A_51 = arith.constant 0 : i32
      %dma_start3A_52 = tpu.memref_slice %arg7[%add3A_21, %dma_start3A_51] : memref<10112x128xf32, #tpu.memory_space<vmem_shared>> -> memref<80x128xf32, #tpu.memory_space<vmem_shared>>
      %dma_start3A_53 = arith.constant 0 : i32
      %dma_start3A_54 = tpu.memref_slice %arg7[%add3A_21, %dma_start3A_53] : memref<10112x128xf32, #tpu.memory_space<vmem_shared>> -> memref<80x128xf32, #tpu.memory_space<vmem_shared>>
      tpu.enqueue_dma source(%arg6 : memref<80x128xf32, #tpu.memory_space<vmem>>) target(%dma_start3A_54 : memref<80x128xf32, #tpu.memory_space<vmem_shared>>) target_semaphore(%run_scoped3A : memref<!tpu.dma_semaphore, #tpu.memory_space<semaphore_mem>>)
      %dma_wait3A_55 = arith.constant 0 : i32
      %dma_wait3A_56 = tpu.memref_slice %arg7[%add3A_21, %dma_wait3A_55] : memref<10112x128xf32, #tpu.memory_space<vmem_shared>> -> memref<80x128xf32, #tpu.memory_space<vmem_shared>>
      %dma_wait3A_57 = arith.constant 0 : i32
      %dma_wait3A_58 = tpu.memref_slice %arg7[%add3A_21, %dma_wait3A_57] : memref<10112x128xf32, #tpu.memory_space<vmem_shared>> -> memref<80x128xf32, #tpu.memory_space<vmem_shared>>
      tpu.wait_dma2 semaphore(%run_scoped3A : memref<!tpu.dma_semaphore, #tpu.memory_space<semaphore_mem>>) src(%arg6 : memref<80x128xf32, #tpu.memory_space<vmem>>) dst(%dma_wait3A_58 : memref<80x128xf32, #tpu.memory_space<vmem_shared>>)
      tpu.yield
    }) : () -> ()
    %add3A_22 = arith.constant 240 : i32
    %add3A_23 = arith.addi %mul3A_5, %add3A_22 : i32
    "tpu.region"() ({
      %run_scoped3A = tpu.sem_alloc : memref<!tpu.dma_semaphore, #tpu.memory_space<semaphore_mem>>
      %dma_start3A_51 = arith.constant 0 : i32
      %dma_start3A_52 = tpu.memref_slice %arg7[%add3A_23, %dma_start3A_51] : memref<10112x128xf32, #tpu.memory_space<vmem_shared>> -> memref<80x128xf32, #tpu.memory_space<vmem_shared>>
      %dma_start3A_53 = arith.constant 0 : i32
      %dma_start3A_54 = tpu.memref_slice %arg7[%add3A_23, %dma_start3A_53] : memref<10112x128xf32, #tpu.memory_space<vmem_shared>> -> memref<80x128xf32, #tpu.memory_space<vmem_shared>>
      tpu.enqueue_dma source(%arg6 : memref<80x128xf32, #tpu.memory_space<vmem>>) target(%dma_start3A_54 : memref<80x128xf32, #tpu.memory_space<vmem_shared>>) target_semaphore(%run_scoped3A : memref<!tpu.dma_semaphore, #tpu.memory_space<semaphore_mem>>)
      %dma_wait3A_55 = arith.constant 0 : i32
      %dma_wait3A_56 = tpu.memref_slice %arg7[%add3A_23, %dma_wait3A_55] : memref<10112x128xf32, #tpu.memory_space<vmem_shared>> -> memref<80x128xf32, #tpu.memory_space<vmem_shared>>
      %dma_wait3A_57 = arith.constant 0 : i32
      %dma_wait3A_58 = tpu.memref_slice %arg7[%add3A_23, %dma_wait3A_57] : memref<10112x128xf32, #tpu.memory_space<vmem_shared>> -> memref<80x128xf32, #tpu.memory_space<vmem_shared>>
      tpu.wait_dma2 semaphore(%run_scoped3A : memref<!tpu.dma_semaphore, #tpu.memory_space<semaphore_mem>>) src(%arg6 : memref<80x128xf32, #tpu.memory_space<vmem>>) dst(%dma_wait3A_58 : memref<80x128xf32, #tpu.memory_space<vmem_shared>>)
      tpu.yield
    }) : () -> ()
    %add3A_24 = arith.constant 320 : i32
    %add3A_25 = arith.addi %mul3A_5, %add3A_24 : i32
    "tpu.region"() ({
      %run_scoped3A = tpu.sem_alloc : memref<!tpu.dma_semaphore, #tpu.memory_space<semaphore_mem>>
      %dma_start3A_51 = arith.constant 0 : i32
      %dma_start3A_52 = tpu.memref_slice %arg7[%add3A_25, %dma_start3A_51] : memref<10112x128xf32, #tpu.memory_space<vmem_shared>> -> memref<80x128xf32, #tpu.memory_space<vmem_shared>>
      %dma_start3A_53 = arith.constant 0 : i32
      %dma_start3A_54 = tpu.memref_slice %arg7[%add3A_25, %dma_start3A_53] : memref<10112x128xf32, #tpu.memory_space<vmem_shared>> -> memref<80x128xf32, #tpu.memory_space<vmem_shared>>
      tpu.enqueue_dma source(%arg6 : memref<80x128xf32, #tpu.memory_space<vmem>>) target(%dma_start3A_54 : memref<80x128xf32, #tpu.memory_space<vmem_shared>>) target_semaphore(%run_scoped3A : memref<!tpu.dma_semaphore, #tpu.memory_space<semaphore_mem>>)
      %dma_wait3A_55 = arith.constant 0 : i32
      %dma_wait3A_56 = tpu.memref_slice %arg7[%add3A_25, %dma_wait3A_55] : memref<10112x128xf32, #tpu.memory_space<vmem_shared>> -> memref<80x128xf32, #tpu.memory_space<vmem_shared>>
      %dma_wait3A_57 = arith.constant 0 : i32
      %dma_wait3A_58 = tpu.memref_slice %arg7[%add3A_25, %dma_wait3A_57] : memref<10112x128xf32, #tpu.memory_space<vmem_shared>> -> memref<80x128xf32, #tpu.memory_space<vmem_shared>>
      tpu.wait_dma2 semaphore(%run_scoped3A : memref<!tpu.dma_semaphore, #tpu.memory_space<semaphore_mem>>) src(%arg6 : memref<80x128xf32, #tpu.memory_space<vmem>>) dst(%dma_wait3A_58 : memref<80x128xf32, #tpu.memory_space<vmem_shared>>)
      tpu.yield
    }) : () -> ()
    %add3A_26 = arith.constant 400 : i32
    %add3A_27 = arith.addi %mul3A_5, %add3A_26 : i32
    "tpu.region"() ({
      %run_scoped3A = tpu.sem_alloc : memref<!tpu.dma_semaphore, #tpu.memory_space<semaphore_mem>>
      %dma_start3A_51 = arith.constant 0 : i32
      %dma_start3A_52 = tpu.memref_slice %arg7[%add3A_27, %dma_start3A_51] : memref<10112x128xf32, #tpu.memory_space<vmem_shared>> -> memref<80x128xf32, #tpu.memory_space<vmem_shared>>
      %dma_start3A_53 = arith.constant 0 : i32
      %dma_start3A_54 = tpu.memref_slice %arg7[%add3A_27, %dma_start3A_53] : memref<10112x128xf32, #tpu.memory_space<vmem_shared>> -> memref<80x128xf32, #tpu.memory_space<vmem_shared>>
      tpu.enqueue_dma source(%arg6 : memref<80x128xf32, #tpu.memory_space<vmem>>) target(%dma_start3A_54 : memref<80x128xf32, #tpu.memory_space<vmem_shared>>) target_semaphore(%run_scoped3A : memref<!tpu.dma_semaphore, #tpu.memory_space<semaphore_mem>>)
      %dma_wait3A_55 = arith.constant 0 : i32
      %dma_wait3A_56 = tpu.memref_slice %arg7[%add3A_27, %dma_wait3A_55] : memref<10112x128xf32, #tpu.memory_space<vmem_shared>> -> memref<80x128xf32, #tpu.memory_space<vmem_shared>>
      %dma_wait3A_57 = arith.constant 0 : i32
      %dma_wait3A_58 = tpu.memref_slice %arg7[%add3A_27, %dma_wait3A_57] : memref<10112x128xf32, #tpu.memory_space<vmem_shared>> -> memref<80x128xf32, #tpu.memory_space<vmem_shared>>
      tpu.wait_dma2 semaphore(%run_scoped3A : memref<!tpu.dma_semaphore, #tpu.memory_space<semaphore_mem>>) src(%arg6 : memref<80x128xf32, #tpu.memory_space<vmem>>) dst(%dma_wait3A_58 : memref<80x128xf32, #tpu.memory_space<vmem_shared>>)
      tpu.yield
    }) : () -> ()
    %add3A_28 = arith.constant 480 : i32
    %add3A_29 = arith.addi %mul3A_5, %add3A_28 : i32
    "tpu.region"() ({
      %run_scoped3A = tpu.sem_alloc : memref<!tpu.dma_semaphore, #tpu.memory_space<semaphore_mem>>
      %dma_start3A_51 = arith.constant 0 : i32
      %dma_start3A_52 = tpu.memref_slice %arg7[%add3A_29, %dma_start3A_51] : memref<10112x128xf32, #tpu.memory_space<vmem_shared>> -> memref<80x128xf32, #tpu.memory_space<vmem_shared>>
      %dma_start3A_53 = arith.constant 0 : i32
      %dma_start3A_54 = tpu.memref_slice %arg7[%add3A_29, %dma_start3A_53] : memref<10112x128xf32, #tpu.memory_space<vmem_shared>> -> memref<80x128xf32, #tpu.memory_space<vmem_shared>>
      tpu.enqueue_dma source(%arg6 : memref<80x128xf32, #tpu.memory_space<vmem>>) target(%dma_start3A_54 : memref<80x128xf32, #tpu.memory_space<vmem_shared>>) target_semaphore(%run_scoped3A : memref<!tpu.dma_semaphore, #tpu.memory_space<semaphore_mem>>)
      %dma_wait3A_55 = arith.constant 0 : i32
      %dma_wait3A_56 = tpu.memref_slice %arg7[%add3A_29, %dma_wait3A_55] : memref<10112x128xf32, #tpu.memory_space<vmem_shared>> -> memref<80x128xf32, #tpu.memory_space<vmem_shared>>
      %dma_wait3A_57 = arith.constant 0 : i32
      %dma_wait3A_58 = tpu.memref_slice %arg7[%add3A_29, %dma_wait3A_57] : memref<10112x128xf32, #tpu.memory_space<vmem_shared>> -> memref<80x128xf32, #tpu.memory_space<vmem_shared>>
      tpu.wait_dma2 semaphore(%run_scoped3A : memref<!tpu.dma_semaphore, #tpu.memory_space<semaphore_mem>>) src(%arg6 : memref<80x128xf32, #tpu.memory_space<vmem>>) dst(%dma_wait3A_58 : memref<80x128xf32, #tpu.memory_space<vmem_shared>>)
      tpu.yield
    }) : () -> ()
    %add3A_30 = arith.constant 560 : i32
    %add3A_31 = arith.addi %mul3A_5, %add3A_30 : i32
    "tpu.region"() ({
      %run_scoped3A = tpu.sem_alloc : memref<!tpu.dma_semaphore, #tpu.memory_space<semaphore_mem>>
      %dma_start3A_51 = arith.constant 0 : i32
      %dma_start3A_52 = arith.constant 0 : i32
      %dma_start3A_53 = tpu.memref_slice %arg6[%dma_start3A_51, %dma_start3A_52] : memref<80x128xf32, #tpu.memory_space<vmem>> -> memref<72x128xf32, #tpu.memory_space<vmem>>
      %dma_start3A_54 = arith.constant 0 : i32
      %dma_start3A_55 = tpu.memref_slice %arg7[%add3A_31, %dma_start3A_54] : memref<10112x128xf32, #tpu.memory_space<vmem_shared>> -> memref<72x128xf32, #tpu.memory_space<vmem_shared>>
      %dma_start3A_56 = arith.constant 0 : i32
      %dma_start3A_57 = tpu.memref_slice %arg7[%add3A_31, %dma_start3A_56] : memref<10112x128xf32, #tpu.memory_space<vmem_shared>> -> memref<72x128xf32, #tpu.memory_space<vmem_shared>>
      %dma_start3A_58 = arith.constant 0 : i32
      %dma_start3A_59 = arith.constant 0 : i32
      %dma_start3A_60 = tpu.memref_slice %arg6[%dma_start3A_58, %dma_start3A_59] : memref<80x128xf32, #tpu.memory_space<vmem>> -> memref<72x128xf32, #tpu.memory_space<vmem>>
      tpu.enqueue_dma source(%dma_start3A_60 : memref<72x128xf32, #tpu.memory_space<vmem>>) target(%dma_start3A_57 : memref<72x128xf32, #tpu.memory_space<vmem_shared>>) target_semaphore(%run_scoped3A : memref<!tpu.dma_semaphore, #tpu.memory_space<semaphore_mem>>)
      %dma_wait3A_61 = arith.constant 0 : i32
      %dma_wait3A_62 = arith.constant 0 : i32
      %dma_wait3A_63 = tpu.memref_slice %arg6[%dma_wait3A_61, %dma_wait3A_62] : memref<80x128xf32, #tpu.memory_space<vmem>> -> memref<72x128xf32, #tpu.memory_space<vmem>>
      %dma_wait3A_64 = arith.constant 0 : i32
      %dma_wait3A_65 = tpu.memref_slice %arg7[%add3A_31, %dma_wait3A_64] : memref<10112x128xf32, #tpu.memory_space<vmem_shared>> -> memref<72x128xf32, #tpu.memory_space<vmem_shared>>
      %dma_wait3A_66 = arith.constant 0 : i32
      %dma_wait3A_67 = tpu.memref_slice %arg7[%add3A_31, %dma_wait3A_66] : memref<10112x128xf32, #tpu.memory_space<vmem_shared>> -> memref<72x128xf32, #tpu.memory_space<vmem_shared>>
      %dma_wait3A_68 = arith.constant 0 : i32
      %dma_wait3A_69 = arith.constant 0 : i32
      %dma_wait3A_70 = tpu.memref_slice %arg6[%dma_wait3A_68, %dma_wait3A_69] : memref<80x128xf32, #tpu.memory_space<vmem>> -> memref<72x128xf32, #tpu.memory_space<vmem>>
      tpu.wait_dma2 semaphore(%run_scoped3A : memref<!tpu.dma_semaphore, #tpu.memory_space<semaphore_mem>>) src(%dma_wait3A_70 : memref<72x128xf32, #tpu.memory_space<vmem>>) dst(%dma_wait3A_67 : memref<72x128xf32, #tpu.memory_space<vmem_shared>>)
      tpu.yield
    }) : () -> ()
    %barrier3A = arith.constant 0 : index
    tpu.barrier barrier_id(%barrier3A)
    %scan3A_32 = arith.constant 0 : i32
    %scan3A_33 = arith.constant 0 : i32
    %scan3A_34 = arith.constant 80 : i32
    %scan3A_35 = arith.addi %scan3A_33, %scan3A_34 : i32
    %scan3A_36 = arith.constant 1 : i32
    scf.for %scan3A_51 = %scan3A_33 to %scan3A_35 step %scan3A_36  : i32 {
      %swap3A = arith.index_cast %scan3A_51 : i32 to index
      %swap3A_52 = arith.constant 0 : index
      %swap3A_53 = tpu.vector_load %arg6[%swap3A, %swap3A_52] {strides = array<i32>} : memref<80x128xf32, #tpu.memory_space<vmem>>, vector<1x16xf32>,
      %swap3A_54 = vector.shape_cast %swap3A_53 : vector<1x16xf32> to vector<16xf32>
      %swap3A_55 = vector.shape_cast %broadcast_in_dim3A_3 : vector<16xf32> to vector<1x16xf32>
      tpu.vector_store %arg6[%swap3A, %swap3A_52], %swap3A_55 {strides = array<i32>} : memref<80x128xf32, #tpu.memory_space<vmem>>, vector<1x16xf32>,
      %swap3A_56 = arith.index_cast %scan3A_51 : i32 to index
      %swap3A_57 = arith.constant 16 : index
      %swap3A_58 = tpu.vector_load %arg6[%swap3A_56, %swap3A_57] {strides = array<i32>} : memref<80x128xf32, #tpu.memory_space<vmem>>, vector<1x16xf32>,
      %swap3A_59 = vector.shape_cast %swap3A_58 : vector<1x16xf32> to vector<16xf32>
      %swap3A_60 = vector.shape_cast %broadcast_in_dim3A_3 : vector<16xf32> to vector<1x16xf32>
      tpu.vector_store %arg6[%swap3A_56, %swap3A_57], %swap3A_60 {strides = array<i32>} : memref<80x128xf32, #tpu.memory_space<vmem>>, vector<1x16xf32>,
      %swap3A_61 = arith.index_cast %scan3A_51 : i32 to index
      %swap3A_62 = arith.constant 32 : index
      %swap3A_63 = tpu.vector_load %arg6[%swap3A_61, %swap3A_62] {strides = array<i32>} : memref<80x128xf32, #tpu.memory_space<vmem>>, vector<1x16xf32>,
      %swap3A_64 = vector.shape_cast %swap3A_63 : vector<1x16xf32> to vector<16xf32>
      %swap3A_65 = vector.shape_cast %broadcast_in_dim3A_3 : vector<16xf32> to vector<1x16xf32>
      tpu.vector_store %arg6[%swap3A_61, %swap3A_62], %swap3A_65 {strides = array<i32>} : memref<80x128xf32, #tpu.memory_space<vmem>>, vector<1x16xf32>,
      %swap3A_66 = arith.index_cast %scan3A_51 : i32 to index
      %swap3A_67 = arith.constant 48 : index
      %swap3A_68 = tpu.vector_load %arg6[%swap3A_66, %swap3A_67] {strides = array<i32>} : memref<80x128xf32, #tpu.memory_space<vmem>>, vector<1x16xf32>,
      %swap3A_69 = vector.shape_cast %swap3A_68 : vector<1x16xf32> to vector<16xf32>
      %swap3A_70 = vector.shape_cast %broadcast_in_dim3A_3 : vector<16xf32> to vector<1x16xf32>
      tpu.vector_store %arg6[%swap3A_66, %swap3A_67], %swap3A_70 {strides = array<i32>} : memref<80x128xf32, #tpu.memory_space<vmem>>, vector<1x16xf32>,
      %swap3A_71 = arith.index_cast %scan3A_51 : i32 to index
      %swap3A_72 = arith.constant 64 : index
      %swap3A_73 = tpu.vector_load %arg6[%swap3A_71, %swap3A_72] {strides = array<i32>} : memref<80x128xf32, #tpu.memory_space<vmem>>, vector<1x16xf32>,
      %swap3A_74 = vector.shape_cast %swap3A_73 : vector<1x16xf32> to vector<16xf32>
      %swap3A_75 = vector.shape_cast %broadcast_in_dim3A_3 : vector<16xf32> to vector<1x16xf32>
      tpu.vector_store %arg6[%swap3A_71, %swap3A_72], %swap3A_75 {strides = array<i32>} : memref<80x128xf32, #tpu.memory_space<vmem>>, vector<1x16xf32>,
      %swap3A_76 = arith.index_cast %scan3A_51 : i32 to index
      %swap3A_77 = arith.constant 80 : index
      %swap3A_78 = tpu.vector_load %arg6[%swap3A_76, %swap3A_77] {strides = array<i32>} : memref<80x128xf32, #tpu.memory_space<vmem>>, vector<1x16xf32>,
      %swap3A_79 = vector.shape_cast %swap3A_78 : vector<1x16xf32> to vector<16xf32>
      %swap3A_80 = vector.shape_cast %broadcast_in_dim3A_3 : vector<16xf32> to vector<1x16xf32>
      tpu.vector_store %arg6[%swap3A_76, %swap3A_77], %swap3A_80 {strides = array<i32>} : memref<80x128xf32, #tpu.memory_space<vmem>>, vector<1x16xf32>,
      %swap3A_81 = arith.index_cast %scan3A_51 : i32 to index
      %swap3A_82 = arith.constant 96 : index
      %swap3A_83 = tpu.vector_load %arg6[%swap3A_81, %swap3A_82] {strides = array<i32>} : memref<80x128xf32, #tpu.memory_space<vmem>>, vector<1x16xf32>,
      %swap3A_84 = vector.shape_cast %swap3A_83 : vector<1x16xf32> to vector<16xf32>
      %swap3A_85 = vector.shape_cast %broadcast_in_dim3A_3 : vector<16xf32> to vector<1x16xf32>
      tpu.vector_store %arg6[%swap3A_81, %swap3A_82], %swap3A_85 {strides = array<i32>} : memref<80x128xf32, #tpu.memory_space<vmem>>, vector<1x16xf32>,
      %swap3A_86 = arith.index_cast %scan3A_51 : i32 to index
      %swap3A_87 = arith.constant 112 : index
      %swap3A_88 = tpu.vector_load %arg6[%swap3A_86, %swap3A_87] {strides = array<i32>} : memref<80x128xf32, #tpu.memory_space<vmem>>, vector<1x16xf32>,
      %swap3A_89 = vector.shape_cast %swap3A_88 : vector<1x16xf32> to vector<16xf32>
      %swap3A_90 = vector.shape_cast %broadcast_in_dim3A_3 : vector<16xf32> to vector<1x16xf32>
      tpu.vector_store %arg6[%swap3A_86, %swap3A_87], %swap3A_90 {strides = array<i32>} : memref<80x128xf32, #tpu.memory_space<vmem>>, vector<1x16xf32>,
    }
    %scan3A_37 = arith.constant 80 : i32
    "tpu.region"() ({
      %run_scoped3A = tpu.sem_alloc : memref<!tpu.dma_semaphore, #tpu.memory_space<semaphore_mem>>
      %dma_start3A_51 = tpu.memref_slice %arg2[%mul3A_7] : memref<320000xi32, #tpu.memory_space<hbm>> -> memref<80xi32, #tpu.memory_space<hbm>>
      %dma_start3A_52 = tpu.memref_slice %arg2[%mul3A_7] : memref<320000xi32, #tpu.memory_space<hbm>> -> memref<80xi32, #tpu.memory_space<hbm>>
      tpu.enqueue_dma source(%dma_start3A_52 : memref<80xi32, #tpu.memory_space<hbm>>) target(%arg4 : memref<80xi32, #tpu.memory_space<vmem>>) target_semaphore(%run_scoped3A : memref<!tpu.dma_semaphore, #tpu.memory_space<semaphore_mem>>)
      %dma_wait3A_53 = tpu.memref_slice %arg2[%mul3A_7] : memref<320000xi32, #tpu.memory_space<hbm>> -> memref<80xi32, #tpu.memory_space<hbm>>
      %dma_wait3A_54 = tpu.memref_slice %arg2[%mul3A_7] : memref<320000xi32, #tpu.memory_space<hbm>> -> memref<80xi32, #tpu.memory_space<hbm>>
      tpu.wait_dma2 semaphore(%run_scoped3A : memref<!tpu.dma_semaphore, #tpu.memory_space<semaphore_mem>>) src(%dma_wait3A_54 : memref<80xi32, #tpu.memory_space<hbm>>) dst(%arg4 : memref<80xi32, #tpu.memory_space<vmem>>)
      tpu.yield
    }) : () -> ()
    %scan3A_38 = arith.constant 0 : i32
    %scan3A_39 = arith.constant 0 : i32
    %scan3A_40 = arith.constant 62 : i32
    %scan3A_41 = arith.addi %scan3A_39, %scan3A_40 : i32
    %scan3A_42 = arith.constant 1 : i32
    scf.for %scan3A_51 = %scan3A_39 to %scan3A_41 step %scan3A_42  : i32 {
      %mul3A_52 = arith.constant 2 : i32
      %mul3A_53 = arith.muli %mul3A_52, %scan3A_51 : i32
      %mul3A_54 = arith.constant 80 : i32
      %mul3A_55 = arith.muli %mul3A_53, %mul3A_54 : i32
      %add3A_56 = arith.addi %mul3A_7, %mul3A_55 : i32
      %dma_start3A_57 = arith.constant 0 : i32
      %dma_start3A_58 = arith.constant 0 : i32
      %dma_start3A_59 = tpu.memref_slice %arg7[%dma_start3A_57, %dma_start3A_58] : memref<10112x128xf32, #tpu.memory_space<vmem_shared>> -> memref<10112x128xf32, #tpu.memory_space<vmem_shared>>
      tpu.enqueue_indirect_dma source(%arg6 : memref<80x128xf32, #tpu.memory_space<vmem>>) target(%dma_start3A_59 : memref<10112x128xf32, #tpu.memory_space<vmem_shared>>) offsets(%arg4 : memref<80xi32, #tpu.memory_space<vmem>>) semaphore(%arg8 : memref<!tpu.dma_semaphore, #tpu.memory_space<semaphore_mem>>) {add = true}
      %add3A_60 = arith.constant 80 : i32
      %add3A_61 = arith.addi %add3A_56, %add3A_60 : i32
      "tpu.region"() ({
        %run_scoped3A = tpu.sem_alloc : memref<!tpu.dma_semaphore, #tpu.memory_space<semaphore_mem>>
        %dma_start3A_73 = tpu.memref_slice %arg2[%add3A_61] : memref<320000xi32, #tpu.memory_space<hbm>> -> memref<80xi32, #tpu.memory_space<hbm>>
        %dma_start3A_74 = tpu.memref_slice %arg2[%add3A_61] : memref<320000xi32, #tpu.memory_space<hbm>> -> memref<80xi32, #tpu.memory_space<hbm>>
        tpu.enqueue_dma source(%dma_start3A_74 : memref<80xi32, #tpu.memory_space<hbm>>) target(%arg5 : memref<80xi32, #tpu.memory_space<vmem>>) target_semaphore(%run_scoped3A : memref<!tpu.dma_semaphore, #tpu.memory_space<semaphore_mem>>)
        %dma_wait3A_75 = tpu.memref_slice %arg2[%add3A_61] : memref<320000xi32, #tpu.memory_space<hbm>> -> memref<80xi32, #tpu.memory_space<hbm>>
        %dma_wait3A_76 = tpu.memref_slice %arg2[%add3A_61] : memref<320000xi32, #tpu.memory_space<hbm>> -> memref<80xi32, #tpu.memory_space<hbm>>
        tpu.wait_dma2 semaphore(%run_scoped3A : memref<!tpu.dma_semaphore, #tpu.memory_space<semaphore_mem>>) src(%dma_wait3A_76 : memref<80xi32, #tpu.memory_space<hbm>>) dst(%arg5 : memref<80xi32, #tpu.memory_space<vmem>>)
        tpu.yield
      }) : () -> ()
      %dma_wait3A_62 = arith.constant 0 : i32
      %dma_wait3A_63 = arith.constant 0 : i32
      %dma_wait3A_64 = tpu.memref_slice %arg7[%dma_wait3A_62, %dma_wait3A_63] : memref<10112x128xf32, #tpu.memory_space<vmem_shared>> -> memref<10112x128xf32, #tpu.memory_space<vmem_shared>>
      tpu.wait_indirect_dma semaphore(%arg8 : memref<!tpu.dma_semaphore, #tpu.memory_space<semaphore_mem>>) src(%arg6 : memref<80x128xf32, #tpu.memory_space<vmem>>) dst(%dma_wait3A_64 : memref<10112x128xf32, #tpu.memory_space<vmem_shared>>)
      %dma_start3A_65 = arith.constant 0 : i32
      %dma_start3A_66 = arith.constant 0 : i32
      %dma_start3A_67 = tpu.memref_slice %arg7[%dma_start3A_65, %dma_start3A_66] : memref<10112x128xf32, #tpu.memory_space<vmem_shared>> -> memref<10112x128xf32, #tpu.memory_space<vmem_shared>>
      tpu.enqueue_indirect_dma source(%arg6 : memref<80x128xf32, #tpu.memory_space<vmem>>) target(%dma_start3A_67 : memref<10112x128xf32, #tpu.memory_space<vmem_shared>>) offsets(%arg5 : memref<80xi32, #tpu.memory_space<vmem>>) semaphore(%arg8 : memref<!tpu.dma_semaphore, #tpu.memory_space<semaphore_mem>>) {add = true}
      %lt3A = arith.constant 61 : i32
      %lt3A_68 = arith.cmpi slt, %scan3A_51, %lt3A : i32
      %convert_element_type3A = arith.extui %lt3A_68 : i1 to i32
      %cond3A = arith.constant 0 : i32
      %cond3A_69 = arith.cmpi ne, %convert_element_type3A, %cond3A : i32
      scf.if %cond3A_69 {
        %add3A_73 = arith.constant 160 : i32
        %add3A_74 = arith.addi %add3A_56, %add3A_73 : i32
        "tpu.region"() ({
          %run_scoped3A = tpu.sem_alloc : memref<!tpu.dma_semaphore, #tpu.memory_space<semaphore_mem>>
          %dma_start3A_75 = tpu.memref_slice %arg2[%add3A_74] : memref<320000xi32, #tpu.memory_space<hbm>> -> memref<80xi32, #tpu.memory_space<hbm>>
          %dma_start3A_76 = tpu.memref_slice %arg2[%add3A_74] : memref<320000xi32, #tpu.memory_space<hbm>> -> memref<80xi32, #tpu.memory_space<hbm>>
          tpu.enqueue_dma source(%dma_start3A_76 : memref<80xi32, #tpu.memory_space<hbm>>) target(%arg4 : memref<80xi32, #tpu.memory_space<vmem>>) target_semaphore(%run_scoped3A : memref<!tpu.dma_semaphore, #tpu.memory_space<semaphore_mem>>)
          %dma_wait3A_77 = tpu.memref_slice %arg2[%add3A_74] : memref<320000xi32, #tpu.memory_space<hbm>> -> memref<80xi32, #tpu.memory_space<hbm>>
          %dma_wait3A_78 = tpu.memref_slice %arg2[%add3A_74] : memref<320000xi32, #tpu.memory_space<hbm>> -> memref<80xi32, #tpu.memory_space<hbm>>
          tpu.wait_dma2 semaphore(%run_scoped3A : memref<!tpu.dma_semaphore, #tpu.memory_space<semaphore_mem>>) src(%dma_wait3A_78 : memref<80xi32, #tpu.memory_space<hbm>>) dst(%arg4 : memref<80xi32, #tpu.memory_space<vmem>>)
          tpu.yield
        }) : () -> ()
      } else {
      }
      %dma_wait3A_70 = arith.constant 0 : i32
      %dma_wait3A_71 = arith.constant 0 : i32
      %dma_wait3A_72 = tpu.memref_slice %arg7[%dma_wait3A_70, %dma_wait3A_71] : memref<10112x128xf32, #tpu.memory_space<vmem_shared>> -> memref<10112x128xf32, #tpu.memory_space<vmem_shared>>
      tpu.wait_indirect_dma semaphore(%arg8 : memref<!tpu.dma_semaphore, #tpu.memory_space<semaphore_mem>>) src(%arg6 : memref<80x128xf32, #tpu.memory_space<vmem>>) dst(%dma_wait3A_72 : memref<10112x128xf32, #tpu.memory_space<vmem_shared>>)
    }
    %scan3A_43 = arith.constant 62 : i32
    %add3A_44 = arith.constant 9920 : i32
    %add3A_45 = arith.addi %mul3A_7, %add3A_44 : i32
    "tpu.region"() ({
      %run_scoped3A = tpu.sem_alloc : memref<!tpu.dma_semaphore, #tpu.memory_space<semaphore_mem>>
      %dma_start3A_51 = tpu.memref_slice %arg2[%add3A_45] : memref<320000xi32, #tpu.memory_space<hbm>> -> memref<80xi32, #tpu.memory_space<hbm>>
      %dma_start3A_52 = tpu.memref_slice %arg2[%add3A_45] : memref<320000xi32, #tpu.memory_space<hbm>> -> memref<80xi32, #tpu.memory_space<hbm>>
      tpu.enqueue_dma source(%dma_start3A_52 : memref<80xi32, #tpu.memory_space<hbm>>) target(%arg4 : memref<80xi32, #tpu.memory_space<vmem>>) target_semaphore(%run_scoped3A : memref<!tpu.dma_semaphore, #tpu.memory_space<semaphore_mem>>)
      %dma_wait3A_53 = tpu.memref_slice %arg2[%add3A_45] : memref<320000xi32, #tpu.memory_space<hbm>> -> memref<80xi32, #tpu.memory_space<hbm>>
      %dma_wait3A_54 = tpu.memref_slice %arg2[%add3A_45] : memref<320000xi32, #tpu.memory_space<hbm>> -> memref<80xi32, #tpu.memory_space<hbm>>
      tpu.wait_dma2 semaphore(%run_scoped3A : memref<!tpu.dma_semaphore, #tpu.memory_space<semaphore_mem>>) src(%dma_wait3A_54 : memref<80xi32, #tpu.memory_space<hbm>>) dst(%arg4 : memref<80xi32, #tpu.memory_space<vmem>>)
      tpu.yield
    }) : () -> ()
    %dma_start3A = arith.constant 0 : i32
    %dma_start3A_46 = arith.constant 0 : i32
    %dma_start3A_47 = tpu.memref_slice %arg7[%dma_start3A, %dma_start3A_46] : memref<10112x128xf32, #tpu.memory_space<vmem_shared>> -> memref<10112x128xf32, #tpu.memory_space<vmem_shared>>
    tpu.enqueue_indirect_dma source(%arg6 : memref<80x128xf32, #tpu.memory_space<vmem>>) target(%dma_start3A_47 : memref<10112x128xf32, #tpu.memory_space<vmem_shared>>) offsets(%arg4 : memref<80xi32, #tpu.memory_space<vmem>>) semaphore(%arg8 : memref<!tpu.dma_semaphore, #tpu.memory_space<semaphore_mem>>) {add = true}
    %dma_wait3A = arith.constant 0 : i32
    %dma_wait3A_48 = arith.constant 0 : i32
    %dma_wait3A_49 = tpu.memref_slice %arg7[%dma_wait3A, %dma_wait3A_48] : memref<10112x128xf32, #tpu.memory_space<vmem_shared>> -> memref<10112x128xf32, #tpu.memory_space<vmem_shared>>
    tpu.wait_indirect_dma semaphore(%arg8 : memref<!tpu.dma_semaphore, #tpu.memory_space<semaphore_mem>>) src(%arg6 : memref<80x128xf32, #tpu.memory_space<vmem>>) dst(%dma_wait3A_49 : memref<10112x128xf32, #tpu.memory_space<vmem_shared>>)
    %barrier3A_50 = arith.constant 0 : index
    tpu.barrier barrier_id(%barrier3A_50)
    "tpu.region"() ({
      %run_scoped3A = tpu.sem_alloc : memref<!tpu.dma_semaphore, #tpu.memory_space<semaphore_mem>>
      %dma_start3A_51 = arith.constant 0 : i32
      %dma_start3A_52 = tpu.memref_slice %arg3[%add3A_10, %dma_start3A_51] : memref<20224x128xf32, #tpu.memory_space<hbm>> -> memref<632x128xf32, #tpu.memory_space<hbm>>
      %dma_start3A_53 = arith.constant 0 : i32
      %dma_start3A_54 = tpu.memref_slice %arg7[%mul3A_5, %dma_start3A_53] : memref<10112x128xf32, #tpu.memory_space<vmem_shared>> -> memref<632x128xf32, #tpu.memory_space<vmem_shared>>
      tpu.enqueue_dma source(%dma_start3A_54 : memref<632x128xf32, #tpu.memory_space<vmem_shared>>) target(%dma_start3A_52 : memref<632x128xf32, #tpu.memory_space<hbm>>) target_semaphore(%run_scoped3A : memref<!tpu.dma_semaphore, #tpu.memory_space<semaphore_mem>>)
      %dma_wait3A_55 = arith.constant 0 : i32
      %dma_wait3A_56 = tpu.memref_slice %arg3[%add3A_10, %dma_wait3A_55] : memref<20224x128xf32, #tpu.memory_space<hbm>> -> memref<632x128xf32, #tpu.memory_space<hbm>>
      %dma_wait3A_57 = arith.constant 0 : i32
      %dma_wait3A_58 = tpu.memref_slice %arg7[%mul3A_5, %dma_wait3A_57] : memref<10112x128xf32, #tpu.memory_space<vmem_shared>> -> memref<632x128xf32, #tpu.memory_space<vmem_shared>>
      tpu.wait_dma2 semaphore(%run_scoped3A : memref<!tpu.dma_semaphore, #tpu.memory_space<semaphore_mem>>) src(%dma_wait3A_58 : memref<632x128xf32, #tpu.memory_space<vmem_shared>>) dst(%dma_wait3A_56 : memref<632x128xf32, #tpu.memory_space<hbm>>)
      tpu.yield
    }) : () -> ()
    return
  }
}

#map = affine_map<(d0, d1) -> (0, 0)>
#map1 = affine_map<(d0, d1) -> (0)>
module attributes {stable_mosaic.version = 14 : i64} {
  func.func @_sc_aggregate(%arg0: i32, %arg1: i32, %arg2: memref<10000x128xf32, #tpu.memory_space<hbm>>, %arg3: memref<10000x128xf32, #tpu.memory_space<hbm>>, %arg4: memref<320000x128xf32, #tpu.memory_space<hbm>>, %arg5: memref<320000xi32, #tpu.memory_space<hbm>>, %arg6: memref<320000xi32, #tpu.memory_space<hbm>>, %arg7: memref<20224x128xf32, #tpu.memory_space<hbm>>, %arg8: memref<80xi32, #tpu.memory_space<vmem>>, %arg9: memref<80xi32, #tpu.memory_space<vmem>>, %arg10: memref<80xi32, #tpu.memory_space<vmem>>, %arg11: memref<80x128xf32, #tpu.memory_space<vmem>>, %arg12: memref<80x128xf32, #tpu.memory_space<vmem>>, %arg13: memref<80x128xf32, #tpu.memory_space<vmem>>, %arg14: memref<80x128xf32, #tpu.memory_space<vmem>>, %arg15: memref<10112x128xf32, #tpu.memory_space<vmem_shared>>, %arg16: memref<!tpu.dma_semaphore, #tpu.memory_space<semaphore_mem>>, %arg17: memref<!tpu.dma_semaphore, #tpu.memory_space<semaphore_mem>>, %arg18: memref<!tpu.dma_semaphore, #tpu.memory_space<semaphore_mem>>, %arg19: memref<!tpu.dma_semaphore, #tpu.memory_space<semaphore_mem>>, %arg20: memref<!tpu.dma_semaphore, #tpu.memory_space<semaphore_mem>>) attributes {dimension_semantics = [#tpu.dimension_semantics<core_parallel>, #tpu.dimension_semantics<subcore_parallel>], iteration_bounds = array<i64: 2, 16>, scalar_prefetch = 0 : i64, scratch_operands = 13 : i64, tpu.core_type = #tpu.core_type<sc_vector_subcore>, window_params = [{transform_indices = #map}, {transform_indices = #map}, {transform_indices = #map}, {transform_indices = #map1}, {transform_indices = #map1}, {transform_indices = #map}]} {
    %mul3A = arith.constant 2 : i32
    %mul3A_0 = arith.muli %arg1, %mul3A : i32
    %add3A = arith.addi %mul3A_0, %arg0 : i32
    %broadcast_in_dim3A = arith.constant 0.000000e+00 : f32
    %broadcast_in_dim3A_1 = vector.broadcast %broadcast_in_dim3A : f32 to vector<16xf32>
    %mul3A_2 = arith.constant 632 : i32
    %mul3A_3 = arith.muli %arg1, %mul3A_2 : i32
    %mul3A_4 = arith.constant 10000 : i32
    %mul3A_5 = arith.muli %add3A, %mul3A_4 : i32
    %mul3A_6 = arith.constant 10112 : i32
    %mul3A_7 = arith.muli %arg0, %mul3A_6 : i32
    %add3A_8 = arith.addi %mul3A_7, %mul3A_3 : i32
    %scan3A = arith.constant 0 : i32
    %scan3A_9 = arith.constant 0 : i32
    %scan3A_10 = arith.constant 80 : i32
    %scan3A_11 = arith.addi %scan3A_9, %scan3A_10 : i32
    %scan3A_12 = arith.constant 1 : i32
    scf.for %scan3A_139 = %scan3A_9 to %scan3A_11 step %scan3A_12  : i32 {
      %swap3A = arith.index_cast %scan3A_139 : i32 to index
      %swap3A_140 = arith.constant 0 : index
      %swap3A_141 = tpu.vector_load %arg13[%swap3A, %swap3A_140] {strides = array<i32>} : memref<80x128xf32, #tpu.memory_space<vmem>>, vector<1x16xf32>,
      %swap3A_142 = vector.shape_cast %swap3A_141 : vector<1x16xf32> to vector<16xf32>
      %swap3A_143 = vector.shape_cast %broadcast_in_dim3A_1 : vector<16xf32> to vector<1x16xf32>
      tpu.vector_store %arg13[%swap3A, %swap3A_140], %swap3A_143 {strides = array<i32>} : memref<80x128xf32, #tpu.memory_space<vmem>>, vector<1x16xf32>,
      %swap3A_144 = arith.index_cast %scan3A_139 : i32 to index
      %swap3A_145 = arith.constant 16 : index
      %swap3A_146 = tpu.vector_load %arg13[%swap3A_144, %swap3A_145] {strides = array<i32>} : memref<80x128xf32, #tpu.memory_space<vmem>>, vector<1x16xf32>,
      %swap3A_147 = vector.shape_cast %swap3A_146 : vector<1x16xf32> to vector<16xf32>
      %swap3A_148 = vector.shape_cast %broadcast_in_dim3A_1 : vector<16xf32> to vector<1x16xf32>
      tpu.vector_store %arg13[%swap3A_144, %swap3A_145], %swap3A_148 {strides = array<i32>} : memref<80x128xf32, #tpu.memory_space<vmem>>, vector<1x16xf32>,
      %swap3A_149 = arith.index_cast %scan3A_139 : i32 to index
      %swap3A_150 = arith.constant 32 : index
      %swap3A_151 = tpu.vector_load %arg13[%swap3A_149, %swap3A_150] {strides = array<i32>} : memref<80x128xf32, #tpu.memory_space<vmem>>, vector<1x16xf32>,
      %swap3A_152 = vector.shape_cast %swap3A_151 : vector<1x16xf32> to vector<16xf32>
      %swap3A_153 = vector.shape_cast %broadcast_in_dim3A_1 : vector<16xf32> to vector<1x16xf32>
      tpu.vector_store %arg13[%swap3A_149, %swap3A_150], %swap3A_153 {strides = array<i32>} : memref<80x128xf32, #tpu.memory_space<vmem>>, vector<1x16xf32>,
      %swap3A_154 = arith.index_cast %scan3A_139 : i32 to index
      %swap3A_155 = arith.constant 48 : index
      %swap3A_156 = tpu.vector_load %arg13[%swap3A_154, %swap3A_155] {strides = array<i32>} : memref<80x128xf32, #tpu.memory_space<vmem>>, vector<1x16xf32>,
      %swap3A_157 = vector.shape_cast %swap3A_156 : vector<1x16xf32> to vector<16xf32>
      %swap3A_158 = vector.shape_cast %broadcast_in_dim3A_1 : vector<16xf32> to vector<1x16xf32>
      tpu.vector_store %arg13[%swap3A_154, %swap3A_155], %swap3A_158 {strides = array<i32>} : memref<80x128xf32, #tpu.memory_space<vmem>>, vector<1x16xf32>,
      %swap3A_159 = arith.index_cast %scan3A_139 : i32 to index
      %swap3A_160 = arith.constant 64 : index
      %swap3A_161 = tpu.vector_load %arg13[%swap3A_159, %swap3A_160] {strides = array<i32>} : memref<80x128xf32, #tpu.memory_space<vmem>>, vector<1x16xf32>,
      %swap3A_162 = vector.shape_cast %swap3A_161 : vector<1x16xf32> to vector<16xf32>
      %swap3A_163 = vector.shape_cast %broadcast_in_dim3A_1 : vector<16xf32> to vector<1x16xf32>
      tpu.vector_store %arg13[%swap3A_159, %swap3A_160], %swap3A_163 {strides = array<i32>} : memref<80x128xf32, #tpu.memory_space<vmem>>, vector<1x16xf32>,
      %swap3A_164 = arith.index_cast %scan3A_139 : i32 to index
      %swap3A_165 = arith.constant 80 : index
      %swap3A_166 = tpu.vector_load %arg13[%swap3A_164, %swap3A_165] {strides = array<i32>} : memref<80x128xf32, #tpu.memory_space<vmem>>, vector<1x16xf32>,
      %swap3A_167 = vector.shape_cast %swap3A_166 : vector<1x16xf32> to vector<16xf32>
      %swap3A_168 = vector.shape_cast %broadcast_in_dim3A_1 : vector<16xf32> to vector<1x16xf32>
      tpu.vector_store %arg13[%swap3A_164, %swap3A_165], %swap3A_168 {strides = array<i32>} : memref<80x128xf32, #tpu.memory_space<vmem>>, vector<1x16xf32>,
      %swap3A_169 = arith.index_cast %scan3A_139 : i32 to index
      %swap3A_170 = arith.constant 96 : index
      %swap3A_171 = tpu.vector_load %arg13[%swap3A_169, %swap3A_170] {strides = array<i32>} : memref<80x128xf32, #tpu.memory_space<vmem>>, vector<1x16xf32>,
      %swap3A_172 = vector.shape_cast %swap3A_171 : vector<1x16xf32> to vector<16xf32>
      %swap3A_173 = vector.shape_cast %broadcast_in_dim3A_1 : vector<16xf32> to vector<1x16xf32>
      tpu.vector_store %arg13[%swap3A_169, %swap3A_170], %swap3A_173 {strides = array<i32>} : memref<80x128xf32, #tpu.memory_space<vmem>>, vector<1x16xf32>,
      %swap3A_174 = arith.index_cast %scan3A_139 : i32 to index
      %swap3A_175 = arith.constant 112 : index
      %swap3A_176 = tpu.vector_load %arg13[%swap3A_174, %swap3A_175] {strides = array<i32>} : memref<80x128xf32, #tpu.memory_space<vmem>>, vector<1x16xf32>,
      %swap3A_177 = vector.shape_cast %swap3A_176 : vector<1x16xf32> to vector<16xf32>
      %swap3A_178 = vector.shape_cast %broadcast_in_dim3A_1 : vector<16xf32> to vector<1x16xf32>
      tpu.vector_store %arg13[%swap3A_174, %swap3A_175], %swap3A_178 {strides = array<i32>} : memref<80x128xf32, #tpu.memory_space<vmem>>, vector<1x16xf32>,
    }
    %scan3A_13 = arith.constant 80 : i32
    %add3A_14 = arith.constant 0 : i32
    %add3A_15 = arith.addi %mul3A_3, %add3A_14 : i32
    "tpu.region"() ({
      %run_scoped3A = tpu.sem_alloc : memref<!tpu.dma_semaphore, #tpu.memory_space<semaphore_mem>>
      %dma_start3A_139 = arith.constant 0 : i32
      %dma_start3A_140 = tpu.memref_slice %arg15[%add3A_15, %dma_start3A_139] : memref<10112x128xf32, #tpu.memory_space<vmem_shared>> -> memref<80x128xf32, #tpu.memory_space<vmem_shared>>
      %dma_start3A_141 = arith.constant 0 : i32
      %dma_start3A_142 = tpu.memref_slice %arg15[%add3A_15, %dma_start3A_141] : memref<10112x128xf32, #tpu.memory_space<vmem_shared>> -> memref<80x128xf32, #tpu.memory_space<vmem_shared>>
      tpu.enqueue_dma source(%arg13 : memref<80x128xf32, #tpu.memory_space<vmem>>) target(%dma_start3A_142 : memref<80x128xf32, #tpu.memory_space<vmem_shared>>) target_semaphore(%run_scoped3A : memref<!tpu.dma_semaphore, #tpu.memory_space<semaphore_mem>>)
      %dma_wait3A_143 = arith.constant 0 : i32
      %dma_wait3A_144 = tpu.memref_slice %arg15[%add3A_15, %dma_wait3A_143] : memref<10112x128xf32, #tpu.memory_space<vmem_shared>> -> memref<80x128xf32, #tpu.memory_space<vmem_shared>>
      %dma_wait3A_145 = arith.constant 0 : i32
      %dma_wait3A_146 = tpu.memref_slice %arg15[%add3A_15, %dma_wait3A_145] : memref<10112x128xf32, #tpu.memory_space<vmem_shared>> -> memref<80x128xf32, #tpu.memory_space<vmem_shared>>
      tpu.wait_dma2 semaphore(%run_scoped3A : memref<!tpu.dma_semaphore, #tpu.memory_space<semaphore_mem>>) src(%arg13 : memref<80x128xf32, #tpu.memory_space<vmem>>) dst(%dma_wait3A_146 : memref<80x128xf32, #tpu.memory_space<vmem_shared>>)
      tpu.yield
    }) : () -> ()
    %add3A_16 = arith.constant 80 : i32
    %add3A_17 = arith.addi %mul3A_3, %add3A_16 : i32
    "tpu.region"() ({
      %run_scoped3A = tpu.sem_alloc : memref<!tpu.dma_semaphore, #tpu.memory_space<semaphore_mem>>
      %dma_start3A_139 = arith.constant 0 : i32
      %dma_start3A_140 = tpu.memref_slice %arg15[%add3A_17, %dma_start3A_139] : memref<10112x128xf32, #tpu.memory_space<vmem_shared>> -> memref<80x128xf32, #tpu.memory_space<vmem_shared>>
      %dma_start3A_141 = arith.constant 0 : i32
      %dma_start3A_142 = tpu.memref_slice %arg15[%add3A_17, %dma_start3A_141] : memref<10112x128xf32, #tpu.memory_space<vmem_shared>> -> memref<80x128xf32, #tpu.memory_space<vmem_shared>>
      tpu.enqueue_dma source(%arg13 : memref<80x128xf32, #tpu.memory_space<vmem>>) target(%dma_start3A_142 : memref<80x128xf32, #tpu.memory_space<vmem_shared>>) target_semaphore(%run_scoped3A : memref<!tpu.dma_semaphore, #tpu.memory_space<semaphore_mem>>)
      %dma_wait3A_143 = arith.constant 0 : i32
      %dma_wait3A_144 = tpu.memref_slice %arg15[%add3A_17, %dma_wait3A_143] : memref<10112x128xf32, #tpu.memory_space<vmem_shared>> -> memref<80x128xf32, #tpu.memory_space<vmem_shared>>
      %dma_wait3A_145 = arith.constant 0 : i32
      %dma_wait3A_146 = tpu.memref_slice %arg15[%add3A_17, %dma_wait3A_145] : memref<10112x128xf32, #tpu.memory_space<vmem_shared>> -> memref<80x128xf32, #tpu.memory_space<vmem_shared>>
      tpu.wait_dma2 semaphore(%run_scoped3A : memref<!tpu.dma_semaphore, #tpu.memory_space<semaphore_mem>>) src(%arg13 : memref<80x128xf32, #tpu.memory_space<vmem>>) dst(%dma_wait3A_146 : memref<80x128xf32, #tpu.memory_space<vmem_shared>>)
      tpu.yield
    }) : () -> ()
    %add3A_18 = arith.constant 160 : i32
    %add3A_19 = arith.addi %mul3A_3, %add3A_18 : i32
    "tpu.region"() ({
      %run_scoped3A = tpu.sem_alloc : memref<!tpu.dma_semaphore, #tpu.memory_space<semaphore_mem>>
      %dma_start3A_139 = arith.constant 0 : i32
      %dma_start3A_140 = tpu.memref_slice %arg15[%add3A_19, %dma_start3A_139] : memref<10112x128xf32, #tpu.memory_space<vmem_shared>> -> memref<80x128xf32, #tpu.memory_space<vmem_shared>>
      %dma_start3A_141 = arith.constant 0 : i32
      %dma_start3A_142 = tpu.memref_slice %arg15[%add3A_19, %dma_start3A_141] : memref<10112x128xf32, #tpu.memory_space<vmem_shared>> -> memref<80x128xf32, #tpu.memory_space<vmem_shared>>
      tpu.enqueue_dma source(%arg13 : memref<80x128xf32, #tpu.memory_space<vmem>>) target(%dma_start3A_142 : memref<80x128xf32, #tpu.memory_space<vmem_shared>>) target_semaphore(%run_scoped3A : memref<!tpu.dma_semaphore, #tpu.memory_space<semaphore_mem>>)
      %dma_wait3A_143 = arith.constant 0 : i32
      %dma_wait3A_144 = tpu.memref_slice %arg15[%add3A_19, %dma_wait3A_143] : memref<10112x128xf32, #tpu.memory_space<vmem_shared>> -> memref<80x128xf32, #tpu.memory_space<vmem_shared>>
      %dma_wait3A_145 = arith.constant 0 : i32
      %dma_wait3A_146 = tpu.memref_slice %arg15[%add3A_19, %dma_wait3A_145] : memref<10112x128xf32, #tpu.memory_space<vmem_shared>> -> memref<80x128xf32, #tpu.memory_space<vmem_shared>>
      tpu.wait_dma2 semaphore(%run_scoped3A : memref<!tpu.dma_semaphore, #tpu.memory_space<semaphore_mem>>) src(%arg13 : memref<80x128xf32, #tpu.memory_space<vmem>>) dst(%dma_wait3A_146 : memref<80x128xf32, #tpu.memory_space<vmem_shared>>)
      tpu.yield
    }) : () -> ()
    %add3A_20 = arith.constant 240 : i32
    %add3A_21 = arith.addi %mul3A_3, %add3A_20 : i32
    "tpu.region"() ({
      %run_scoped3A = tpu.sem_alloc : memref<!tpu.dma_semaphore, #tpu.memory_space<semaphore_mem>>
      %dma_start3A_139 = arith.constant 0 : i32
      %dma_start3A_140 = tpu.memref_slice %arg15[%add3A_21, %dma_start3A_139] : memref<10112x128xf32, #tpu.memory_space<vmem_shared>> -> memref<80x128xf32, #tpu.memory_space<vmem_shared>>
      %dma_start3A_141 = arith.constant 0 : i32
      %dma_start3A_142 = tpu.memref_slice %arg15[%add3A_21, %dma_start3A_141] : memref<10112x128xf32, #tpu.memory_space<vmem_shared>> -> memref<80x128xf32, #tpu.memory_space<vmem_shared>>
      tpu.enqueue_dma source(%arg13 : memref<80x128xf32, #tpu.memory_space<vmem>>) target(%dma_start3A_142 : memref<80x128xf32, #tpu.memory_space<vmem_shared>>) target_semaphore(%run_scoped3A : memref<!tpu.dma_semaphore, #tpu.memory_space<semaphore_mem>>)
      %dma_wait3A_143 = arith.constant 0 : i32
      %dma_wait3A_144 = tpu.memref_slice %arg15[%add3A_21, %dma_wait3A_143] : memref<10112x128xf32, #tpu.memory_space<vmem_shared>> -> memref<80x128xf32, #tpu.memory_space<vmem_shared>>
      %dma_wait3A_145 = arith.constant 0 : i32
      %dma_wait3A_146 = tpu.memref_slice %arg15[%add3A_21, %dma_wait3A_145] : memref<10112x128xf32, #tpu.memory_space<vmem_shared>> -> memref<80x128xf32, #tpu.memory_space<vmem_shared>>
      tpu.wait_dma2 semaphore(%run_scoped3A : memref<!tpu.dma_semaphore, #tpu.memory_space<semaphore_mem>>) src(%arg13 : memref<80x128xf32, #tpu.memory_space<vmem>>) dst(%dma_wait3A_146 : memref<80x128xf32, #tpu.memory_space<vmem_shared>>)
      tpu.yield
    }) : () -> ()
    %add3A_22 = arith.constant 320 : i32
    %add3A_23 = arith.addi %mul3A_3, %add3A_22 : i32
    "tpu.region"() ({
      %run_scoped3A = tpu.sem_alloc : memref<!tpu.dma_semaphore, #tpu.memory_space<semaphore_mem>>
      %dma_start3A_139 = arith.constant 0 : i32
      %dma_start3A_140 = tpu.memref_slice %arg15[%add3A_23, %dma_start3A_139] : memref<10112x128xf32, #tpu.memory_space<vmem_shared>> -> memref<80x128xf32, #tpu.memory_space<vmem_shared>>
      %dma_start3A_141 = arith.constant 0 : i32
      %dma_start3A_142 = tpu.memref_slice %arg15[%add3A_23, %dma_start3A_141] : memref<10112x128xf32, #tpu.memory_space<vmem_shared>> -> memref<80x128xf32, #tpu.memory_space<vmem_shared>>
      tpu.enqueue_dma source(%arg13 : memref<80x128xf32, #tpu.memory_space<vmem>>) target(%dma_start3A_142 : memref<80x128xf32, #tpu.memory_space<vmem_shared>>) target_semaphore(%run_scoped3A : memref<!tpu.dma_semaphore, #tpu.memory_space<semaphore_mem>>)
      %dma_wait3A_143 = arith.constant 0 : i32
      %dma_wait3A_144 = tpu.memref_slice %arg15[%add3A_23, %dma_wait3A_143] : memref<10112x128xf32, #tpu.memory_space<vmem_shared>> -> memref<80x128xf32, #tpu.memory_space<vmem_shared>>
      %dma_wait3A_145 = arith.constant 0 : i32
      %dma_wait3A_146 = tpu.memref_slice %arg15[%add3A_23, %dma_wait3A_145] : memref<10112x128xf32, #tpu.memory_space<vmem_shared>> -> memref<80x128xf32, #tpu.memory_space<vmem_shared>>
      tpu.wait_dma2 semaphore(%run_scoped3A : memref<!tpu.dma_semaphore, #tpu.memory_space<semaphore_mem>>) src(%arg13 : memref<80x128xf32, #tpu.memory_space<vmem>>) dst(%dma_wait3A_146 : memref<80x128xf32, #tpu.memory_space<vmem_shared>>)
      tpu.yield
    }) : () -> ()
    %add3A_24 = arith.constant 400 : i32
    %add3A_25 = arith.addi %mul3A_3, %add3A_24 : i32
    "tpu.region"() ({
      %run_scoped3A = tpu.sem_alloc : memref<!tpu.dma_semaphore, #tpu.memory_space<semaphore_mem>>
      %dma_start3A_139 = arith.constant 0 : i32
      %dma_start3A_140 = tpu.memref_slice %arg15[%add3A_25, %dma_start3A_139] : memref<10112x128xf32, #tpu.memory_space<vmem_shared>> -> memref<80x128xf32, #tpu.memory_space<vmem_shared>>
      %dma_start3A_141 = arith.constant 0 : i32
      %dma_start3A_142 = tpu.memref_slice %arg15[%add3A_25, %dma_start3A_141] : memref<10112x128xf32, #tpu.memory_space<vmem_shared>> -> memref<80x128xf32, #tpu.memory_space<vmem_shared>>
      tpu.enqueue_dma source(%arg13 : memref<80x128xf32, #tpu.memory_space<vmem>>) target(%dma_start3A_142 : memref<80x128xf32, #tpu.memory_space<vmem_shared>>) target_semaphore(%run_scoped3A : memref<!tpu.dma_semaphore, #tpu.memory_space<semaphore_mem>>)
      %dma_wait3A_143 = arith.constant 0 : i32
      %dma_wait3A_144 = tpu.memref_slice %arg15[%add3A_25, %dma_wait3A_143] : memref<10112x128xf32, #tpu.memory_space<vmem_shared>> -> memref<80x128xf32, #tpu.memory_space<vmem_shared>>
      %dma_wait3A_145 = arith.constant 0 : i32
      %dma_wait3A_146 = tpu.memref_slice %arg15[%add3A_25, %dma_wait3A_145] : memref<10112x128xf32, #tpu.memory_space<vmem_shared>> -> memref<80x128xf32, #tpu.memory_space<vmem_shared>>
      tpu.wait_dma2 semaphore(%run_scoped3A : memref<!tpu.dma_semaphore, #tpu.memory_space<semaphore_mem>>) src(%arg13 : memref<80x128xf32, #tpu.memory_space<vmem>>) dst(%dma_wait3A_146 : memref<80x128xf32, #tpu.memory_space<vmem_shared>>)
      tpu.yield
    }) : () -> ()
    %add3A_26 = arith.constant 480 : i32
    %add3A_27 = arith.addi %mul3A_3, %add3A_26 : i32
    "tpu.region"() ({
      %run_scoped3A = tpu.sem_alloc : memref<!tpu.dma_semaphore, #tpu.memory_space<semaphore_mem>>
      %dma_start3A_139 = arith.constant 0 : i32
      %dma_start3A_140 = tpu.memref_slice %arg15[%add3A_27, %dma_start3A_139] : memref<10112x128xf32, #tpu.memory_space<vmem_shared>> -> memref<80x128xf32, #tpu.memory_space<vmem_shared>>
      %dma_start3A_141 = arith.constant 0 : i32
      %dma_start3A_142 = tpu.memref_slice %arg15[%add3A_27, %dma_start3A_141] : memref<10112x128xf32, #tpu.memory_space<vmem_shared>> -> memref<80x128xf32, #tpu.memory_space<vmem_shared>>
      tpu.enqueue_dma source(%arg13 : memref<80x128xf32, #tpu.memory_space<vmem>>) target(%dma_start3A_142 : memref<80x128xf32, #tpu.memory_space<vmem_shared>>) target_semaphore(%run_scoped3A : memref<!tpu.dma_semaphore, #tpu.memory_space<semaphore_mem>>)
      %dma_wait3A_143 = arith.constant 0 : i32
      %dma_wait3A_144 = tpu.memref_slice %arg15[%add3A_27, %dma_wait3A_143] : memref<10112x128xf32, #tpu.memory_space<vmem_shared>> -> memref<80x128xf32, #tpu.memory_space<vmem_shared>>
      %dma_wait3A_145 = arith.constant 0 : i32
      %dma_wait3A_146 = tpu.memref_slice %arg15[%add3A_27, %dma_wait3A_145] : memref<10112x128xf32, #tpu.memory_space<vmem_shared>> -> memref<80x128xf32, #tpu.memory_space<vmem_shared>>
      tpu.wait_dma2 semaphore(%run_scoped3A : memref<!tpu.dma_semaphore, #tpu.memory_space<semaphore_mem>>) src(%arg13 : memref<80x128xf32, #tpu.memory_space<vmem>>) dst(%dma_wait3A_146 : memref<80x128xf32, #tpu.memory_space<vmem_shared>>)
      tpu.yield
    }) : () -> ()
    %add3A_28 = arith.constant 560 : i32
    %add3A_29 = arith.addi %mul3A_3, %add3A_28 : i32
    "tpu.region"() ({
      %run_scoped3A = tpu.sem_alloc : memref<!tpu.dma_semaphore, #tpu.memory_space<semaphore_mem>>
      %dma_start3A_139 = arith.constant 0 : i32
      %dma_start3A_140 = arith.constant 0 : i32
      %dma_start3A_141 = tpu.memref_slice %arg13[%dma_start3A_139, %dma_start3A_140] : memref<80x128xf32, #tpu.memory_space<vmem>> -> memref<72x128xf32, #tpu.memory_space<vmem>>
      %dma_start3A_142 = arith.constant 0 : i32
      %dma_start3A_143 = tpu.memref_slice %arg15[%add3A_29, %dma_start3A_142] : memref<10112x128xf32, #tpu.memory_space<vmem_shared>> -> memref<72x128xf32, #tpu.memory_space<vmem_shared>>
      %dma_start3A_144 = arith.constant 0 : i32
      %dma_start3A_145 = tpu.memref_slice %arg15[%add3A_29, %dma_start3A_144] : memref<10112x128xf32, #tpu.memory_space<vmem_shared>> -> memref<72x128xf32, #tpu.memory_space<vmem_shared>>
      %dma_start3A_146 = arith.constant 0 : i32
      %dma_start3A_147 = arith.constant 0 : i32
      %dma_start3A_148 = tpu.memref_slice %arg13[%dma_start3A_146, %dma_start3A_147] : memref<80x128xf32, #tpu.memory_space<vmem>> -> memref<72x128xf32, #tpu.memory_space<vmem>>
      tpu.enqueue_dma source(%dma_start3A_148 : memref<72x128xf32, #tpu.memory_space<vmem>>) target(%dma_start3A_145 : memref<72x128xf32, #tpu.memory_space<vmem_shared>>) target_semaphore(%run_scoped3A : memref<!tpu.dma_semaphore, #tpu.memory_space<semaphore_mem>>)
      %dma_wait3A_149 = arith.constant 0 : i32
      %dma_wait3A_150 = arith.constant 0 : i32
      %dma_wait3A_151 = tpu.memref_slice %arg13[%dma_wait3A_149, %dma_wait3A_150] : memref<80x128xf32, #tpu.memory_space<vmem>> -> memref<72x128xf32, #tpu.memory_space<vmem>>
      %dma_wait3A_152 = arith.constant 0 : i32
      %dma_wait3A_153 = tpu.memref_slice %arg15[%add3A_29, %dma_wait3A_152] : memref<10112x128xf32, #tpu.memory_space<vmem_shared>> -> memref<72x128xf32, #tpu.memory_space<vmem_shared>>
      %dma_wait3A_154 = arith.constant 0 : i32
      %dma_wait3A_155 = tpu.memref_slice %arg15[%add3A_29, %dma_wait3A_154] : memref<10112x128xf32, #tpu.memory_space<vmem_shared>> -> memref<72x128xf32, #tpu.memory_space<vmem_shared>>
      %dma_wait3A_156 = arith.constant 0 : i32
      %dma_wait3A_157 = arith.constant 0 : i32
      %dma_wait3A_158 = tpu.memref_slice %arg13[%dma_wait3A_156, %dma_wait3A_157] : memref<80x128xf32, #tpu.memory_space<vmem>> -> memref<72x128xf32, #tpu.memory_space<vmem>>
      tpu.wait_dma2 semaphore(%run_scoped3A : memref<!tpu.dma_semaphore, #tpu.memory_space<semaphore_mem>>) src(%dma_wait3A_158 : memref<72x128xf32, #tpu.memory_space<vmem>>) dst(%dma_wait3A_155 : memref<72x128xf32, #tpu.memory_space<vmem_shared>>)
      tpu.yield
    }) : () -> ()
    %barrier3A = arith.constant 0 : index
    tpu.barrier barrier_id(%barrier3A)
    "tpu.region"() ({
      %run_scoped3A = tpu.sem_alloc : memref<!tpu.dma_semaphore, #tpu.memory_space<semaphore_mem>>
      %dma_start3A_139 = tpu.memref_slice %arg5[%mul3A_5] : memref<320000xi32, #tpu.memory_space<hbm>> -> memref<80xi32, #tpu.memory_space<hbm>>
      %dma_start3A_140 = tpu.memref_slice %arg5[%mul3A_5] : memref<320000xi32, #tpu.memory_space<hbm>> -> memref<80xi32, #tpu.memory_space<hbm>>
      tpu.enqueue_dma source(%dma_start3A_140 : memref<80xi32, #tpu.memory_space<hbm>>) target(%arg8 : memref<80xi32, #tpu.memory_space<vmem>>) target_semaphore(%run_scoped3A : memref<!tpu.dma_semaphore, #tpu.memory_space<semaphore_mem>>)
      %dma_wait3A_141 = tpu.memref_slice %arg5[%mul3A_5] : memref<320000xi32, #tpu.memory_space<hbm>> -> memref<80xi32, #tpu.memory_space<hbm>>
      %dma_wait3A_142 = tpu.memref_slice %arg5[%mul3A_5] : memref<320000xi32, #tpu.memory_space<hbm>> -> memref<80xi32, #tpu.memory_space<hbm>>
      tpu.wait_dma2 semaphore(%run_scoped3A : memref<!tpu.dma_semaphore, #tpu.memory_space<semaphore_mem>>) src(%dma_wait3A_142 : memref<80xi32, #tpu.memory_space<hbm>>) dst(%arg8 : memref<80xi32, #tpu.memory_space<vmem>>)
      tpu.yield
    }) : () -> ()
    "tpu.region"() ({
      %run_scoped3A = tpu.sem_alloc : memref<!tpu.dma_semaphore, #tpu.memory_space<semaphore_mem>>
      %dma_start3A_139 = tpu.memref_slice %arg6[%mul3A_5] : memref<320000xi32, #tpu.memory_space<hbm>> -> memref<80xi32, #tpu.memory_space<hbm>>
      %dma_start3A_140 = tpu.memref_slice %arg6[%mul3A_5] : memref<320000xi32, #tpu.memory_space<hbm>> -> memref<80xi32, #tpu.memory_space<hbm>>
      tpu.enqueue_dma source(%dma_start3A_140 : memref<80xi32, #tpu.memory_space<hbm>>) target(%arg9 : memref<80xi32, #tpu.memory_space<vmem>>) target_semaphore(%run_scoped3A : memref<!tpu.dma_semaphore, #tpu.memory_space<semaphore_mem>>)
      %dma_wait3A_141 = tpu.memref_slice %arg6[%mul3A_5] : memref<320000xi32, #tpu.memory_space<hbm>> -> memref<80xi32, #tpu.memory_space<hbm>>
      %dma_wait3A_142 = tpu.memref_slice %arg6[%mul3A_5] : memref<320000xi32, #tpu.memory_space<hbm>> -> memref<80xi32, #tpu.memory_space<hbm>>
      tpu.wait_dma2 semaphore(%run_scoped3A : memref<!tpu.dma_semaphore, #tpu.memory_space<semaphore_mem>>) src(%dma_wait3A_142 : memref<80xi32, #tpu.memory_space<hbm>>) dst(%arg9 : memref<80xi32, #tpu.memory_space<vmem>>)
      tpu.yield
    }) : () -> ()
    %dma_start3A = arith.constant 0 : i32
    %dma_start3A_30 = tpu.memref_slice %arg4[%mul3A_5, %dma_start3A] : memref<320000x128xf32, #tpu.memory_space<hbm>> -> memref<80x128xf32, #tpu.memory_space<hbm>>
    %dma_start3A_31 = arith.constant 0 : i32
    %dma_start3A_32 = tpu.memref_slice %arg4[%mul3A_5, %dma_start3A_31] : memref<320000x128xf32, #tpu.memory_space<hbm>> -> memref<80x128xf32, #tpu.memory_space<hbm>>
    tpu.enqueue_dma source(%dma_start3A_32 : memref<80x128xf32, #tpu.memory_space<hbm>>) target(%arg13 : memref<80x128xf32, #tpu.memory_space<vmem>>) target_semaphore(%arg18 : memref<!tpu.dma_semaphore, #tpu.memory_space<semaphore_mem>>)
    %dma_start3A_33 = arith.constant 0 : i32
    %dma_start3A_34 = arith.constant 0 : i32
    %dma_start3A_35 = tpu.memref_slice %arg2[%dma_start3A_33, %dma_start3A_34] : memref<10000x128xf32, #tpu.memory_space<hbm>> -> memref<10000x128xf32, #tpu.memory_space<hbm>>
    tpu.enqueue_indirect_dma source(%dma_start3A_35 : memref<10000x128xf32, #tpu.memory_space<hbm>>) target(%arg11 : memref<80x128xf32, #tpu.memory_space<vmem>>) offsets(%arg8 : memref<80xi32, #tpu.memory_space<vmem>>) semaphore(%arg16 : memref<!tpu.dma_semaphore, #tpu.memory_space<semaphore_mem>>)
    %dma_start3A_36 = arith.constant 0 : i32
    %dma_start3A_37 = arith.constant 0 : i32
    %dma_start3A_38 = tpu.memref_slice %arg3[%dma_start3A_36, %dma_start3A_37] : memref<10000x128xf32, #tpu.memory_space<hbm>> -> memref<10000x128xf32, #tpu.memory_space<hbm>>
    tpu.enqueue_indirect_dma source(%dma_start3A_38 : memref<10000x128xf32, #tpu.memory_space<hbm>>) target(%arg12 : memref<80x128xf32, #tpu.memory_space<vmem>>) offsets(%arg9 : memref<80xi32, #tpu.memory_space<vmem>>) semaphore(%arg17 : memref<!tpu.dma_semaphore, #tpu.memory_space<semaphore_mem>>)
    %dma_wait3A = arith.constant 0 : i32
    %dma_wait3A_39 = tpu.memref_slice %arg4[%mul3A_5, %dma_wait3A] : memref<320000x128xf32, #tpu.memory_space<hbm>> -> memref<80x128xf32, #tpu.memory_space<hbm>>
    %dma_wait3A_40 = arith.constant 0 : i32
    %dma_wait3A_41 = tpu.memref_slice %arg4[%mul3A_5, %dma_wait3A_40] : memref<320000x128xf32, #tpu.memory_space<hbm>> -> memref<80x128xf32, #tpu.memory_space<hbm>>
    tpu.wait_dma2 semaphore(%arg18 : memref<!tpu.dma_semaphore, #tpu.memory_space<semaphore_mem>>) src(%dma_wait3A_41 : memref<80x128xf32, #tpu.memory_space<hbm>>) dst(%arg13 : memref<80x128xf32, #tpu.memory_space<vmem>>)
    %dma_wait3A_42 = arith.constant 0 : i32
    %dma_wait3A_43 = arith.constant 0 : i32
    %dma_wait3A_44 = tpu.memref_slice %arg2[%dma_wait3A_42, %dma_wait3A_43] : memref<10000x128xf32, #tpu.memory_space<hbm>> -> memref<10000x128xf32, #tpu.memory_space<hbm>>
    tpu.wait_indirect_dma semaphore(%arg16 : memref<!tpu.dma_semaphore, #tpu.memory_space<semaphore_mem>>) src(%dma_wait3A_44 : memref<10000x128xf32, #tpu.memory_space<hbm>>) dst(%arg11 : memref<80x128xf32, #tpu.memory_space<vmem>>)
    %dma_wait3A_45 = arith.constant 0 : i32
    %dma_wait3A_46 = arith.constant 0 : i32
    %dma_wait3A_47 = tpu.memref_slice %arg3[%dma_wait3A_45, %dma_wait3A_46] : memref<10000x128xf32, #tpu.memory_space<hbm>> -> memref<10000x128xf32, #tpu.memory_space<hbm>>
    tpu.wait_indirect_dma semaphore(%arg17 : memref<!tpu.dma_semaphore, #tpu.memory_space<semaphore_mem>>) src(%dma_wait3A_47 : memref<10000x128xf32, #tpu.memory_space<hbm>>) dst(%arg12 : memref<80x128xf32, #tpu.memory_space<vmem>>)
    %scan3A_48 = arith.constant 0 : i32
    %scan3A_49 = arith.constant 0 : i32
    %scan3A_50 = arith.constant 80 : i32
    %scan3A_51 = arith.addi %scan3A_49, %scan3A_50 : i32
    %scan3A_52 = arith.constant 1 : i32
    scf.for %scan3A_139 = %scan3A_49 to %scan3A_51 step %scan3A_52  : i32 {
      %get3A = arith.index_cast %scan3A_139 : i32 to index
      %get3A_140 = arith.constant 0 : index
      %get3A_141 = tpu.vector_load %arg11[%get3A, %get3A_140] {strides = array<i32>} : memref<80x128xf32, #tpu.memory_space<vmem>>, vector<1x16xf32>,
      %get3A_142 = vector.shape_cast %get3A_141 : vector<1x16xf32> to vector<16xf32>
      %get3A_143 = arith.index_cast %scan3A_139 : i32 to index
      %get3A_144 = arith.constant 0 : index
      %get3A_145 = tpu.vector_load %arg12[%get3A_143, %get3A_144] {strides = array<i32>} : memref<80x128xf32, #tpu.memory_space<vmem>>, vector<1x16xf32>,
      %get3A_146 = vector.shape_cast %get3A_145 : vector<1x16xf32> to vector<16xf32>
      %add3A_147 = arith.addf %get3A_142, %get3A_146 : vector<16xf32>
      %get3A_148 = arith.index_cast %scan3A_139 : i32 to index
      %get3A_149 = arith.constant 0 : index
      %get3A_150 = tpu.vector_load %arg13[%get3A_148, %get3A_149] {strides = array<i32>} : memref<80x128xf32, #tpu.memory_space<vmem>>, vector<1x16xf32>,
      %get3A_151 = vector.shape_cast %get3A_150 : vector<1x16xf32> to vector<16xf32>
      %add3A_152 = arith.addf %add3A_147, %get3A_151 : vector<16xf32>
      %max3A = arith.constant 0.000000e+00 : f32
      %max3A_153 = vector.broadcast %max3A : f32 to vector<16xf32>
      %max3A_154 = arith.maximumf %add3A_152, %max3A_153 : vector<16xf32>
      %swap3A = arith.index_cast %scan3A_139 : i32 to index
      %swap3A_155 = arith.constant 0 : index
      %swap3A_156 = tpu.vector_load %arg13[%swap3A, %swap3A_155] {strides = array<i32>} : memref<80x128xf32, #tpu.memory_space<vmem>>, vector<1x16xf32>,
      %swap3A_157 = vector.shape_cast %swap3A_156 : vector<1x16xf32> to vector<16xf32>
      %swap3A_158 = vector.shape_cast %max3A_154 : vector<16xf32> to vector<1x16xf32>
      tpu.vector_store %arg13[%swap3A, %swap3A_155], %swap3A_158 {strides = array<i32>} : memref<80x128xf32, #tpu.memory_space<vmem>>, vector<1x16xf32>,
      %get3A_159 = arith.index_cast %scan3A_139 : i32 to index
      %get3A_160 = arith.constant 16 : index
      %get3A_161 = tpu.vector_load %arg11[%get3A_159, %get3A_160] {strides = array<i32>} : memref<80x128xf32, #tpu.memory_space<vmem>>, vector<1x16xf32>,
      %get3A_162 = vector.shape_cast %get3A_161 : vector<1x16xf32> to vector<16xf32>
      %get3A_163 = arith.index_cast %scan3A_139 : i32 to index
      %get3A_164 = arith.constant 16 : index
      %get3A_165 = tpu.vector_load %arg12[%get3A_163, %get3A_164] {strides = array<i32>} : memref<80x128xf32, #tpu.memory_space<vmem>>, vector<1x16xf32>,
      %get3A_166 = vector.shape_cast %get3A_165 : vector<1x16xf32> to vector<16xf32>
      %add3A_167 = arith.addf %get3A_162, %get3A_166 : vector<16xf32>
      %get3A_168 = arith.index_cast %scan3A_139 : i32 to index
      %get3A_169 = arith.constant 16 : index
      %get3A_170 = tpu.vector_load %arg13[%get3A_168, %get3A_169] {strides = array<i32>} : memref<80x128xf32, #tpu.memory_space<vmem>>, vector<1x16xf32>,
      %get3A_171 = vector.shape_cast %get3A_170 : vector<1x16xf32> to vector<16xf32>
      %add3A_172 = arith.addf %add3A_167, %get3A_171 : vector<16xf32>
      %max3A_173 = arith.constant 0.000000e+00 : f32
      %max3A_174 = vector.broadcast %max3A_173 : f32 to vector<16xf32>
      %max3A_175 = arith.maximumf %add3A_172, %max3A_174 : vector<16xf32>
      %swap3A_176 = arith.index_cast %scan3A_139 : i32 to index
      %swap3A_177 = arith.constant 16 : index
      %swap3A_178 = tpu.vector_load %arg13[%swap3A_176, %swap3A_177] {strides = array<i32>} : memref<80x128xf32, #tpu.memory_space<vmem>>, vector<1x16xf32>,
      %swap3A_179 = vector.shape_cast %swap3A_178 : vector<1x16xf32> to vector<16xf32>
      %swap3A_180 = vector.shape_cast %max3A_175 : vector<16xf32> to vector<1x16xf32>
      tpu.vector_store %arg13[%swap3A_176, %swap3A_177], %swap3A_180 {strides = array<i32>} : memref<80x128xf32, #tpu.memory_space<vmem>>, vector<1x16xf32>,
      %get3A_181 = arith.index_cast %scan3A_139 : i32 to index
      %get3A_182 = arith.constant 32 : index
      %get3A_183 = tpu.vector_load %arg11[%get3A_181, %get3A_182] {strides = array<i32>} : memref<80x128xf32, #tpu.memory_space<vmem>>, vector<1x16xf32>,
      %get3A_184 = vector.shape_cast %get3A_183 : vector<1x16xf32> to vector<16xf32>
      %get3A_185 = arith.index_cast %scan3A_139 : i32 to index
      %get3A_186 = arith.constant 32 : index
      %get3A_187 = tpu.vector_load %arg12[%get3A_185, %get3A_186] {strides = array<i32>} : memref<80x128xf32, #tpu.memory_space<vmem>>, vector<1x16xf32>,
      %get3A_188 = vector.shape_cast %get3A_187 : vector<1x16xf32> to vector<16xf32>
      %add3A_189 = arith.addf %get3A_184, %get3A_188 : vector<16xf32>
      %get3A_190 = arith.index_cast %scan3A_139 : i32 to index
      %get3A_191 = arith.constant 32 : index
      %get3A_192 = tpu.vector_load %arg13[%get3A_190, %get3A_191] {strides = array<i32>} : memref<80x128xf32, #tpu.memory_space<vmem>>, vector<1x16xf32>,
      %get3A_193 = vector.shape_cast %get3A_192 : vector<1x16xf32> to vector<16xf32>
      %add3A_194 = arith.addf %add3A_189, %get3A_193 : vector<16xf32>
      %max3A_195 = arith.constant 0.000000e+00 : f32
      %max3A_196 = vector.broadcast %max3A_195 : f32 to vector<16xf32>
      %max3A_197 = arith.maximumf %add3A_194, %max3A_196 : vector<16xf32>
      %swap3A_198 = arith.index_cast %scan3A_139 : i32 to index
      %swap3A_199 = arith.constant 32 : index
      %swap3A_200 = tpu.vector_load %arg13[%swap3A_198, %swap3A_199] {strides = array<i32>} : memref<80x128xf32, #tpu.memory_space<vmem>>, vector<1x16xf32>,
      %swap3A_201 = vector.shape_cast %swap3A_200 : vector<1x16xf32> to vector<16xf32>
      %swap3A_202 = vector.shape_cast %max3A_197 : vector<16xf32> to vector<1x16xf32>
      tpu.vector_store %arg13[%swap3A_198, %swap3A_199], %swap3A_202 {strides = array<i32>} : memref<80x128xf32, #tpu.memory_space<vmem>>, vector<1x16xf32>,
      %get3A_203 = arith.index_cast %scan3A_139 : i32 to index
      %get3A_204 = arith.constant 48 : index
      %get3A_205 = tpu.vector_load %arg11[%get3A_203, %get3A_204] {strides = array<i32>} : memref<80x128xf32, #tpu.memory_space<vmem>>, vector<1x16xf32>,
      %get3A_206 = vector.shape_cast %get3A_205 : vector<1x16xf32> to vector<16xf32>
      %get3A_207 = arith.index_cast %scan3A_139 : i32 to index
      %get3A_208 = arith.constant 48 : index
      %get3A_209 = tpu.vector_load %arg12[%get3A_207, %get3A_208] {strides = array<i32>} : memref<80x128xf32, #tpu.memory_space<vmem>>, vector<1x16xf32>,
      %get3A_210 = vector.shape_cast %get3A_209 : vector<1x16xf32> to vector<16xf32>
      %add3A_211 = arith.addf %get3A_206, %get3A_210 : vector<16xf32>
      %get3A_212 = arith.index_cast %scan3A_139 : i32 to index
      %get3A_213 = arith.constant 48 : index
      %get3A_214 = tpu.vector_load %arg13[%get3A_212, %get3A_213] {strides = array<i32>} : memref<80x128xf32, #tpu.memory_space<vmem>>, vector<1x16xf32>,
      %get3A_215 = vector.shape_cast %get3A_214 : vector<1x16xf32> to vector<16xf32>
      %add3A_216 = arith.addf %add3A_211, %get3A_215 : vector<16xf32>
      %max3A_217 = arith.constant 0.000000e+00 : f32
      %max3A_218 = vector.broadcast %max3A_217 : f32 to vector<16xf32>
      %max3A_219 = arith.maximumf %add3A_216, %max3A_218 : vector<16xf32>
      %swap3A_220 = arith.index_cast %scan3A_139 : i32 to index
      %swap3A_221 = arith.constant 48 : index
      %swap3A_222 = tpu.vector_load %arg13[%swap3A_220, %swap3A_221] {strides = array<i32>} : memref<80x128xf32, #tpu.memory_space<vmem>>, vector<1x16xf32>,
      %swap3A_223 = vector.shape_cast %swap3A_222 : vector<1x16xf32> to vector<16xf32>
      %swap3A_224 = vector.shape_cast %max3A_219 : vector<16xf32> to vector<1x16xf32>
      tpu.vector_store %arg13[%swap3A_220, %swap3A_221], %swap3A_224 {strides = array<i32>} : memref<80x128xf32, #tpu.memory_space<vmem>>, vector<1x16xf32>,
      %get3A_225 = arith.index_cast %scan3A_139 : i32 to index
      %get3A_226 = arith.constant 64 : index
      %get3A_227 = tpu.vector_load %arg11[%get3A_225, %get3A_226] {strides = array<i32>} : memref<80x128xf32, #tpu.memory_space<vmem>>, vector<1x16xf32>,
      %get3A_228 = vector.shape_cast %get3A_227 : vector<1x16xf32> to vector<16xf32>
      %get3A_229 = arith.index_cast %scan3A_139 : i32 to index
      %get3A_230 = arith.constant 64 : index
      %get3A_231 = tpu.vector_load %arg12[%get3A_229, %get3A_230] {strides = array<i32>} : memref<80x128xf32, #tpu.memory_space<vmem>>, vector<1x16xf32>,
      %get3A_232 = vector.shape_cast %get3A_231 : vector<1x16xf32> to vector<16xf32>
      %add3A_233 = arith.addf %get3A_228, %get3A_232 : vector<16xf32>
      %get3A_234 = arith.index_cast %scan3A_139 : i32 to index
      %get3A_235 = arith.constant 64 : index
      %get3A_236 = tpu.vector_load %arg13[%get3A_234, %get3A_235] {strides = array<i32>} : memref<80x128xf32, #tpu.memory_space<vmem>>, vector<1x16xf32>,
      %get3A_237 = vector.shape_cast %get3A_236 : vector<1x16xf32> to vector<16xf32>
      %add3A_238 = arith.addf %add3A_233, %get3A_237 : vector<16xf32>
      %max3A_239 = arith.constant 0.000000e+00 : f32
      %max3A_240 = vector.broadcast %max3A_239 : f32 to vector<16xf32>
      %max3A_241 = arith.maximumf %add3A_238, %max3A_240 : vector<16xf32>
      %swap3A_242 = arith.index_cast %scan3A_139 : i32 to index
      %swap3A_243 = arith.constant 64 : index
      %swap3A_244 = tpu.vector_load %arg13[%swap3A_242, %swap3A_243] {strides = array<i32>} : memref<80x128xf32, #tpu.memory_space<vmem>>, vector<1x16xf32>,
      %swap3A_245 = vector.shape_cast %swap3A_244 : vector<1x16xf32> to vector<16xf32>
      %swap3A_246 = vector.shape_cast %max3A_241 : vector<16xf32> to vector<1x16xf32>
      tpu.vector_store %arg13[%swap3A_242, %swap3A_243], %swap3A_246 {strides = array<i32>} : memref<80x128xf32, #tpu.memory_space<vmem>>, vector<1x16xf32>,
      %get3A_247 = arith.index_cast %scan3A_139 : i32 to index
      %get3A_248 = arith.constant 80 : index
      %get3A_249 = tpu.vector_load %arg11[%get3A_247, %get3A_248] {strides = array<i32>} : memref<80x128xf32, #tpu.memory_space<vmem>>, vector<1x16xf32>,
      %get3A_250 = vector.shape_cast %get3A_249 : vector<1x16xf32> to vector<16xf32>
      %get3A_251 = arith.index_cast %scan3A_139 : i32 to index
      %get3A_252 = arith.constant 80 : index
      %get3A_253 = tpu.vector_load %arg12[%get3A_251, %get3A_252] {strides = array<i32>} : memref<80x128xf32, #tpu.memory_space<vmem>>, vector<1x16xf32>,
      %get3A_254 = vector.shape_cast %get3A_253 : vector<1x16xf32> to vector<16xf32>
      %add3A_255 = arith.addf %get3A_250, %get3A_254 : vector<16xf32>
      %get3A_256 = arith.index_cast %scan3A_139 : i32 to index
      %get3A_257 = arith.constant 80 : index
      %get3A_258 = tpu.vector_load %arg13[%get3A_256, %get3A_257] {strides = array<i32>} : memref<80x128xf32, #tpu.memory_space<vmem>>, vector<1x16xf32>,
      %get3A_259 = vector.shape_cast %get3A_258 : vector<1x16xf32> to vector<16xf32>
      %add3A_260 = arith.addf %add3A_255, %get3A_259 : vector<16xf32>
      %max3A_261 = arith.constant 0.000000e+00 : f32
      %max3A_262 = vector.broadcast %max3A_261 : f32 to vector<16xf32>
      %max3A_263 = arith.maximumf %add3A_260, %max3A_262 : vector<16xf32>
      %swap3A_264 = arith.index_cast %scan3A_139 : i32 to index
      %swap3A_265 = arith.constant 80 : index
      %swap3A_266 = tpu.vector_load %arg13[%swap3A_264, %swap3A_265] {strides = array<i32>} : memref<80x128xf32, #tpu.memory_space<vmem>>, vector<1x16xf32>,
      %swap3A_267 = vector.shape_cast %swap3A_266 : vector<1x16xf32> to vector<16xf32>
      %swap3A_268 = vector.shape_cast %max3A_263 : vector<16xf32> to vector<1x16xf32>
      tpu.vector_store %arg13[%swap3A_264, %swap3A_265], %swap3A_268 {strides = array<i32>} : memref<80x128xf32, #tpu.memory_space<vmem>>, vector<1x16xf32>,
      %get3A_269 = arith.index_cast %scan3A_139 : i32 to index
      %get3A_270 = arith.constant 96 : index
      %get3A_271 = tpu.vector_load %arg11[%get3A_269, %get3A_270] {strides = array<i32>} : memref<80x128xf32, #tpu.memory_space<vmem>>, vector<1x16xf32>,
      %get3A_272 = vector.shape_cast %get3A_271 : vector<1x16xf32> to vector<16xf32>
      %get3A_273 = arith.index_cast %scan3A_139 : i32 to index
      %get3A_274 = arith.constant 96 : index
      %get3A_275 = tpu.vector_load %arg12[%get3A_273, %get3A_274] {strides = array<i32>} : memref<80x128xf32, #tpu.memory_space<vmem>>, vector<1x16xf32>,
      %get3A_276 = vector.shape_cast %get3A_275 : vector<1x16xf32> to vector<16xf32>
      %add3A_277 = arith.addf %get3A_272, %get3A_276 : vector<16xf32>
      %get3A_278 = arith.index_cast %scan3A_139 : i32 to index
      %get3A_279 = arith.constant 96 : index
      %get3A_280 = tpu.vector_load %arg13[%get3A_278, %get3A_279] {strides = array<i32>} : memref<80x128xf32, #tpu.memory_space<vmem>>, vector<1x16xf32>,
      %get3A_281 = vector.shape_cast %get3A_280 : vector<1x16xf32> to vector<16xf32>
      %add3A_282 = arith.addf %add3A_277, %get3A_281 : vector<16xf32>
      %max3A_283 = arith.constant 0.000000e+00 : f32
      %max3A_284 = vector.broadcast %max3A_283 : f32 to vector<16xf32>
      %max3A_285 = arith.maximumf %add3A_282, %max3A_284 : vector<16xf32>
      %swap3A_286 = arith.index_cast %scan3A_139 : i32 to index
      %swap3A_287 = arith.constant 96 : index
      %swap3A_288 = tpu.vector_load %arg13[%swap3A_286, %swap3A_287] {strides = array<i32>} : memref<80x128xf32, #tpu.memory_space<vmem>>, vector<1x16xf32>,
      %swap3A_289 = vector.shape_cast %swap3A_288 : vector<1x16xf32> to vector<16xf32>
      %swap3A_290 = vector.shape_cast %max3A_285 : vector<16xf32> to vector<1x16xf32>
      tpu.vector_store %arg13[%swap3A_286, %swap3A_287], %swap3A_290 {strides = array<i32>} : memref<80x128xf32, #tpu.memory_space<vmem>>, vector<1x16xf32>,
      %get3A_291 = arith.index_cast %scan3A_139 : i32 to index
      %get3A_292 = arith.constant 112 : index
      %get3A_293 = tpu.vector_load %arg11[%get3A_291, %get3A_292] {strides = array<i32>} : memref<80x128xf32, #tpu.memory_space<vmem>>, vector<1x16xf32>,
      %get3A_294 = vector.shape_cast %get3A_293 : vector<1x16xf32> to vector<16xf32>
      %get3A_295 = arith.index_cast %scan3A_139 : i32 to index
      %get3A_296 = arith.constant 112 : index
      %get3A_297 = tpu.vector_load %arg12[%get3A_295, %get3A_296] {strides = array<i32>} : memref<80x128xf32, #tpu.memory_space<vmem>>, vector<1x16xf32>,
      %get3A_298 = vector.shape_cast %get3A_297 : vector<1x16xf32> to vector<16xf32>
      %add3A_299 = arith.addf %get3A_294, %get3A_298 : vector<16xf32>
      %get3A_300 = arith.index_cast %scan3A_139 : i32 to index
      %get3A_301 = arith.constant 112 : index
      %get3A_302 = tpu.vector_load %arg13[%get3A_300, %get3A_301] {strides = array<i32>} : memref<80x128xf32, #tpu.memory_space<vmem>>, vector<1x16xf32>,
      %get3A_303 = vector.shape_cast %get3A_302 : vector<1x16xf32> to vector<16xf32>
      %add3A_304 = arith.addf %add3A_299, %get3A_303 : vector<16xf32>
      %max3A_305 = arith.constant 0.000000e+00 : f32
      %max3A_306 = vector.broadcast %max3A_305 : f32 to vector<16xf32>
      %max3A_307 = arith.maximumf %add3A_304, %max3A_306 : vector<16xf32>
      %swap3A_308 = arith.index_cast %scan3A_139 : i32 to index
      %swap3A_309 = arith.constant 112 : index
      %swap3A_310 = tpu.vector_load %arg13[%swap3A_308, %swap3A_309] {strides = array<i32>} : memref<80x128xf32, #tpu.memory_space<vmem>>, vector<1x16xf32>,
      %swap3A_311 = vector.shape_cast %swap3A_310 : vector<1x16xf32> to vector<16xf32>
      %swap3A_312 = vector.shape_cast %max3A_307 : vector<16xf32> to vector<1x16xf32>
      tpu.vector_store %arg13[%swap3A_308, %swap3A_309], %swap3A_312 {strides = array<i32>} : memref<80x128xf32, #tpu.memory_space<vmem>>, vector<1x16xf32>,
    }
    %scan3A_53 = arith.constant 80 : i32
    %dma_start3A_54 = arith.constant 0 : i32
    %dma_start3A_55 = arith.constant 0 : i32
    %dma_start3A_56 = tpu.memref_slice %arg15[%dma_start3A_54, %dma_start3A_55] : memref<10112x128xf32, #tpu.memory_space<vmem_shared>> -> memref<10112x128xf32, #tpu.memory_space<vmem_shared>>
    tpu.enqueue_indirect_dma source(%arg13 : memref<80x128xf32, #tpu.memory_space<vmem>>) target(%dma_start3A_56 : memref<10112x128xf32, #tpu.memory_space<vmem_shared>>) offsets(%arg9 : memref<80xi32, #tpu.memory_space<vmem>>) semaphore(%arg20 : memref<!tpu.dma_semaphore, #tpu.memory_space<semaphore_mem>>) {add = true}
    %add3A_57 = arith.constant 80 : i32
    %add3A_58 = arith.addi %mul3A_5, %add3A_57 : i32
    "tpu.region"() ({
      %run_scoped3A = tpu.sem_alloc : memref<!tpu.dma_semaphore, #tpu.memory_space<semaphore_mem>>
      %dma_start3A_139 = tpu.memref_slice %arg5[%add3A_58] : memref<320000xi32, #tpu.memory_space<hbm>> -> memref<80xi32, #tpu.memory_space<hbm>>
      %dma_start3A_140 = tpu.memref_slice %arg5[%add3A_58] : memref<320000xi32, #tpu.memory_space<hbm>> -> memref<80xi32, #tpu.memory_space<hbm>>
      tpu.enqueue_dma source(%dma_start3A_140 : memref<80xi32, #tpu.memory_space<hbm>>) target(%arg8 : memref<80xi32, #tpu.memory_space<vmem>>) target_semaphore(%run_scoped3A : memref<!tpu.dma_semaphore, #tpu.memory_space<semaphore_mem>>)
      %dma_wait3A_141 = tpu.memref_slice %arg5[%add3A_58] : memref<320000xi32, #tpu.memory_space<hbm>> -> memref<80xi32, #tpu.memory_space<hbm>>
      %dma_wait3A_142 = tpu.memref_slice %arg5[%add3A_58] : memref<320000xi32, #tpu.memory_space<hbm>> -> memref<80xi32, #tpu.memory_space<hbm>>
      tpu.wait_dma2 semaphore(%run_scoped3A : memref<!tpu.dma_semaphore, #tpu.memory_space<semaphore_mem>>) src(%dma_wait3A_142 : memref<80xi32, #tpu.memory_space<hbm>>) dst(%arg8 : memref<80xi32, #tpu.memory_space<vmem>>)
      tpu.yield
    }) : () -> ()
    "tpu.region"() ({
      %run_scoped3A = tpu.sem_alloc : memref<!tpu.dma_semaphore, #tpu.memory_space<semaphore_mem>>
      %dma_start3A_139 = tpu.memref_slice %arg6[%add3A_58] : memref<320000xi32, #tpu.memory_space<hbm>> -> memref<80xi32, #tpu.memory_space<hbm>>
      %dma_start3A_140 = tpu.memref_slice %arg6[%add3A_58] : memref<320000xi32, #tpu.memory_space<hbm>> -> memref<80xi32, #tpu.memory_space<hbm>>
      tpu.enqueue_dma source(%dma_start3A_140 : memref<80xi32, #tpu.memory_space<hbm>>) target(%arg10 : memref<80xi32, #tpu.memory_space<vmem>>) target_semaphore(%run_scoped3A : memref<!tpu.dma_semaphore, #tpu.memory_space<semaphore_mem>>)
      %dma_wait3A_141 = tpu.memref_slice %arg6[%add3A_58] : memref<320000xi32, #tpu.memory_space<hbm>> -> memref<80xi32, #tpu.memory_space<hbm>>
      %dma_wait3A_142 = tpu.memref_slice %arg6[%add3A_58] : memref<320000xi32, #tpu.memory_space<hbm>> -> memref<80xi32, #tpu.memory_space<hbm>>
      tpu.wait_dma2 semaphore(%run_scoped3A : memref<!tpu.dma_semaphore, #tpu.memory_space<semaphore_mem>>) src(%dma_wait3A_142 : memref<80xi32, #tpu.memory_space<hbm>>) dst(%arg10 : memref<80xi32, #tpu.memory_space<vmem>>)
      tpu.yield
    }) : () -> ()
    %dma_start3A_59 = arith.constant 0 : i32
    %dma_start3A_60 = tpu.memref_slice %arg4[%add3A_58, %dma_start3A_59] : memref<320000x128xf32, #tpu.memory_space<hbm>> -> memref<80x128xf32, #tpu.memory_space<hbm>>
    %dma_start3A_61 = arith.constant 0 : i32
    %dma_start3A_62 = tpu.memref_slice %arg4[%add3A_58, %dma_start3A_61] : memref<320000x128xf32, #tpu.memory_space<hbm>> -> memref<80x128xf32, #tpu.memory_space<hbm>>
    tpu.enqueue_dma source(%dma_start3A_62 : memref<80x128xf32, #tpu.memory_space<hbm>>) target(%arg14 : memref<80x128xf32, #tpu.memory_space<vmem>>) target_semaphore(%arg19 : memref<!tpu.dma_semaphore, #tpu.memory_space<semaphore_mem>>)
    %dma_start3A_63 = arith.constant 0 : i32
    %dma_start3A_64 = arith.constant 0 : i32
    %dma_start3A_65 = tpu.memref_slice %arg2[%dma_start3A_63, %dma_start3A_64] : memref<10000x128xf32, #tpu.memory_space<hbm>> -> memref<10000x128xf32, #tpu.memory_space<hbm>>
    tpu.enqueue_indirect_dma source(%dma_start3A_65 : memref<10000x128xf32, #tpu.memory_space<hbm>>) target(%arg11 : memref<80x128xf32, #tpu.memory_space<vmem>>) offsets(%arg8 : memref<80xi32, #tpu.memory_space<vmem>>) semaphore(%arg16 : memref<!tpu.dma_semaphore, #tpu.memory_space<semaphore_mem>>)
    %dma_start3A_66 = arith.constant 0 : i32
    %dma_start3A_67 = arith.constant 0 : i32
    %dma_start3A_68 = tpu.memref_slice %arg3[%dma_start3A_66, %dma_start3A_67] : memref<10000x128xf32, #tpu.memory_space<hbm>> -> memref<10000x128xf32, #tpu.memory_space<hbm>>
    tpu.enqueue_indirect_dma source(%dma_start3A_68 : memref<10000x128xf32, #tpu.memory_space<hbm>>) target(%arg12 : memref<80x128xf32, #tpu.memory_space<vmem>>) offsets(%arg10 : memref<80xi32, #tpu.memory_space<vmem>>) semaphore(%arg17 : memref<!tpu.dma_semaphore, #tpu.memory_space<semaphore_mem>>)
    %scan3A_69 = arith.constant 0 : i32
    %scan3A_70 = arith.constant 0 : i32
    %scan3A_71 = arith.constant 61 : i32
    %scan3A_72 = arith.addi %scan3A_70, %scan3A_71 : i32
    %scan3A_73 = arith.constant 1 : i32
    scf.for %scan3A_139 = %scan3A_70 to %scan3A_72 step %scan3A_73  : i32 {
      %mul3A_140 = arith.constant 2 : i32
      %mul3A_141 = arith.muli %mul3A_140, %scan3A_139 : i32
      %add3A_142 = arith.constant 1 : i32
      %add3A_143 = arith.addi %mul3A_141, %add3A_142 : i32
      %mul3A_144 = arith.constant 80 : i32
      %mul3A_145 = arith.muli %add3A_143, %mul3A_144 : i32
      %add3A_146 = arith.addi %mul3A_5, %mul3A_145 : i32
      %dma_wait3A_147 = arith.constant 0 : i32
      %dma_wait3A_148 = tpu.memref_slice %arg4[%add3A_146, %dma_wait3A_147] : memref<320000x128xf32, #tpu.memory_space<hbm>> -> memref<80x128xf32, #tpu.memory_space<hbm>>
      %dma_wait3A_149 = arith.constant 0 : i32
      %dma_wait3A_150 = tpu.memref_slice %arg4[%add3A_146, %dma_wait3A_149] : memref<320000x128xf32, #tpu.memory_space<hbm>> -> memref<80x128xf32, #tpu.memory_space<hbm>>
      tpu.wait_dma2 semaphore(%arg19 : memref<!tpu.dma_semaphore, #tpu.memory_space<semaphore_mem>>) src(%dma_wait3A_150 : memref<80x128xf32, #tpu.memory_space<hbm>>) dst(%arg14 : memref<80x128xf32, #tpu.memory_space<vmem>>)
      %dma_wait3A_151 = arith.constant 0 : i32
      %dma_wait3A_152 = arith.constant 0 : i32
      %dma_wait3A_153 = tpu.memref_slice %arg2[%dma_wait3A_151, %dma_wait3A_152] : memref<10000x128xf32, #tpu.memory_space<hbm>> -> memref<10000x128xf32, #tpu.memory_space<hbm>>
      tpu.wait_indirect_dma semaphore(%arg16 : memref<!tpu.dma_semaphore, #tpu.memory_space<semaphore_mem>>) src(%dma_wait3A_153 : memref<10000x128xf32, #tpu.memory_space<hbm>>) dst(%arg11 : memref<80x128xf32, #tpu.memory_space<vmem>>)
      %dma_wait3A_154 = arith.constant 0 : i32
      %dma_wait3A_155 = arith.constant 0 : i32
      %dma_wait3A_156 = tpu.memref_slice %arg3[%dma_wait3A_154, %dma_wait3A_155] : memref<10000x128xf32, #tpu.memory_space<hbm>> -> memref<10000x128xf32, #tpu.memory_space<hbm>>
      tpu.wait_indirect_dma semaphore(%arg17 : memref<!tpu.dma_semaphore, #tpu.memory_space<semaphore_mem>>) src(%dma_wait3A_156 : memref<10000x128xf32, #tpu.memory_space<hbm>>) dst(%arg12 : memref<80x128xf32, #tpu.memory_space<vmem>>)
      %dma_wait3A_157 = arith.constant 0 : i32
      %dma_wait3A_158 = arith.constant 0 : i32
      %dma_wait3A_159 = tpu.memref_slice %arg15[%dma_wait3A_157, %dma_wait3A_158] : memref<10112x128xf32, #tpu.memory_space<vmem_shared>> -> memref<10112x128xf32, #tpu.memory_space<vmem_shared>>
      tpu.wait_indirect_dma semaphore(%arg20 : memref<!tpu.dma_semaphore, #tpu.memory_space<semaphore_mem>>) src(%arg13 : memref<80x128xf32, #tpu.memory_space<vmem>>) dst(%dma_wait3A_159 : memref<10112x128xf32, #tpu.memory_space<vmem_shared>>)
      %scan3A_160 = arith.constant 0 : i32
      %scan3A_161 = arith.constant 0 : i32
      %scan3A_162 = arith.constant 80 : i32
      %scan3A_163 = arith.addi %scan3A_161, %scan3A_162 : i32
      %scan3A_164 = arith.constant 1 : i32
      scf.for %scan3A_217 = %scan3A_161 to %scan3A_163 step %scan3A_164  : i32 {
        %get3A = arith.index_cast %scan3A_217 : i32 to index
        %get3A_218 = arith.constant 0 : index
        %get3A_219 = tpu.vector_load %arg11[%get3A, %get3A_218] {strides = array<i32>} : memref<80x128xf32, #tpu.memory_space<vmem>>, vector<1x16xf32>,
        %get3A_220 = vector.shape_cast %get3A_219 : vector<1x16xf32> to vector<16xf32>
        %get3A_221 = arith.index_cast %scan3A_217 : i32 to index
        %get3A_222 = arith.constant 0 : index
        %get3A_223 = tpu.vector_load %arg12[%get3A_221, %get3A_222] {strides = array<i32>} : memref<80x128xf32, #tpu.memory_space<vmem>>, vector<1x16xf32>,
        %get3A_224 = vector.shape_cast %get3A_223 : vector<1x16xf32> to vector<16xf32>
        %add3A_225 = arith.addf %get3A_220, %get3A_224 : vector<16xf32>
        %get3A_226 = arith.index_cast %scan3A_217 : i32 to index
        %get3A_227 = arith.constant 0 : index
        %get3A_228 = tpu.vector_load %arg14[%get3A_226, %get3A_227] {strides = array<i32>} : memref<80x128xf32, #tpu.memory_space<vmem>>, vector<1x16xf32>,
        %get3A_229 = vector.shape_cast %get3A_228 : vector<1x16xf32> to vector<16xf32>
        %add3A_230 = arith.addf %add3A_225, %get3A_229 : vector<16xf32>
        %max3A = arith.constant 0.000000e+00 : f32
        %max3A_231 = vector.broadcast %max3A : f32 to vector<16xf32>
        %max3A_232 = arith.maximumf %add3A_230, %max3A_231 : vector<16xf32>
        %swap3A = arith.index_cast %scan3A_217 : i32 to index
        %swap3A_233 = arith.constant 0 : index
        %swap3A_234 = tpu.vector_load %arg14[%swap3A, %swap3A_233] {strides = array<i32>} : memref<80x128xf32, #tpu.memory_space<vmem>>, vector<1x16xf32>,
        %swap3A_235 = vector.shape_cast %swap3A_234 : vector<1x16xf32> to vector<16xf32>
        %swap3A_236 = vector.shape_cast %max3A_232 : vector<16xf32> to vector<1x16xf32>
        tpu.vector_store %arg14[%swap3A, %swap3A_233], %swap3A_236 {strides = array<i32>} : memref<80x128xf32, #tpu.memory_space<vmem>>, vector<1x16xf32>,
        %get3A_237 = arith.index_cast %scan3A_217 : i32 to index
        %get3A_238 = arith.constant 16 : index
        %get3A_239 = tpu.vector_load %arg11[%get3A_237, %get3A_238] {strides = array<i32>} : memref<80x128xf32, #tpu.memory_space<vmem>>, vector<1x16xf32>,
        %get3A_240 = vector.shape_cast %get3A_239 : vector<1x16xf32> to vector<16xf32>
        %get3A_241 = arith.index_cast %scan3A_217 : i32 to index
        %get3A_242 = arith.constant 16 : index
        %get3A_243 = tpu.vector_load %arg12[%get3A_241, %get3A_242] {strides = array<i32>} : memref<80x128xf32, #tpu.memory_space<vmem>>, vector<1x16xf32>,
        %get3A_244 = vector.shape_cast %get3A_243 : vector<1x16xf32> to vector<16xf32>
        %add3A_245 = arith.addf %get3A_240, %get3A_244 : vector<16xf32>
        %get3A_246 = arith.index_cast %scan3A_217 : i32 to index
        %get3A_247 = arith.constant 16 : index
        %get3A_248 = tpu.vector_load %arg14[%get3A_246, %get3A_247] {strides = array<i32>} : memref<80x128xf32, #tpu.memory_space<vmem>>, vector<1x16xf32>,
        %get3A_249 = vector.shape_cast %get3A_248 : vector<1x16xf32> to vector<16xf32>
        %add3A_250 = arith.addf %add3A_245, %get3A_249 : vector<16xf32>
        %max3A_251 = arith.constant 0.000000e+00 : f32
        %max3A_252 = vector.broadcast %max3A_251 : f32 to vector<16xf32>
        %max3A_253 = arith.maximumf %add3A_250, %max3A_252 : vector<16xf32>
        %swap3A_254 = arith.index_cast %scan3A_217 : i32 to index
        %swap3A_255 = arith.constant 16 : index
        %swap3A_256 = tpu.vector_load %arg14[%swap3A_254, %swap3A_255] {strides = array<i32>} : memref<80x128xf32, #tpu.memory_space<vmem>>, vector<1x16xf32>,
        %swap3A_257 = vector.shape_cast %swap3A_256 : vector<1x16xf32> to vector<16xf32>
        %swap3A_258 = vector.shape_cast %max3A_253 : vector<16xf32> to vector<1x16xf32>
        tpu.vector_store %arg14[%swap3A_254, %swap3A_255], %swap3A_258 {strides = array<i32>} : memref<80x128xf32, #tpu.memory_space<vmem>>, vector<1x16xf32>,
        %get3A_259 = arith.index_cast %scan3A_217 : i32 to index
        %get3A_260 = arith.constant 32 : index
        %get3A_261 = tpu.vector_load %arg11[%get3A_259, %get3A_260] {strides = array<i32>} : memref<80x128xf32, #tpu.memory_space<vmem>>, vector<1x16xf32>,
        %get3A_262 = vector.shape_cast %get3A_261 : vector<1x16xf32> to vector<16xf32>
        %get3A_263 = arith.index_cast %scan3A_217 : i32 to index
        %get3A_264 = arith.constant 32 : index
        %get3A_265 = tpu.vector_load %arg12[%get3A_263, %get3A_264] {strides = array<i32>} : memref<80x128xf32, #tpu.memory_space<vmem>>, vector<1x16xf32>,
        %get3A_266 = vector.shape_cast %get3A_265 : vector<1x16xf32> to vector<16xf32>
        %add3A_267 = arith.addf %get3A_262, %get3A_266 : vector<16xf32>
        %get3A_268 = arith.index_cast %scan3A_217 : i32 to index
        %get3A_269 = arith.constant 32 : index
        %get3A_270 = tpu.vector_load %arg14[%get3A_268, %get3A_269] {strides = array<i32>} : memref<80x128xf32, #tpu.memory_space<vmem>>, vector<1x16xf32>,
        %get3A_271 = vector.shape_cast %get3A_270 : vector<1x16xf32> to vector<16xf32>
        %add3A_272 = arith.addf %add3A_267, %get3A_271 : vector<16xf32>
        %max3A_273 = arith.constant 0.000000e+00 : f32
        %max3A_274 = vector.broadcast %max3A_273 : f32 to vector<16xf32>
        %max3A_275 = arith.maximumf %add3A_272, %max3A_274 : vector<16xf32>
        %swap3A_276 = arith.index_cast %scan3A_217 : i32 to index
        %swap3A_277 = arith.constant 32 : index
        %swap3A_278 = tpu.vector_load %arg14[%swap3A_276, %swap3A_277] {strides = array<i32>} : memref<80x128xf32, #tpu.memory_space<vmem>>, vector<1x16xf32>,
        %swap3A_279 = vector.shape_cast %swap3A_278 : vector<1x16xf32> to vector<16xf32>
        %swap3A_280 = vector.shape_cast %max3A_275 : vector<16xf32> to vector<1x16xf32>
        tpu.vector_store %arg14[%swap3A_276, %swap3A_277], %swap3A_280 {strides = array<i32>} : memref<80x128xf32, #tpu.memory_space<vmem>>, vector<1x16xf32>,
        %get3A_281 = arith.index_cast %scan3A_217 : i32 to index
        %get3A_282 = arith.constant 48 : index
        %get3A_283 = tpu.vector_load %arg11[%get3A_281, %get3A_282] {strides = array<i32>} : memref<80x128xf32, #tpu.memory_space<vmem>>, vector<1x16xf32>,
        %get3A_284 = vector.shape_cast %get3A_283 : vector<1x16xf32> to vector<16xf32>
        %get3A_285 = arith.index_cast %scan3A_217 : i32 to index
        %get3A_286 = arith.constant 48 : index
        %get3A_287 = tpu.vector_load %arg12[%get3A_285, %get3A_286] {strides = array<i32>} : memref<80x128xf32, #tpu.memory_space<vmem>>, vector<1x16xf32>,
        %get3A_288 = vector.shape_cast %get3A_287 : vector<1x16xf32> to vector<16xf32>
        %add3A_289 = arith.addf %get3A_284, %get3A_288 : vector<16xf32>
        %get3A_290 = arith.index_cast %scan3A_217 : i32 to index
        %get3A_291 = arith.constant 48 : index
        %get3A_292 = tpu.vector_load %arg14[%get3A_290, %get3A_291] {strides = array<i32>} : memref<80x128xf32, #tpu.memory_space<vmem>>, vector<1x16xf32>,
        %get3A_293 = vector.shape_cast %get3A_292 : vector<1x16xf32> to vector<16xf32>
        %add3A_294 = arith.addf %add3A_289, %get3A_293 : vector<16xf32>
        %max3A_295 = arith.constant 0.000000e+00 : f32
        %max3A_296 = vector.broadcast %max3A_295 : f32 to vector<16xf32>
        %max3A_297 = arith.maximumf %add3A_294, %max3A_296 : vector<16xf32>
        %swap3A_298 = arith.index_cast %scan3A_217 : i32 to index
        %swap3A_299 = arith.constant 48 : index
        %swap3A_300 = tpu.vector_load %arg14[%swap3A_298, %swap3A_299] {strides = array<i32>} : memref<80x128xf32, #tpu.memory_space<vmem>>, vector<1x16xf32>,
        %swap3A_301 = vector.shape_cast %swap3A_300 : vector<1x16xf32> to vector<16xf32>
        %swap3A_302 = vector.shape_cast %max3A_297 : vector<16xf32> to vector<1x16xf32>
        tpu.vector_store %arg14[%swap3A_298, %swap3A_299], %swap3A_302 {strides = array<i32>} : memref<80x128xf32, #tpu.memory_space<vmem>>, vector<1x16xf32>,
        %get3A_303 = arith.index_cast %scan3A_217 : i32 to index
        %get3A_304 = arith.constant 64 : index
        %get3A_305 = tpu.vector_load %arg11[%get3A_303, %get3A_304] {strides = array<i32>} : memref<80x128xf32, #tpu.memory_space<vmem>>, vector<1x16xf32>,
        %get3A_306 = vector.shape_cast %get3A_305 : vector<1x16xf32> to vector<16xf32>
        %get3A_307 = arith.index_cast %scan3A_217 : i32 to index
        %get3A_308 = arith.constant 64 : index
        %get3A_309 = tpu.vector_load %arg12[%get3A_307, %get3A_308] {strides = array<i32>} : memref<80x128xf32, #tpu.memory_space<vmem>>, vector<1x16xf32>,
        %get3A_310 = vector.shape_cast %get3A_309 : vector<1x16xf32> to vector<16xf32>
        %add3A_311 = arith.addf %get3A_306, %get3A_310 : vector<16xf32>
        %get3A_312 = arith.index_cast %scan3A_217 : i32 to index
        %get3A_313 = arith.constant 64 : index
        %get3A_314 = tpu.vector_load %arg14[%get3A_312, %get3A_313] {strides = array<i32>} : memref<80x128xf32, #tpu.memory_space<vmem>>, vector<1x16xf32>,
        %get3A_315 = vector.shape_cast %get3A_314 : vector<1x16xf32> to vector<16xf32>
        %add3A_316 = arith.addf %add3A_311, %get3A_315 : vector<16xf32>
        %max3A_317 = arith.constant 0.000000e+00 : f32
        %max3A_318 = vector.broadcast %max3A_317 : f32 to vector<16xf32>
        %max3A_319 = arith.maximumf %add3A_316, %max3A_318 : vector<16xf32>
        %swap3A_320 = arith.index_cast %scan3A_217 : i32 to index
        %swap3A_321 = arith.constant 64 : index
        %swap3A_322 = tpu.vector_load %arg14[%swap3A_320, %swap3A_321] {strides = array<i32>} : memref<80x128xf32, #tpu.memory_space<vmem>>, vector<1x16xf32>,
        %swap3A_323 = vector.shape_cast %swap3A_322 : vector<1x16xf32> to vector<16xf32>
        %swap3A_324 = vector.shape_cast %max3A_319 : vector<16xf32> to vector<1x16xf32>
        tpu.vector_store %arg14[%swap3A_320, %swap3A_321], %swap3A_324 {strides = array<i32>} : memref<80x128xf32, #tpu.memory_space<vmem>>, vector<1x16xf32>,
        %get3A_325 = arith.index_cast %scan3A_217 : i32 to index
        %get3A_326 = arith.constant 80 : index
        %get3A_327 = tpu.vector_load %arg11[%get3A_325, %get3A_326] {strides = array<i32>} : memref<80x128xf32, #tpu.memory_space<vmem>>, vector<1x16xf32>,
        %get3A_328 = vector.shape_cast %get3A_327 : vector<1x16xf32> to vector<16xf32>
        %get3A_329 = arith.index_cast %scan3A_217 : i32 to index
        %get3A_330 = arith.constant 80 : index
        %get3A_331 = tpu.vector_load %arg12[%get3A_329, %get3A_330] {strides = array<i32>} : memref<80x128xf32, #tpu.memory_space<vmem>>, vector<1x16xf32>,
        %get3A_332 = vector.shape_cast %get3A_331 : vector<1x16xf32> to vector<16xf32>
        %add3A_333 = arith.addf %get3A_328, %get3A_332 : vector<16xf32>
        %get3A_334 = arith.index_cast %scan3A_217 : i32 to index
        %get3A_335 = arith.constant 80 : index
        %get3A_336 = tpu.vector_load %arg14[%get3A_334, %get3A_335] {strides = array<i32>} : memref<80x128xf32, #tpu.memory_space<vmem>>, vector<1x16xf32>,
        %get3A_337 = vector.shape_cast %get3A_336 : vector<1x16xf32> to vector<16xf32>
        %add3A_338 = arith.addf %add3A_333, %get3A_337 : vector<16xf32>
        %max3A_339 = arith.constant 0.000000e+00 : f32
        %max3A_340 = vector.broadcast %max3A_339 : f32 to vector<16xf32>
        %max3A_341 = arith.maximumf %add3A_338, %max3A_340 : vector<16xf32>
        %swap3A_342 = arith.index_cast %scan3A_217 : i32 to index
        %swap3A_343 = arith.constant 80 : index
        %swap3A_344 = tpu.vector_load %arg14[%swap3A_342, %swap3A_343] {strides = array<i32>} : memref<80x128xf32, #tpu.memory_space<vmem>>, vector<1x16xf32>,
        %swap3A_345 = vector.shape_cast %swap3A_344 : vector<1x16xf32> to vector<16xf32>
        %swap3A_346 = vector.shape_cast %max3A_341 : vector<16xf32> to vector<1x16xf32>
        tpu.vector_store %arg14[%swap3A_342, %swap3A_343], %swap3A_346 {strides = array<i32>} : memref<80x128xf32, #tpu.memory_space<vmem>>, vector<1x16xf32>,
        %get3A_347 = arith.index_cast %scan3A_217 : i32 to index
        %get3A_348 = arith.constant 96 : index
        %get3A_349 = tpu.vector_load %arg11[%get3A_347, %get3A_348] {strides = array<i32>} : memref<80x128xf32, #tpu.memory_space<vmem>>, vector<1x16xf32>,
        %get3A_350 = vector.shape_cast %get3A_349 : vector<1x16xf32> to vector<16xf32>
        %get3A_351 = arith.index_cast %scan3A_217 : i32 to index
        %get3A_352 = arith.constant 96 : index
        %get3A_353 = tpu.vector_load %arg12[%get3A_351, %get3A_352] {strides = array<i32>} : memref<80x128xf32, #tpu.memory_space<vmem>>, vector<1x16xf32>,
        %get3A_354 = vector.shape_cast %get3A_353 : vector<1x16xf32> to vector<16xf32>
        %add3A_355 = arith.addf %get3A_350, %get3A_354 : vector<16xf32>
        %get3A_356 = arith.index_cast %scan3A_217 : i32 to index
        %get3A_357 = arith.constant 96 : index
        %get3A_358 = tpu.vector_load %arg14[%get3A_356, %get3A_357] {strides = array<i32>} : memref<80x128xf32, #tpu.memory_space<vmem>>, vector<1x16xf32>,
        %get3A_359 = vector.shape_cast %get3A_358 : vector<1x16xf32> to vector<16xf32>
        %add3A_360 = arith.addf %add3A_355, %get3A_359 : vector<16xf32>
        %max3A_361 = arith.constant 0.000000e+00 : f32
        %max3A_362 = vector.broadcast %max3A_361 : f32 to vector<16xf32>
        %max3A_363 = arith.maximumf %add3A_360, %max3A_362 : vector<16xf32>
        %swap3A_364 = arith.index_cast %scan3A_217 : i32 to index
        %swap3A_365 = arith.constant 96 : index
        %swap3A_366 = tpu.vector_load %arg14[%swap3A_364, %swap3A_365] {strides = array<i32>} : memref<80x128xf32, #tpu.memory_space<vmem>>, vector<1x16xf32>,
        %swap3A_367 = vector.shape_cast %swap3A_366 : vector<1x16xf32> to vector<16xf32>
        %swap3A_368 = vector.shape_cast %max3A_363 : vector<16xf32> to vector<1x16xf32>
        tpu.vector_store %arg14[%swap3A_364, %swap3A_365], %swap3A_368 {strides = array<i32>} : memref<80x128xf32, #tpu.memory_space<vmem>>, vector<1x16xf32>,
        %get3A_369 = arith.index_cast %scan3A_217 : i32 to index
        %get3A_370 = arith.constant 112 : index
        %get3A_371 = tpu.vector_load %arg11[%get3A_369, %get3A_370] {strides = array<i32>} : memref<80x128xf32, #tpu.memory_space<vmem>>, vector<1x16xf32>,
        %get3A_372 = vector.shape_cast %get3A_371 : vector<1x16xf32> to vector<16xf32>
        %get3A_373 = arith.index_cast %scan3A_217 : i32 to index
        %get3A_374 = arith.constant 112 : index
        %get3A_375 = tpu.vector_load %arg12[%get3A_373, %get3A_374] {strides = array<i32>} : memref<80x128xf32, #tpu.memory_space<vmem>>, vector<1x16xf32>,
        %get3A_376 = vector.shape_cast %get3A_375 : vector<1x16xf32> to vector<16xf32>
        %add3A_377 = arith.addf %get3A_372, %get3A_376 : vector<16xf32>
        %get3A_378 = arith.index_cast %scan3A_217 : i32 to index
        %get3A_379 = arith.constant 112 : index
        %get3A_380 = tpu.vector_load %arg14[%get3A_378, %get3A_379] {strides = array<i32>} : memref<80x128xf32, #tpu.memory_space<vmem>>, vector<1x16xf32>,
        %get3A_381 = vector.shape_cast %get3A_380 : vector<1x16xf32> to vector<16xf32>
        %add3A_382 = arith.addf %add3A_377, %get3A_381 : vector<16xf32>
        %max3A_383 = arith.constant 0.000000e+00 : f32
        %max3A_384 = vector.broadcast %max3A_383 : f32 to vector<16xf32>
        %max3A_385 = arith.maximumf %add3A_382, %max3A_384 : vector<16xf32>
        %swap3A_386 = arith.index_cast %scan3A_217 : i32 to index
        %swap3A_387 = arith.constant 112 : index
        %swap3A_388 = tpu.vector_load %arg14[%swap3A_386, %swap3A_387] {strides = array<i32>} : memref<80x128xf32, #tpu.memory_space<vmem>>, vector<1x16xf32>,
        %swap3A_389 = vector.shape_cast %swap3A_388 : vector<1x16xf32> to vector<16xf32>
        %swap3A_390 = vector.shape_cast %max3A_385 : vector<16xf32> to vector<1x16xf32>
        tpu.vector_store %arg14[%swap3A_386, %swap3A_387], %swap3A_390 {strides = array<i32>} : memref<80x128xf32, #tpu.memory_space<vmem>>, vector<1x16xf32>,
      }
      %scan3A_165 = arith.constant 80 : i32
      %dma_start3A_166 = arith.constant 0 : i32
      %dma_start3A_167 = arith.constant 0 : i32
      %dma_start3A_168 = tpu.memref_slice %arg15[%dma_start3A_166, %dma_start3A_167] : memref<10112x128xf32, #tpu.memory_space<vmem_shared>> -> memref<10112x128xf32, #tpu.memory_space<vmem_shared>>
      tpu.enqueue_indirect_dma source(%arg14 : memref<80x128xf32, #tpu.memory_space<vmem>>) target(%dma_start3A_168 : memref<10112x128xf32, #tpu.memory_space<vmem_shared>>) offsets(%arg10 : memref<80xi32, #tpu.memory_space<vmem>>) semaphore(%arg20 : memref<!tpu.dma_semaphore, #tpu.memory_space<semaphore_mem>>) {add = true}
      %add3A_169 = arith.constant 80 : i32
      %add3A_170 = arith.addi %add3A_146, %add3A_169 : i32
      "tpu.region"() ({
        %run_scoped3A = tpu.sem_alloc : memref<!tpu.dma_semaphore, #tpu.memory_space<semaphore_mem>>
        %dma_start3A_217 = tpu.memref_slice %arg5[%add3A_170] : memref<320000xi32, #tpu.memory_space<hbm>> -> memref<80xi32, #tpu.memory_space<hbm>>
        %dma_start3A_218 = tpu.memref_slice %arg5[%add3A_170] : memref<320000xi32, #tpu.memory_space<hbm>> -> memref<80xi32, #tpu.memory_space<hbm>>
        tpu.enqueue_dma source(%dma_start3A_218 : memref<80xi32, #tpu.memory_space<hbm>>) target(%arg8 : memref<80xi32, #tpu.memory_space<vmem>>) target_semaphore(%run_scoped3A : memref<!tpu.dma_semaphore, #tpu.memory_space<semaphore_mem>>)
        %dma_wait3A_219 = tpu.memref_slice %arg5[%add3A_170] : memref<320000xi32, #tpu.memory_space<hbm>> -> memref<80xi32, #tpu.memory_space<hbm>>
        %dma_wait3A_220 = tpu.memref_slice %arg5[%add3A_170] : memref<320000xi32, #tpu.memory_space<hbm>> -> memref<80xi32, #tpu.memory_space<hbm>>
        tpu.wait_dma2 semaphore(%run_scoped3A : memref<!tpu.dma_semaphore, #tpu.memory_space<semaphore_mem>>) src(%dma_wait3A_220 : memref<80xi32, #tpu.memory_space<hbm>>) dst(%arg8 : memref<80xi32, #tpu.memory_space<vmem>>)
        tpu.yield
      }) : () -> ()
      "tpu.region"() ({
        %run_scoped3A = tpu.sem_alloc : memref<!tpu.dma_semaphore, #tpu.memory_space<semaphore_mem>>
        %dma_start3A_217 = tpu.memref_slice %arg6[%add3A_170] : memref<320000xi32, #tpu.memory_space<hbm>> -> memref<80xi32, #tpu.memory_space<hbm>>
        %dma_start3A_218 = tpu.memref_slice %arg6[%add3A_170] : memref<320000xi32, #tpu.memory_space<hbm>> -> memref<80xi32, #tpu.memory_space<hbm>>
        tpu.enqueue_dma source(%dma_start3A_218 : memref<80xi32, #tpu.memory_space<hbm>>) target(%arg9 : memref<80xi32, #tpu.memory_space<vmem>>) target_semaphore(%run_scoped3A : memref<!tpu.dma_semaphore, #tpu.memory_space<semaphore_mem>>)
        %dma_wait3A_219 = tpu.memref_slice %arg6[%add3A_170] : memref<320000xi32, #tpu.memory_space<hbm>> -> memref<80xi32, #tpu.memory_space<hbm>>
        %dma_wait3A_220 = tpu.memref_slice %arg6[%add3A_170] : memref<320000xi32, #tpu.memory_space<hbm>> -> memref<80xi32, #tpu.memory_space<hbm>>
        tpu.wait_dma2 semaphore(%run_scoped3A : memref<!tpu.dma_semaphore, #tpu.memory_space<semaphore_mem>>) src(%dma_wait3A_220 : memref<80xi32, #tpu.memory_space<hbm>>) dst(%arg9 : memref<80xi32, #tpu.memory_space<vmem>>)
        tpu.yield
      }) : () -> ()
      %dma_start3A_171 = arith.constant 0 : i32
      %dma_start3A_172 = tpu.memref_slice %arg4[%add3A_170, %dma_start3A_171] : memref<320000x128xf32, #tpu.memory_space<hbm>> -> memref<80x128xf32, #tpu.memory_space<hbm>>
      %dma_start3A_173 = arith.constant 0 : i32
      %dma_start3A_174 = tpu.memref_slice %arg4[%add3A_170, %dma_start3A_173] : memref<320000x128xf32, #tpu.memory_space<hbm>> -> memref<80x128xf32, #tpu.memory_space<hbm>>
      tpu.enqueue_dma source(%dma_start3A_174 : memref<80x128xf32, #tpu.memory_space<hbm>>) target(%arg13 : memref<80x128xf32, #tpu.memory_space<vmem>>) target_semaphore(%arg18 : memref<!tpu.dma_semaphore, #tpu.memory_space<semaphore_mem>>)
      %dma_start3A_175 = arith.constant 0 : i32
      %dma_start3A_176 = arith.constant 0 : i32
      %dma_start3A_177 = tpu.memref_slice %arg2[%dma_start3A_175, %dma_start3A_176] : memref<10000x128xf32, #tpu.memory_space<hbm>> -> memref<10000x128xf32, #tpu.memory_space<hbm>>
      tpu.enqueue_indirect_dma source(%dma_start3A_177 : memref<10000x128xf32, #tpu.memory_space<hbm>>) target(%arg11 : memref<80x128xf32, #tpu.memory_space<vmem>>) offsets(%arg8 : memref<80xi32, #tpu.memory_space<vmem>>) semaphore(%arg16 : memref<!tpu.dma_semaphore, #tpu.memory_space<semaphore_mem>>)
      %dma_start3A_178 = arith.constant 0 : i32
      %dma_start3A_179 = arith.constant 0 : i32
      %dma_start3A_180 = tpu.memref_slice %arg3[%dma_start3A_178, %dma_start3A_179] : memref<10000x128xf32, #tpu.memory_space<hbm>> -> memref<10000x128xf32, #tpu.memory_space<hbm>>
      tpu.enqueue_indirect_dma source(%dma_start3A_180 : memref<10000x128xf32, #tpu.memory_space<hbm>>) target(%arg12 : memref<80x128xf32, #tpu.memory_space<vmem>>) offsets(%arg9 : memref<80xi32, #tpu.memory_space<vmem>>) semaphore(%arg17 : memref<!tpu.dma_semaphore, #tpu.memory_space<semaphore_mem>>)
      %add3A_181 = arith.constant 80 : i32
      %add3A_182 = arith.addi %add3A_146, %add3A_181 : i32
      %dma_wait3A_183 = arith.constant 0 : i32
      %dma_wait3A_184 = tpu.memref_slice %arg4[%add3A_182, %dma_wait3A_183] : memref<320000x128xf32, #tpu.memory_space<hbm>> -> memref<80x128xf32, #tpu.memory_space<hbm>>
      %dma_wait3A_185 = arith.constant 0 : i32
      %dma_wait3A_186 = tpu.memref_slice %arg4[%add3A_182, %dma_wait3A_185] : memref<320000x128xf32, #tpu.memory_space<hbm>> -> memref<80x128xf32, #tpu.memory_space<hbm>>
      tpu.wait_dma2 semaphore(%arg18 : memref<!tpu.dma_semaphore, #tpu.memory_space<semaphore_mem>>) src(%dma_wait3A_186 : memref<80x128xf32, #tpu.memory_space<hbm>>) dst(%arg13 : memref<80x128xf32, #tpu.memory_space<vmem>>)
      %dma_wait3A_187 = arith.constant 0 : i32
      %dma_wait3A_188 = arith.constant 0 : i32
      %dma_wait3A_189 = tpu.memref_slice %arg2[%dma_wait3A_187, %dma_wait3A_188] : memref<10000x128xf32, #tpu.memory_space<hbm>> -> memref<10000x128xf32, #tpu.memory_space<hbm>>
      tpu.wait_indirect_dma semaphore(%arg16 : memref<!tpu.dma_semaphore, #tpu.memory_space<semaphore_mem>>) src(%dma_wait3A_189 : memref<10000x128xf32, #tpu.memory_space<hbm>>) dst(%arg11 : memref<80x128xf32, #tpu.memory_space<vmem>>)
      %dma_wait3A_190 = arith.constant 0 : i32
      %dma_wait3A_191 = arith.constant 0 : i32
      %dma_wait3A_192 = tpu.memref_slice %arg3[%dma_wait3A_190, %dma_wait3A_191] : memref<10000x128xf32, #tpu.memory_space<hbm>> -> memref<10000x128xf32, #tpu.memory_space<hbm>>
      tpu.wait_indirect_dma semaphore(%arg17 : memref<!tpu.dma_semaphore, #tpu.memory_space<semaphore_mem>>) src(%dma_wait3A_192 : memref<10000x128xf32, #tpu.memory_space<hbm>>) dst(%arg12 : memref<80x128xf32, #tpu.memory_space<vmem>>)
      %dma_wait3A_193 = arith.constant 0 : i32
      %dma_wait3A_194 = arith.constant 0 : i32
      %dma_wait3A_195 = tpu.memref_slice %arg15[%dma_wait3A_193, %dma_wait3A_194] : memref<10112x128xf32, #tpu.memory_space<vmem_shared>> -> memref<10112x128xf32, #tpu.memory_space<vmem_shared>>
      tpu.wait_indirect_dma semaphore(%arg20 : memref<!tpu.dma_semaphore, #tpu.memory_space<semaphore_mem>>) src(%arg14 : memref<80x128xf32, #tpu.memory_space<vmem>>) dst(%dma_wait3A_195 : memref<10112x128xf32, #tpu.memory_space<vmem_shared>>)
      %scan3A_196 = arith.constant 0 : i32
      %scan3A_197 = arith.constant 0 : i32
      %scan3A_198 = arith.constant 80 : i32
      %scan3A_199 = arith.addi %scan3A_197, %scan3A_198 : i32
      %scan3A_200 = arith.constant 1 : i32
      scf.for %scan3A_217 = %scan3A_197 to %scan3A_199 step %scan3A_200  : i32 {
        %get3A = arith.index_cast %scan3A_217 : i32 to index
        %get3A_218 = arith.constant 0 : index
        %get3A_219 = tpu.vector_load %arg11[%get3A, %get3A_218] {strides = array<i32>} : memref<80x128xf32, #tpu.memory_space<vmem>>, vector<1x16xf32>,
        %get3A_220 = vector.shape_cast %get3A_219 : vector<1x16xf32> to vector<16xf32>
        %get3A_221 = arith.index_cast %scan3A_217 : i32 to index
        %get3A_222 = arith.constant 0 : index
        %get3A_223 = tpu.vector_load %arg12[%get3A_221, %get3A_222] {strides = array<i32>} : memref<80x128xf32, #tpu.memory_space<vmem>>, vector<1x16xf32>,
        %get3A_224 = vector.shape_cast %get3A_223 : vector<1x16xf32> to vector<16xf32>
        %add3A_225 = arith.addf %get3A_220, %get3A_224 : vector<16xf32>
        %get3A_226 = arith.index_cast %scan3A_217 : i32 to index
        %get3A_227 = arith.constant 0 : index
        %get3A_228 = tpu.vector_load %arg13[%get3A_226, %get3A_227] {strides = array<i32>} : memref<80x128xf32, #tpu.memory_space<vmem>>, vector<1x16xf32>,
        %get3A_229 = vector.shape_cast %get3A_228 : vector<1x16xf32> to vector<16xf32>
        %add3A_230 = arith.addf %add3A_225, %get3A_229 : vector<16xf32>
        %max3A = arith.constant 0.000000e+00 : f32
        %max3A_231 = vector.broadcast %max3A : f32 to vector<16xf32>
        %max3A_232 = arith.maximumf %add3A_230, %max3A_231 : vector<16xf32>
        %swap3A = arith.index_cast %scan3A_217 : i32 to index
        %swap3A_233 = arith.constant 0 : index
        %swap3A_234 = tpu.vector_load %arg13[%swap3A, %swap3A_233] {strides = array<i32>} : memref<80x128xf32, #tpu.memory_space<vmem>>, vector<1x16xf32>,
        %swap3A_235 = vector.shape_cast %swap3A_234 : vector<1x16xf32> to vector<16xf32>
        %swap3A_236 = vector.shape_cast %max3A_232 : vector<16xf32> to vector<1x16xf32>
        tpu.vector_store %arg13[%swap3A, %swap3A_233], %swap3A_236 {strides = array<i32>} : memref<80x128xf32, #tpu.memory_space<vmem>>, vector<1x16xf32>,
        %get3A_237 = arith.index_cast %scan3A_217 : i32 to index
        %get3A_238 = arith.constant 16 : index
        %get3A_239 = tpu.vector_load %arg11[%get3A_237, %get3A_238] {strides = array<i32>} : memref<80x128xf32, #tpu.memory_space<vmem>>, vector<1x16xf32>,
        %get3A_240 = vector.shape_cast %get3A_239 : vector<1x16xf32> to vector<16xf32>
        %get3A_241 = arith.index_cast %scan3A_217 : i32 to index
        %get3A_242 = arith.constant 16 : index
        %get3A_243 = tpu.vector_load %arg12[%get3A_241, %get3A_242] {strides = array<i32>} : memref<80x128xf32, #tpu.memory_space<vmem>>, vector<1x16xf32>,
        %get3A_244 = vector.shape_cast %get3A_243 : vector<1x16xf32> to vector<16xf32>
        %add3A_245 = arith.addf %get3A_240, %get3A_244 : vector<16xf32>
        %get3A_246 = arith.index_cast %scan3A_217 : i32 to index
        %get3A_247 = arith.constant 16 : index
        %get3A_248 = tpu.vector_load %arg13[%get3A_246, %get3A_247] {strides = array<i32>} : memref<80x128xf32, #tpu.memory_space<vmem>>, vector<1x16xf32>,
        %get3A_249 = vector.shape_cast %get3A_248 : vector<1x16xf32> to vector<16xf32>
        %add3A_250 = arith.addf %add3A_245, %get3A_249 : vector<16xf32>
        %max3A_251 = arith.constant 0.000000e+00 : f32
        %max3A_252 = vector.broadcast %max3A_251 : f32 to vector<16xf32>
        %max3A_253 = arith.maximumf %add3A_250, %max3A_252 : vector<16xf32>
        %swap3A_254 = arith.index_cast %scan3A_217 : i32 to index
        %swap3A_255 = arith.constant 16 : index
        %swap3A_256 = tpu.vector_load %arg13[%swap3A_254, %swap3A_255] {strides = array<i32>} : memref<80x128xf32, #tpu.memory_space<vmem>>, vector<1x16xf32>,
        %swap3A_257 = vector.shape_cast %swap3A_256 : vector<1x16xf32> to vector<16xf32>
        %swap3A_258 = vector.shape_cast %max3A_253 : vector<16xf32> to vector<1x16xf32>
        tpu.vector_store %arg13[%swap3A_254, %swap3A_255], %swap3A_258 {strides = array<i32>} : memref<80x128xf32, #tpu.memory_space<vmem>>, vector<1x16xf32>,
        %get3A_259 = arith.index_cast %scan3A_217 : i32 to index
        %get3A_260 = arith.constant 32 : index
        %get3A_261 = tpu.vector_load %arg11[%get3A_259, %get3A_260] {strides = array<i32>} : memref<80x128xf32, #tpu.memory_space<vmem>>, vector<1x16xf32>,
        %get3A_262 = vector.shape_cast %get3A_261 : vector<1x16xf32> to vector<16xf32>
        %get3A_263 = arith.index_cast %scan3A_217 : i32 to index
        %get3A_264 = arith.constant 32 : index
        %get3A_265 = tpu.vector_load %arg12[%get3A_263, %get3A_264] {strides = array<i32>} : memref<80x128xf32, #tpu.memory_space<vmem>>, vector<1x16xf32>,
        %get3A_266 = vector.shape_cast %get3A_265 : vector<1x16xf32> to vector<16xf32>
        %add3A_267 = arith.addf %get3A_262, %get3A_266 : vector<16xf32>
        %get3A_268 = arith.index_cast %scan3A_217 : i32 to index
        %get3A_269 = arith.constant 32 : index
        %get3A_270 = tpu.vector_load %arg13[%get3A_268, %get3A_269] {strides = array<i32>} : memref<80x128xf32, #tpu.memory_space<vmem>>, vector<1x16xf32>,
        %get3A_271 = vector.shape_cast %get3A_270 : vector<1x16xf32> to vector<16xf32>
        %add3A_272 = arith.addf %add3A_267, %get3A_271 : vector<16xf32>
        %max3A_273 = arith.constant 0.000000e+00 : f32
        %max3A_274 = vector.broadcast %max3A_273 : f32 to vector<16xf32>
        %max3A_275 = arith.maximumf %add3A_272, %max3A_274 : vector<16xf32>
        %swap3A_276 = arith.index_cast %scan3A_217 : i32 to index
        %swap3A_277 = arith.constant 32 : index
        %swap3A_278 = tpu.vector_load %arg13[%swap3A_276, %swap3A_277] {strides = array<i32>} : memref<80x128xf32, #tpu.memory_space<vmem>>, vector<1x16xf32>,
        %swap3A_279 = vector.shape_cast %swap3A_278 : vector<1x16xf32> to vector<16xf32>
        %swap3A_280 = vector.shape_cast %max3A_275 : vector<16xf32> to vector<1x16xf32>
        tpu.vector_store %arg13[%swap3A_276, %swap3A_277], %swap3A_280 {strides = array<i32>} : memref<80x128xf32, #tpu.memory_space<vmem>>, vector<1x16xf32>,
        %get3A_281 = arith.index_cast %scan3A_217 : i32 to index
        %get3A_282 = arith.constant 48 : index
        %get3A_283 = tpu.vector_load %arg11[%get3A_281, %get3A_282] {strides = array<i32>} : memref<80x128xf32, #tpu.memory_space<vmem>>, vector<1x16xf32>,
        %get3A_284 = vector.shape_cast %get3A_283 : vector<1x16xf32> to vector<16xf32>
        %get3A_285 = arith.index_cast %scan3A_217 : i32 to index
        %get3A_286 = arith.constant 48 : index
        %get3A_287 = tpu.vector_load %arg12[%get3A_285, %get3A_286] {strides = array<i32>} : memref<80x128xf32, #tpu.memory_space<vmem>>, vector<1x16xf32>,
        %get3A_288 = vector.shape_cast %get3A_287 : vector<1x16xf32> to vector<16xf32>
        %add3A_289 = arith.addf %get3A_284, %get3A_288 : vector<16xf32>
        %get3A_290 = arith.index_cast %scan3A_217 : i32 to index
        %get3A_291 = arith.constant 48 : index
        %get3A_292 = tpu.vector_load %arg13[%get3A_290, %get3A_291] {strides = array<i32>} : memref<80x128xf32, #tpu.memory_space<vmem>>, vector<1x16xf32>,
        %get3A_293 = vector.shape_cast %get3A_292 : vector<1x16xf32> to vector<16xf32>
        %add3A_294 = arith.addf %add3A_289, %get3A_293 : vector<16xf32>
        %max3A_295 = arith.constant 0.000000e+00 : f32
        %max3A_296 = vector.broadcast %max3A_295 : f32 to vector<16xf32>
        %max3A_297 = arith.maximumf %add3A_294, %max3A_296 : vector<16xf32>
        %swap3A_298 = arith.index_cast %scan3A_217 : i32 to index
        %swap3A_299 = arith.constant 48 : index
        %swap3A_300 = tpu.vector_load %arg13[%swap3A_298, %swap3A_299] {strides = array<i32>} : memref<80x128xf32, #tpu.memory_space<vmem>>, vector<1x16xf32>,
        %swap3A_301 = vector.shape_cast %swap3A_300 : vector<1x16xf32> to vector<16xf32>
        %swap3A_302 = vector.shape_cast %max3A_297 : vector<16xf32> to vector<1x16xf32>
        tpu.vector_store %arg13[%swap3A_298, %swap3A_299], %swap3A_302 {strides = array<i32>} : memref<80x128xf32, #tpu.memory_space<vmem>>, vector<1x16xf32>,
        %get3A_303 = arith.index_cast %scan3A_217 : i32 to index
        %get3A_304 = arith.constant 64 : index
        %get3A_305 = tpu.vector_load %arg11[%get3A_303, %get3A_304] {strides = array<i32>} : memref<80x128xf32, #tpu.memory_space<vmem>>, vector<1x16xf32>,
        %get3A_306 = vector.shape_cast %get3A_305 : vector<1x16xf32> to vector<16xf32>
        %get3A_307 = arith.index_cast %scan3A_217 : i32 to index
        %get3A_308 = arith.constant 64 : index
        %get3A_309 = tpu.vector_load %arg12[%get3A_307, %get3A_308] {strides = array<i32>} : memref<80x128xf32, #tpu.memory_space<vmem>>, vector<1x16xf32>,
        %get3A_310 = vector.shape_cast %get3A_309 : vector<1x16xf32> to vector<16xf32>
        %add3A_311 = arith.addf %get3A_306, %get3A_310 : vector<16xf32>
        %get3A_312 = arith.index_cast %scan3A_217 : i32 to index
        %get3A_313 = arith.constant 64 : index
        %get3A_314 = tpu.vector_load %arg13[%get3A_312, %get3A_313] {strides = array<i32>} : memref<80x128xf32, #tpu.memory_space<vmem>>, vector<1x16xf32>,
        %get3A_315 = vector.shape_cast %get3A_314 : vector<1x16xf32> to vector<16xf32>
        %add3A_316 = arith.addf %add3A_311, %get3A_315 : vector<16xf32>
        %max3A_317 = arith.constant 0.000000e+00 : f32
        %max3A_318 = vector.broadcast %max3A_317 : f32 to vector<16xf32>
        %max3A_319 = arith.maximumf %add3A_316, %max3A_318 : vector<16xf32>
        %swap3A_320 = arith.index_cast %scan3A_217 : i32 to index
        %swap3A_321 = arith.constant 64 : index
        %swap3A_322 = tpu.vector_load %arg13[%swap3A_320, %swap3A_321] {strides = array<i32>} : memref<80x128xf32, #tpu.memory_space<vmem>>, vector<1x16xf32>,
        %swap3A_323 = vector.shape_cast %swap3A_322 : vector<1x16xf32> to vector<16xf32>
        %swap3A_324 = vector.shape_cast %max3A_319 : vector<16xf32> to vector<1x16xf32>
        tpu.vector_store %arg13[%swap3A_320, %swap3A_321], %swap3A_324 {strides = array<i32>} : memref<80x128xf32, #tpu.memory_space<vmem>>, vector<1x16xf32>,
        %get3A_325 = arith.index_cast %scan3A_217 : i32 to index
        %get3A_326 = arith.constant 80 : index
        %get3A_327 = tpu.vector_load %arg11[%get3A_325, %get3A_326] {strides = array<i32>} : memref<80x128xf32, #tpu.memory_space<vmem>>, vector<1x16xf32>,
        %get3A_328 = vector.shape_cast %get3A_327 : vector<1x16xf32> to vector<16xf32>
        %get3A_329 = arith.index_cast %scan3A_217 : i32 to index
        %get3A_330 = arith.constant 80 : index
        %get3A_331 = tpu.vector_load %arg12[%get3A_329, %get3A_330] {strides = array<i32>} : memref<80x128xf32, #tpu.memory_space<vmem>>, vector<1x16xf32>,
        %get3A_332 = vector.shape_cast %get3A_331 : vector<1x16xf32> to vector<16xf32>
        %add3A_333 = arith.addf %get3A_328, %get3A_332 : vector<16xf32>
        %get3A_334 = arith.index_cast %scan3A_217 : i32 to index
        %get3A_335 = arith.constant 80 : index
        %get3A_336 = tpu.vector_load %arg13[%get3A_334, %get3A_335] {strides = array<i32>} : memref<80x128xf32, #tpu.memory_space<vmem>>, vector<1x16xf32>,
        %get3A_337 = vector.shape_cast %get3A_336 : vector<1x16xf32> to vector<16xf32>
        %add3A_338 = arith.addf %add3A_333, %get3A_337 : vector<16xf32>
        %max3A_339 = arith.constant 0.000000e+00 : f32
        %max3A_340 = vector.broadcast %max3A_339 : f32 to vector<16xf32>
        %max3A_341 = arith.maximumf %add3A_338, %max3A_340 : vector<16xf32>
        %swap3A_342 = arith.index_cast %scan3A_217 : i32 to index
        %swap3A_343 = arith.constant 80 : index
        %swap3A_344 = tpu.vector_load %arg13[%swap3A_342, %swap3A_343] {strides = array<i32>} : memref<80x128xf32, #tpu.memory_space<vmem>>, vector<1x16xf32>,
        %swap3A_345 = vector.shape_cast %swap3A_344 : vector<1x16xf32> to vector<16xf32>
        %swap3A_346 = vector.shape_cast %max3A_341 : vector<16xf32> to vector<1x16xf32>
        tpu.vector_store %arg13[%swap3A_342, %swap3A_343], %swap3A_346 {strides = array<i32>} : memref<80x128xf32, #tpu.memory_space<vmem>>, vector<1x16xf32>,
        %get3A_347 = arith.index_cast %scan3A_217 : i32 to index
        %get3A_348 = arith.constant 96 : index
        %get3A_349 = tpu.vector_load %arg11[%get3A_347, %get3A_348] {strides = array<i32>} : memref<80x128xf32, #tpu.memory_space<vmem>>, vector<1x16xf32>,
        %get3A_350 = vector.shape_cast %get3A_349 : vector<1x16xf32> to vector<16xf32>
        %get3A_351 = arith.index_cast %scan3A_217 : i32 to index
        %get3A_352 = arith.constant 96 : index
        %get3A_353 = tpu.vector_load %arg12[%get3A_351, %get3A_352] {strides = array<i32>} : memref<80x128xf32, #tpu.memory_space<vmem>>, vector<1x16xf32>,
        %get3A_354 = vector.shape_cast %get3A_353 : vector<1x16xf32> to vector<16xf32>
        %add3A_355 = arith.addf %get3A_350, %get3A_354 : vector<16xf32>
        %get3A_356 = arith.index_cast %scan3A_217 : i32 to index
        %get3A_357 = arith.constant 96 : index
        %get3A_358 = tpu.vector_load %arg13[%get3A_356, %get3A_357] {strides = array<i32>} : memref<80x128xf32, #tpu.memory_space<vmem>>, vector<1x16xf32>,
        %get3A_359 = vector.shape_cast %get3A_358 : vector<1x16xf32> to vector<16xf32>
        %add3A_360 = arith.addf %add3A_355, %get3A_359 : vector<16xf32>
        %max3A_361 = arith.constant 0.000000e+00 : f32
        %max3A_362 = vector.broadcast %max3A_361 : f32 to vector<16xf32>
        %max3A_363 = arith.maximumf %add3A_360, %max3A_362 : vector<16xf32>
        %swap3A_364 = arith.index_cast %scan3A_217 : i32 to index
        %swap3A_365 = arith.constant 96 : index
        %swap3A_366 = tpu.vector_load %arg13[%swap3A_364, %swap3A_365] {strides = array<i32>} : memref<80x128xf32, #tpu.memory_space<vmem>>, vector<1x16xf32>,
        %swap3A_367 = vector.shape_cast %swap3A_366 : vector<1x16xf32> to vector<16xf32>
        %swap3A_368 = vector.shape_cast %max3A_363 : vector<16xf32> to vector<1x16xf32>
        tpu.vector_store %arg13[%swap3A_364, %swap3A_365], %swap3A_368 {strides = array<i32>} : memref<80x128xf32, #tpu.memory_space<vmem>>, vector<1x16xf32>,
        %get3A_369 = arith.index_cast %scan3A_217 : i32 to index
        %get3A_370 = arith.constant 112 : index
        %get3A_371 = tpu.vector_load %arg11[%get3A_369, %get3A_370] {strides = array<i32>} : memref<80x128xf32, #tpu.memory_space<vmem>>, vector<1x16xf32>,
        %get3A_372 = vector.shape_cast %get3A_371 : vector<1x16xf32> to vector<16xf32>
        %get3A_373 = arith.index_cast %scan3A_217 : i32 to index
        %get3A_374 = arith.constant 112 : index
        %get3A_375 = tpu.vector_load %arg12[%get3A_373, %get3A_374] {strides = array<i32>} : memref<80x128xf32, #tpu.memory_space<vmem>>, vector<1x16xf32>,
        %get3A_376 = vector.shape_cast %get3A_375 : vector<1x16xf32> to vector<16xf32>
        %add3A_377 = arith.addf %get3A_372, %get3A_376 : vector<16xf32>
        %get3A_378 = arith.index_cast %scan3A_217 : i32 to index
        %get3A_379 = arith.constant 112 : index
        %get3A_380 = tpu.vector_load %arg13[%get3A_378, %get3A_379] {strides = array<i32>} : memref<80x128xf32, #tpu.memory_space<vmem>>, vector<1x16xf32>,
        %get3A_381 = vector.shape_cast %get3A_380 : vector<1x16xf32> to vector<16xf32>
        %add3A_382 = arith.addf %add3A_377, %get3A_381 : vector<16xf32>
        %max3A_383 = arith.constant 0.000000e+00 : f32
        %max3A_384 = vector.broadcast %max3A_383 : f32 to vector<16xf32>
        %max3A_385 = arith.maximumf %add3A_382, %max3A_384 : vector<16xf32>
        %swap3A_386 = arith.index_cast %scan3A_217 : i32 to index
        %swap3A_387 = arith.constant 112 : index
        %swap3A_388 = tpu.vector_load %arg13[%swap3A_386, %swap3A_387] {strides = array<i32>} : memref<80x128xf32, #tpu.memory_space<vmem>>, vector<1x16xf32>,
        %swap3A_389 = vector.shape_cast %swap3A_388 : vector<1x16xf32> to vector<16xf32>
        %swap3A_390 = vector.shape_cast %max3A_385 : vector<16xf32> to vector<1x16xf32>
        tpu.vector_store %arg13[%swap3A_386, %swap3A_387], %swap3A_390 {strides = array<i32>} : memref<80x128xf32, #tpu.memory_space<vmem>>, vector<1x16xf32>,
      }
      %scan3A_201 = arith.constant 80 : i32
      %dma_start3A_202 = arith.constant 0 : i32
      %dma_start3A_203 = arith.constant 0 : i32
      %dma_start3A_204 = tpu.memref_slice %arg15[%dma_start3A_202, %dma_start3A_203] : memref<10112x128xf32, #tpu.memory_space<vmem_shared>> -> memref<10112x128xf32, #tpu.memory_space<vmem_shared>>
      tpu.enqueue_indirect_dma source(%arg13 : memref<80x128xf32, #tpu.memory_space<vmem>>) target(%dma_start3A_204 : memref<10112x128xf32, #tpu.memory_space<vmem_shared>>) offsets(%arg9 : memref<80xi32, #tpu.memory_space<vmem>>) semaphore(%arg20 : memref<!tpu.dma_semaphore, #tpu.memory_space<semaphore_mem>>) {add = true}
      %add3A_205 = arith.constant 80 : i32
      %add3A_206 = arith.addi %add3A_182, %add3A_205 : i32
      "tpu.region"() ({
        %run_scoped3A = tpu.sem_alloc : memref<!tpu.dma_semaphore, #tpu.memory_space<semaphore_mem>>
        %dma_start3A_217 = tpu.memref_slice %arg5[%add3A_206] : memref<320000xi32, #tpu.memory_space<hbm>> -> memref<80xi32, #tpu.memory_space<hbm>>
        %dma_start3A_218 = tpu.memref_slice %arg5[%add3A_206] : memref<320000xi32, #tpu.memory_space<hbm>> -> memref<80xi32, #tpu.memory_space<hbm>>
        tpu.enqueue_dma source(%dma_start3A_218 : memref<80xi32, #tpu.memory_space<hbm>>) target(%arg8 : memref<80xi32, #tpu.memory_space<vmem>>) target_semaphore(%run_scoped3A : memref<!tpu.dma_semaphore, #tpu.memory_space<semaphore_mem>>)
        %dma_wait3A_219 = tpu.memref_slice %arg5[%add3A_206] : memref<320000xi32, #tpu.memory_space<hbm>> -> memref<80xi32, #tpu.memory_space<hbm>>
        %dma_wait3A_220 = tpu.memref_slice %arg5[%add3A_206] : memref<320000xi32, #tpu.memory_space<hbm>> -> memref<80xi32, #tpu.memory_space<hbm>>
        tpu.wait_dma2 semaphore(%run_scoped3A : memref<!tpu.dma_semaphore, #tpu.memory_space<semaphore_mem>>) src(%dma_wait3A_220 : memref<80xi32, #tpu.memory_space<hbm>>) dst(%arg8 : memref<80xi32, #tpu.memory_space<vmem>>)
        tpu.yield
      }) : () -> ()
      "tpu.region"() ({
        %run_scoped3A = tpu.sem_alloc : memref<!tpu.dma_semaphore, #tpu.memory_space<semaphore_mem>>
        %dma_start3A_217 = tpu.memref_slice %arg6[%add3A_206] : memref<320000xi32, #tpu.memory_space<hbm>> -> memref<80xi32, #tpu.memory_space<hbm>>
        %dma_start3A_218 = tpu.memref_slice %arg6[%add3A_206] : memref<320000xi32, #tpu.memory_space<hbm>> -> memref<80xi32, #tpu.memory_space<hbm>>
        tpu.enqueue_dma source(%dma_start3A_218 : memref<80xi32, #tpu.memory_space<hbm>>) target(%arg10 : memref<80xi32, #tpu.memory_space<vmem>>) target_semaphore(%run_scoped3A : memref<!tpu.dma_semaphore, #tpu.memory_space<semaphore_mem>>)
        %dma_wait3A_219 = tpu.memref_slice %arg6[%add3A_206] : memref<320000xi32, #tpu.memory_space<hbm>> -> memref<80xi32, #tpu.memory_space<hbm>>
        %dma_wait3A_220 = tpu.memref_slice %arg6[%add3A_206] : memref<320000xi32, #tpu.memory_space<hbm>> -> memref<80xi32, #tpu.memory_space<hbm>>
        tpu.wait_dma2 semaphore(%run_scoped3A : memref<!tpu.dma_semaphore, #tpu.memory_space<semaphore_mem>>) src(%dma_wait3A_220 : memref<80xi32, #tpu.memory_space<hbm>>) dst(%arg10 : memref<80xi32, #tpu.memory_space<vmem>>)
        tpu.yield
      }) : () -> ()
      %dma_start3A_207 = arith.constant 0 : i32
      %dma_start3A_208 = tpu.memref_slice %arg4[%add3A_206, %dma_start3A_207] : memref<320000x128xf32, #tpu.memory_space<hbm>> -> memref<80x128xf32, #tpu.memory_space<hbm>>
      %dma_start3A_209 = arith.constant 0 : i32
      %dma_start3A_210 = tpu.memref_slice %arg4[%add3A_206, %dma_start3A_209] : memref<320000x128xf32, #tpu.memory_space<hbm>> -> memref<80x128xf32, #tpu.memory_space<hbm>>
      tpu.enqueue_dma source(%dma_start3A_210 : memref<80x128xf32, #tpu.memory_space<hbm>>) target(%arg14 : memref<80x128xf32, #tpu.memory_space<vmem>>) target_semaphore(%arg19 : memref<!tpu.dma_semaphore, #tpu.memory_space<semaphore_mem>>)
      %dma_start3A_211 = arith.constant 0 : i32
      %dma_start3A_212 = arith.constant 0 : i32
      %dma_start3A_213 = tpu.memref_slice %arg2[%dma_start3A_211, %dma_start3A_212] : memref<10000x128xf32, #tpu.memory_space<hbm>> -> memref<10000x128xf32, #tpu.memory_space<hbm>>
      tpu.enqueue_indirect_dma source(%dma_start3A_213 : memref<10000x128xf32, #tpu.memory_space<hbm>>) target(%arg11 : memref<80x128xf32, #tpu.memory_space<vmem>>) offsets(%arg8 : memref<80xi32, #tpu.memory_space<vmem>>) semaphore(%arg16 : memref<!tpu.dma_semaphore, #tpu.memory_space<semaphore_mem>>)
      %dma_start3A_214 = arith.constant 0 : i32
      %dma_start3A_215 = arith.constant 0 : i32
      %dma_start3A_216 = tpu.memref_slice %arg3[%dma_start3A_214, %dma_start3A_215] : memref<10000x128xf32, #tpu.memory_space<hbm>> -> memref<10000x128xf32, #tpu.memory_space<hbm>>
      tpu.enqueue_indirect_dma source(%dma_start3A_216 : memref<10000x128xf32, #tpu.memory_space<hbm>>) target(%arg12 : memref<80x128xf32, #tpu.memory_space<vmem>>) offsets(%arg10 : memref<80xi32, #tpu.memory_space<vmem>>) semaphore(%arg17 : memref<!tpu.dma_semaphore, #tpu.memory_space<semaphore_mem>>)
    }
    %scan3A_74 = arith.constant 61 : i32
    %add3A_75 = arith.constant 9840 : i32
    %add3A_76 = arith.addi %mul3A_5, %add3A_75 : i32
    %dma_wait3A_77 = arith.constant 0 : i32
    %dma_wait3A_78 = tpu.memref_slice %arg4[%add3A_76, %dma_wait3A_77] : memref<320000x128xf32, #tpu.memory_space<hbm>> -> memref<80x128xf32, #tpu.memory_space<hbm>>
    %dma_wait3A_79 = arith.constant 0 : i32
    %dma_wait3A_80 = tpu.memref_slice %arg4[%add3A_76, %dma_wait3A_79] : memref<320000x128xf32, #tpu.memory_space<hbm>> -> memref<80x128xf32, #tpu.memory_space<hbm>>
    tpu.wait_dma2 semaphore(%arg19 : memref<!tpu.dma_semaphore, #tpu.memory_space<semaphore_mem>>) src(%dma_wait3A_80 : memref<80x128xf32, #tpu.memory_space<hbm>>) dst(%arg14 : memref<80x128xf32, #tpu.memory_space<vmem>>)
    %dma_wait3A_81 = arith.constant 0 : i32
    %dma_wait3A_82 = arith.constant 0 : i32
    %dma_wait3A_83 = tpu.memref_slice %arg2[%dma_wait3A_81, %dma_wait3A_82] : memref<10000x128xf32, #tpu.memory_space<hbm>> -> memref<10000x128xf32, #tpu.memory_space<hbm>>
    tpu.wait_indirect_dma semaphore(%arg16 : memref<!tpu.dma_semaphore, #tpu.memory_space<semaphore_mem>>) src(%dma_wait3A_83 : memref<10000x128xf32, #tpu.memory_space<hbm>>) dst(%arg11 : memref<80x128xf32, #tpu.memory_space<vmem>>)
    %dma_wait3A_84 = arith.constant 0 : i32
    %dma_wait3A_85 = arith.constant 0 : i32
    %dma_wait3A_86 = tpu.memref_slice %arg3[%dma_wait3A_84, %dma_wait3A_85] : memref<10000x128xf32, #tpu.memory_space<hbm>> -> memref<10000x128xf32, #tpu.memory_space<hbm>>
    tpu.wait_indirect_dma semaphore(%arg17 : memref<!tpu.dma_semaphore, #tpu.memory_space<semaphore_mem>>) src(%dma_wait3A_86 : memref<10000x128xf32, #tpu.memory_space<hbm>>) dst(%arg12 : memref<80x128xf32, #tpu.memory_space<vmem>>)
    %dma_wait3A_87 = arith.constant 0 : i32
    %dma_wait3A_88 = arith.constant 0 : i32
    %dma_wait3A_89 = tpu.memref_slice %arg15[%dma_wait3A_87, %dma_wait3A_88] : memref<10112x128xf32, #tpu.memory_space<vmem_shared>> -> memref<10112x128xf32, #tpu.memory_space<vmem_shared>>
    tpu.wait_indirect_dma semaphore(%arg20 : memref<!tpu.dma_semaphore, #tpu.memory_space<semaphore_mem>>) src(%arg13 : memref<80x128xf32, #tpu.memory_space<vmem>>) dst(%dma_wait3A_89 : memref<10112x128xf32, #tpu.memory_space<vmem_shared>>)
    %scan3A_90 = arith.constant 0 : i32
    %scan3A_91 = arith.constant 0 : i32
    %scan3A_92 = arith.constant 80 : i32
    %scan3A_93 = arith.addi %scan3A_91, %scan3A_92 : i32
    %scan3A_94 = arith.constant 1 : i32
    scf.for %scan3A_139 = %scan3A_91 to %scan3A_93 step %scan3A_94  : i32 {
      %get3A = arith.index_cast %scan3A_139 : i32 to index
      %get3A_140 = arith.constant 0 : index
      %get3A_141 = tpu.vector_load %arg11[%get3A, %get3A_140] {strides = array<i32>} : memref<80x128xf32, #tpu.memory_space<vmem>>, vector<1x16xf32>,
      %get3A_142 = vector.shape_cast %get3A_141 : vector<1x16xf32> to vector<16xf32>
      %get3A_143 = arith.index_cast %scan3A_139 : i32 to index
      %get3A_144 = arith.constant 0 : index
      %get3A_145 = tpu.vector_load %arg12[%get3A_143, %get3A_144] {strides = array<i32>} : memref<80x128xf32, #tpu.memory_space<vmem>>, vector<1x16xf32>,
      %get3A_146 = vector.shape_cast %get3A_145 : vector<1x16xf32> to vector<16xf32>
      %add3A_147 = arith.addf %get3A_142, %get3A_146 : vector<16xf32>
      %get3A_148 = arith.index_cast %scan3A_139 : i32 to index
      %get3A_149 = arith.constant 0 : index
      %get3A_150 = tpu.vector_load %arg14[%get3A_148, %get3A_149] {strides = array<i32>} : memref<80x128xf32, #tpu.memory_space<vmem>>, vector<1x16xf32>,
      %get3A_151 = vector.shape_cast %get3A_150 : vector<1x16xf32> to vector<16xf32>
      %add3A_152 = arith.addf %add3A_147, %get3A_151 : vector<16xf32>
      %max3A = arith.constant 0.000000e+00 : f32
      %max3A_153 = vector.broadcast %max3A : f32 to vector<16xf32>
      %max3A_154 = arith.maximumf %add3A_152, %max3A_153 : vector<16xf32>
      %swap3A = arith.index_cast %scan3A_139 : i32 to index
      %swap3A_155 = arith.constant 0 : index
      %swap3A_156 = tpu.vector_load %arg14[%swap3A, %swap3A_155] {strides = array<i32>} : memref<80x128xf32, #tpu.memory_space<vmem>>, vector<1x16xf32>,
      %swap3A_157 = vector.shape_cast %swap3A_156 : vector<1x16xf32> to vector<16xf32>
      %swap3A_158 = vector.shape_cast %max3A_154 : vector<16xf32> to vector<1x16xf32>
      tpu.vector_store %arg14[%swap3A, %swap3A_155], %swap3A_158 {strides = array<i32>} : memref<80x128xf32, #tpu.memory_space<vmem>>, vector<1x16xf32>,
      %get3A_159 = arith.index_cast %scan3A_139 : i32 to index
      %get3A_160 = arith.constant 16 : index
      %get3A_161 = tpu.vector_load %arg11[%get3A_159, %get3A_160] {strides = array<i32>} : memref<80x128xf32, #tpu.memory_space<vmem>>, vector<1x16xf32>,
      %get3A_162 = vector.shape_cast %get3A_161 : vector<1x16xf32> to vector<16xf32>
      %get3A_163 = arith.index_cast %scan3A_139 : i32 to index
      %get3A_164 = arith.constant 16 : index
      %get3A_165 = tpu.vector_load %arg12[%get3A_163, %get3A_164] {strides = array<i32>} : memref<80x128xf32, #tpu.memory_space<vmem>>, vector<1x16xf32>,
      %get3A_166 = vector.shape_cast %get3A_165 : vector<1x16xf32> to vector<16xf32>
      %add3A_167 = arith.addf %get3A_162, %get3A_166 : vector<16xf32>
      %get3A_168 = arith.index_cast %scan3A_139 : i32 to index
      %get3A_169 = arith.constant 16 : index
      %get3A_170 = tpu.vector_load %arg14[%get3A_168, %get3A_169] {strides = array<i32>} : memref<80x128xf32, #tpu.memory_space<vmem>>, vector<1x16xf32>,
      %get3A_171 = vector.shape_cast %get3A_170 : vector<1x16xf32> to vector<16xf32>
      %add3A_172 = arith.addf %add3A_167, %get3A_171 : vector<16xf32>
      %max3A_173 = arith.constant 0.000000e+00 : f32
      %max3A_174 = vector.broadcast %max3A_173 : f32 to vector<16xf32>
      %max3A_175 = arith.maximumf %add3A_172, %max3A_174 : vector<16xf32>
      %swap3A_176 = arith.index_cast %scan3A_139 : i32 to index
      %swap3A_177 = arith.constant 16 : index
      %swap3A_178 = tpu.vector_load %arg14[%swap3A_176, %swap3A_177] {strides = array<i32>} : memref<80x128xf32, #tpu.memory_space<vmem>>, vector<1x16xf32>,
      %swap3A_179 = vector.shape_cast %swap3A_178 : vector<1x16xf32> to vector<16xf32>
      %swap3A_180 = vector.shape_cast %max3A_175 : vector<16xf32> to vector<1x16xf32>
      tpu.vector_store %arg14[%swap3A_176, %swap3A_177], %swap3A_180 {strides = array<i32>} : memref<80x128xf32, #tpu.memory_space<vmem>>, vector<1x16xf32>,
      %get3A_181 = arith.index_cast %scan3A_139 : i32 to index
      %get3A_182 = arith.constant 32 : index
      %get3A_183 = tpu.vector_load %arg11[%get3A_181, %get3A_182] {strides = array<i32>} : memref<80x128xf32, #tpu.memory_space<vmem>>, vector<1x16xf32>,
      %get3A_184 = vector.shape_cast %get3A_183 : vector<1x16xf32> to vector<16xf32>
      %get3A_185 = arith.index_cast %scan3A_139 : i32 to index
      %get3A_186 = arith.constant 32 : index
      %get3A_187 = tpu.vector_load %arg12[%get3A_185, %get3A_186] {strides = array<i32>} : memref<80x128xf32, #tpu.memory_space<vmem>>, vector<1x16xf32>,
      %get3A_188 = vector.shape_cast %get3A_187 : vector<1x16xf32> to vector<16xf32>
      %add3A_189 = arith.addf %get3A_184, %get3A_188 : vector<16xf32>
      %get3A_190 = arith.index_cast %scan3A_139 : i32 to index
      %get3A_191 = arith.constant 32 : index
      %get3A_192 = tpu.vector_load %arg14[%get3A_190, %get3A_191] {strides = array<i32>} : memref<80x128xf32, #tpu.memory_space<vmem>>, vector<1x16xf32>,
      %get3A_193 = vector.shape_cast %get3A_192 : vector<1x16xf32> to vector<16xf32>
      %add3A_194 = arith.addf %add3A_189, %get3A_193 : vector<16xf32>
      %max3A_195 = arith.constant 0.000000e+00 : f32
      %max3A_196 = vector.broadcast %max3A_195 : f32 to vector<16xf32>
      %max3A_197 = arith.maximumf %add3A_194, %max3A_196 : vector<16xf32>
      %swap3A_198 = arith.index_cast %scan3A_139 : i32 to index
      %swap3A_199 = arith.constant 32 : index
      %swap3A_200 = tpu.vector_load %arg14[%swap3A_198, %swap3A_199] {strides = array<i32>} : memref<80x128xf32, #tpu.memory_space<vmem>>, vector<1x16xf32>,
      %swap3A_201 = vector.shape_cast %swap3A_200 : vector<1x16xf32> to vector<16xf32>
      %swap3A_202 = vector.shape_cast %max3A_197 : vector<16xf32> to vector<1x16xf32>
      tpu.vector_store %arg14[%swap3A_198, %swap3A_199], %swap3A_202 {strides = array<i32>} : memref<80x128xf32, #tpu.memory_space<vmem>>, vector<1x16xf32>,
      %get3A_203 = arith.index_cast %scan3A_139 : i32 to index
      %get3A_204 = arith.constant 48 : index
      %get3A_205 = tpu.vector_load %arg11[%get3A_203, %get3A_204] {strides = array<i32>} : memref<80x128xf32, #tpu.memory_space<vmem>>, vector<1x16xf32>,
      %get3A_206 = vector.shape_cast %get3A_205 : vector<1x16xf32> to vector<16xf32>
      %get3A_207 = arith.index_cast %scan3A_139 : i32 to index
      %get3A_208 = arith.constant 48 : index
      %get3A_209 = tpu.vector_load %arg12[%get3A_207, %get3A_208] {strides = array<i32>} : memref<80x128xf32, #tpu.memory_space<vmem>>, vector<1x16xf32>,
      %get3A_210 = vector.shape_cast %get3A_209 : vector<1x16xf32> to vector<16xf32>
      %add3A_211 = arith.addf %get3A_206, %get3A_210 : vector<16xf32>
      %get3A_212 = arith.index_cast %scan3A_139 : i32 to index
      %get3A_213 = arith.constant 48 : index
      %get3A_214 = tpu.vector_load %arg14[%get3A_212, %get3A_213] {strides = array<i32>} : memref<80x128xf32, #tpu.memory_space<vmem>>, vector<1x16xf32>,
      %get3A_215 = vector.shape_cast %get3A_214 : vector<1x16xf32> to vector<16xf32>
      %add3A_216 = arith.addf %add3A_211, %get3A_215 : vector<16xf32>
      %max3A_217 = arith.constant 0.000000e+00 : f32
      %max3A_218 = vector.broadcast %max3A_217 : f32 to vector<16xf32>
      %max3A_219 = arith.maximumf %add3A_216, %max3A_218 : vector<16xf32>
      %swap3A_220 = arith.index_cast %scan3A_139 : i32 to index
      %swap3A_221 = arith.constant 48 : index
      %swap3A_222 = tpu.vector_load %arg14[%swap3A_220, %swap3A_221] {strides = array<i32>} : memref<80x128xf32, #tpu.memory_space<vmem>>, vector<1x16xf32>,
      %swap3A_223 = vector.shape_cast %swap3A_222 : vector<1x16xf32> to vector<16xf32>
      %swap3A_224 = vector.shape_cast %max3A_219 : vector<16xf32> to vector<1x16xf32>
      tpu.vector_store %arg14[%swap3A_220, %swap3A_221], %swap3A_224 {strides = array<i32>} : memref<80x128xf32, #tpu.memory_space<vmem>>, vector<1x16xf32>,
      %get3A_225 = arith.index_cast %scan3A_139 : i32 to index
      %get3A_226 = arith.constant 64 : index
      %get3A_227 = tpu.vector_load %arg11[%get3A_225, %get3A_226] {strides = array<i32>} : memref<80x128xf32, #tpu.memory_space<vmem>>, vector<1x16xf32>,
      %get3A_228 = vector.shape_cast %get3A_227 : vector<1x16xf32> to vector<16xf32>
      %get3A_229 = arith.index_cast %scan3A_139 : i32 to index
      %get3A_230 = arith.constant 64 : index
      %get3A_231 = tpu.vector_load %arg12[%get3A_229, %get3A_230] {strides = array<i32>} : memref<80x128xf32, #tpu.memory_space<vmem>>, vector<1x16xf32>,
      %get3A_232 = vector.shape_cast %get3A_231 : vector<1x16xf32> to vector<16xf32>
      %add3A_233 = arith.addf %get3A_228, %get3A_232 : vector<16xf32>
      %get3A_234 = arith.index_cast %scan3A_139 : i32 to index
      %get3A_235 = arith.constant 64 : index
      %get3A_236 = tpu.vector_load %arg14[%get3A_234, %get3A_235] {strides = array<i32>} : memref<80x128xf32, #tpu.memory_space<vmem>>, vector<1x16xf32>,
      %get3A_237 = vector.shape_cast %get3A_236 : vector<1x16xf32> to vector<16xf32>
      %add3A_238 = arith.addf %add3A_233, %get3A_237 : vector<16xf32>
      %max3A_239 = arith.constant 0.000000e+00 : f32
      %max3A_240 = vector.broadcast %max3A_239 : f32 to vector<16xf32>
      %max3A_241 = arith.maximumf %add3A_238, %max3A_240 : vector<16xf32>
      %swap3A_242 = arith.index_cast %scan3A_139 : i32 to index
      %swap3A_243 = arith.constant 64 : index
      %swap3A_244 = tpu.vector_load %arg14[%swap3A_242, %swap3A_243] {strides = array<i32>} : memref<80x128xf32, #tpu.memory_space<vmem>>, vector<1x16xf32>,
      %swap3A_245 = vector.shape_cast %swap3A_244 : vector<1x16xf32> to vector<16xf32>
      %swap3A_246 = vector.shape_cast %max3A_241 : vector<16xf32> to vector<1x16xf32>
      tpu.vector_store %arg14[%swap3A_242, %swap3A_243], %swap3A_246 {strides = array<i32>} : memref<80x128xf32, #tpu.memory_space<vmem>>, vector<1x16xf32>,
      %get3A_247 = arith.index_cast %scan3A_139 : i32 to index
      %get3A_248 = arith.constant 80 : index
      %get3A_249 = tpu.vector_load %arg11[%get3A_247, %get3A_248] {strides = array<i32>} : memref<80x128xf32, #tpu.memory_space<vmem>>, vector<1x16xf32>,
      %get3A_250 = vector.shape_cast %get3A_249 : vector<1x16xf32> to vector<16xf32>
      %get3A_251 = arith.index_cast %scan3A_139 : i32 to index
      %get3A_252 = arith.constant 80 : index
      %get3A_253 = tpu.vector_load %arg12[%get3A_251, %get3A_252] {strides = array<i32>} : memref<80x128xf32, #tpu.memory_space<vmem>>, vector<1x16xf32>,
      %get3A_254 = vector.shape_cast %get3A_253 : vector<1x16xf32> to vector<16xf32>
      %add3A_255 = arith.addf %get3A_250, %get3A_254 : vector<16xf32>
      %get3A_256 = arith.index_cast %scan3A_139 : i32 to index
      %get3A_257 = arith.constant 80 : index
      %get3A_258 = tpu.vector_load %arg14[%get3A_256, %get3A_257] {strides = array<i32>} : memref<80x128xf32, #tpu.memory_space<vmem>>, vector<1x16xf32>,
      %get3A_259 = vector.shape_cast %get3A_258 : vector<1x16xf32> to vector<16xf32>
      %add3A_260 = arith.addf %add3A_255, %get3A_259 : vector<16xf32>
      %max3A_261 = arith.constant 0.000000e+00 : f32
      %max3A_262 = vector.broadcast %max3A_261 : f32 to vector<16xf32>
      %max3A_263 = arith.maximumf %add3A_260, %max3A_262 : vector<16xf32>
      %swap3A_264 = arith.index_cast %scan3A_139 : i32 to index
      %swap3A_265 = arith.constant 80 : index
      %swap3A_266 = tpu.vector_load %arg14[%swap3A_264, %swap3A_265] {strides = array<i32>} : memref<80x128xf32, #tpu.memory_space<vmem>>, vector<1x16xf32>,
      %swap3A_267 = vector.shape_cast %swap3A_266 : vector<1x16xf32> to vector<16xf32>
      %swap3A_268 = vector.shape_cast %max3A_263 : vector<16xf32> to vector<1x16xf32>
      tpu.vector_store %arg14[%swap3A_264, %swap3A_265], %swap3A_268 {strides = array<i32>} : memref<80x128xf32, #tpu.memory_space<vmem>>, vector<1x16xf32>,
      %get3A_269 = arith.index_cast %scan3A_139 : i32 to index
      %get3A_270 = arith.constant 96 : index
      %get3A_271 = tpu.vector_load %arg11[%get3A_269, %get3A_270] {strides = array<i32>} : memref<80x128xf32, #tpu.memory_space<vmem>>, vector<1x16xf32>,
      %get3A_272 = vector.shape_cast %get3A_271 : vector<1x16xf32> to vector<16xf32>
      %get3A_273 = arith.index_cast %scan3A_139 : i32 to index
      %get3A_274 = arith.constant 96 : index
      %get3A_275 = tpu.vector_load %arg12[%get3A_273, %get3A_274] {strides = array<i32>} : memref<80x128xf32, #tpu.memory_space<vmem>>, vector<1x16xf32>,
      %get3A_276 = vector.shape_cast %get3A_275 : vector<1x16xf32> to vector<16xf32>
      %add3A_277 = arith.addf %get3A_272, %get3A_276 : vector<16xf32>
      %get3A_278 = arith.index_cast %scan3A_139 : i32 to index
      %get3A_279 = arith.constant 96 : index
      %get3A_280 = tpu.vector_load %arg14[%get3A_278, %get3A_279] {strides = array<i32>} : memref<80x128xf32, #tpu.memory_space<vmem>>, vector<1x16xf32>,
      %get3A_281 = vector.shape_cast %get3A_280 : vector<1x16xf32> to vector<16xf32>
      %add3A_282 = arith.addf %add3A_277, %get3A_281 : vector<16xf32>
      %max3A_283 = arith.constant 0.000000e+00 : f32
      %max3A_284 = vector.broadcast %max3A_283 : f32 to vector<16xf32>
      %max3A_285 = arith.maximumf %add3A_282, %max3A_284 : vector<16xf32>
      %swap3A_286 = arith.index_cast %scan3A_139 : i32 to index
      %swap3A_287 = arith.constant 96 : index
      %swap3A_288 = tpu.vector_load %arg14[%swap3A_286, %swap3A_287] {strides = array<i32>} : memref<80x128xf32, #tpu.memory_space<vmem>>, vector<1x16xf32>,
      %swap3A_289 = vector.shape_cast %swap3A_288 : vector<1x16xf32> to vector<16xf32>
      %swap3A_290 = vector.shape_cast %max3A_285 : vector<16xf32> to vector<1x16xf32>
      tpu.vector_store %arg14[%swap3A_286, %swap3A_287], %swap3A_290 {strides = array<i32>} : memref<80x128xf32, #tpu.memory_space<vmem>>, vector<1x16xf32>,
      %get3A_291 = arith.index_cast %scan3A_139 : i32 to index
      %get3A_292 = arith.constant 112 : index
      %get3A_293 = tpu.vector_load %arg11[%get3A_291, %get3A_292] {strides = array<i32>} : memref<80x128xf32, #tpu.memory_space<vmem>>, vector<1x16xf32>,
      %get3A_294 = vector.shape_cast %get3A_293 : vector<1x16xf32> to vector<16xf32>
      %get3A_295 = arith.index_cast %scan3A_139 : i32 to index
      %get3A_296 = arith.constant 112 : index
      %get3A_297 = tpu.vector_load %arg12[%get3A_295, %get3A_296] {strides = array<i32>} : memref<80x128xf32, #tpu.memory_space<vmem>>, vector<1x16xf32>,
      %get3A_298 = vector.shape_cast %get3A_297 : vector<1x16xf32> to vector<16xf32>
      %add3A_299 = arith.addf %get3A_294, %get3A_298 : vector<16xf32>
      %get3A_300 = arith.index_cast %scan3A_139 : i32 to index
      %get3A_301 = arith.constant 112 : index
      %get3A_302 = tpu.vector_load %arg14[%get3A_300, %get3A_301] {strides = array<i32>} : memref<80x128xf32, #tpu.memory_space<vmem>>, vector<1x16xf32>,
      %get3A_303 = vector.shape_cast %get3A_302 : vector<1x16xf32> to vector<16xf32>
      %add3A_304 = arith.addf %add3A_299, %get3A_303 : vector<16xf32>
      %max3A_305 = arith.constant 0.000000e+00 : f32
      %max3A_306 = vector.broadcast %max3A_305 : f32 to vector<16xf32>
      %max3A_307 = arith.maximumf %add3A_304, %max3A_306 : vector<16xf32>
      %swap3A_308 = arith.index_cast %scan3A_139 : i32 to index
      %swap3A_309 = arith.constant 112 : index
      %swap3A_310 = tpu.vector_load %arg14[%swap3A_308, %swap3A_309] {strides = array<i32>} : memref<80x128xf32, #tpu.memory_space<vmem>>, vector<1x16xf32>,
      %swap3A_311 = vector.shape_cast %swap3A_310 : vector<1x16xf32> to vector<16xf32>
      %swap3A_312 = vector.shape_cast %max3A_307 : vector<16xf32> to vector<1x16xf32>
      tpu.vector_store %arg14[%swap3A_308, %swap3A_309], %swap3A_312 {strides = array<i32>} : memref<80x128xf32, #tpu.memory_space<vmem>>, vector<1x16xf32>,
    }
    %scan3A_95 = arith.constant 80 : i32
    %dma_start3A_96 = arith.constant 0 : i32
    %dma_start3A_97 = arith.constant 0 : i32
    %dma_start3A_98 = tpu.memref_slice %arg15[%dma_start3A_96, %dma_start3A_97] : memref<10112x128xf32, #tpu.memory_space<vmem_shared>> -> memref<10112x128xf32, #tpu.memory_space<vmem_shared>>
    tpu.enqueue_indirect_dma source(%arg14 : memref<80x128xf32, #tpu.memory_space<vmem>>) target(%dma_start3A_98 : memref<10112x128xf32, #tpu.memory_space<vmem_shared>>) offsets(%arg10 : memref<80xi32, #tpu.memory_space<vmem>>) semaphore(%arg20 : memref<!tpu.dma_semaphore, #tpu.memory_space<semaphore_mem>>) {add = true}
    %add3A_99 = arith.constant 80 : i32
    %add3A_100 = arith.addi %add3A_76, %add3A_99 : i32
    "tpu.region"() ({
      %run_scoped3A = tpu.sem_alloc : memref<!tpu.dma_semaphore, #tpu.memory_space<semaphore_mem>>
      %dma_start3A_139 = tpu.memref_slice %arg5[%add3A_100] : memref<320000xi32, #tpu.memory_space<hbm>> -> memref<80xi32, #tpu.memory_space<hbm>>
      %dma_start3A_140 = tpu.memref_slice %arg5[%add3A_100] : memref<320000xi32, #tpu.memory_space<hbm>> -> memref<80xi32, #tpu.memory_space<hbm>>
      tpu.enqueue_dma source(%dma_start3A_140 : memref<80xi32, #tpu.memory_space<hbm>>) target(%arg8 : memref<80xi32, #tpu.memory_space<vmem>>) target_semaphore(%run_scoped3A : memref<!tpu.dma_semaphore, #tpu.memory_space<semaphore_mem>>)
      %dma_wait3A_141 = tpu.memref_slice %arg5[%add3A_100] : memref<320000xi32, #tpu.memory_space<hbm>> -> memref<80xi32, #tpu.memory_space<hbm>>
      %dma_wait3A_142 = tpu.memref_slice %arg5[%add3A_100] : memref<320000xi32, #tpu.memory_space<hbm>> -> memref<80xi32, #tpu.memory_space<hbm>>
      tpu.wait_dma2 semaphore(%run_scoped3A : memref<!tpu.dma_semaphore, #tpu.memory_space<semaphore_mem>>) src(%dma_wait3A_142 : memref<80xi32, #tpu.memory_space<hbm>>) dst(%arg8 : memref<80xi32, #tpu.memory_space<vmem>>)
      tpu.yield
    }) : () -> ()
    "tpu.region"() ({
      %run_scoped3A = tpu.sem_alloc : memref<!tpu.dma_semaphore, #tpu.memory_space<semaphore_mem>>
      %dma_start3A_139 = tpu.memref_slice %arg6[%add3A_100] : memref<320000xi32, #tpu.memory_space<hbm>> -> memref<80xi32, #tpu.memory_space<hbm>>
      %dma_start3A_140 = tpu.memref_slice %arg6[%add3A_100] : memref<320000xi32, #tpu.memory_space<hbm>> -> memref<80xi32, #tpu.memory_space<hbm>>
      tpu.enqueue_dma source(%dma_start3A_140 : memref<80xi32, #tpu.memory_space<hbm>>) target(%arg9 : memref<80xi32, #tpu.memory_space<vmem>>) target_semaphore(%run_scoped3A : memref<!tpu.dma_semaphore, #tpu.memory_space<semaphore_mem>>)
      %dma_wait3A_141 = tpu.memref_slice %arg6[%add3A_100] : memref<320000xi32, #tpu.memory_space<hbm>> -> memref<80xi32, #tpu.memory_space<hbm>>
      %dma_wait3A_142 = tpu.memref_slice %arg6[%add3A_100] : memref<320000xi32, #tpu.memory_space<hbm>> -> memref<80xi32, #tpu.memory_space<hbm>>
      tpu.wait_dma2 semaphore(%run_scoped3A : memref<!tpu.dma_semaphore, #tpu.memory_space<semaphore_mem>>) src(%dma_wait3A_142 : memref<80xi32, #tpu.memory_space<hbm>>) dst(%arg9 : memref<80xi32, #tpu.memory_space<vmem>>)
      tpu.yield
    }) : () -> ()
    %dma_start3A_101 = arith.constant 0 : i32
    %dma_start3A_102 = tpu.memref_slice %arg4[%add3A_100, %dma_start3A_101] : memref<320000x128xf32, #tpu.memory_space<hbm>> -> memref<80x128xf32, #tpu.memory_space<hbm>>
    %dma_start3A_103 = arith.constant 0 : i32
    %dma_start3A_104 = tpu.memref_slice %arg4[%add3A_100, %dma_start3A_103] : memref<320000x128xf32, #tpu.memory_space<hbm>> -> memref<80x128xf32, #tpu.memory_space<hbm>>
    tpu.enqueue_dma source(%dma_start3A_104 : memref<80x128xf32, #tpu.memory_space<hbm>>) target(%arg13 : memref<80x128xf32, #tpu.memory_space<vmem>>) target_semaphore(%arg18 : memref<!tpu.dma_semaphore, #tpu.memory_space<semaphore_mem>>)
    %dma_start3A_105 = arith.constant 0 : i32
    %dma_start3A_106 = arith.constant 0 : i32
    %dma_start3A_107 = tpu.memref_slice %arg2[%dma_start3A_105, %dma_start3A_106] : memref<10000x128xf32, #tpu.memory_space<hbm>> -> memref<10000x128xf32, #tpu.memory_space<hbm>>
    tpu.enqueue_indirect_dma source(%dma_start3A_107 : memref<10000x128xf32, #tpu.memory_space<hbm>>) target(%arg11 : memref<80x128xf32, #tpu.memory_space<vmem>>) offsets(%arg8 : memref<80xi32, #tpu.memory_space<vmem>>) semaphore(%arg16 : memref<!tpu.dma_semaphore, #tpu.memory_space<semaphore_mem>>)
    %dma_start3A_108 = arith.constant 0 : i32
    %dma_start3A_109 = arith.constant 0 : i32
    %dma_start3A_110 = tpu.memref_slice %arg3[%dma_start3A_108, %dma_start3A_109] : memref<10000x128xf32, #tpu.memory_space<hbm>> -> memref<10000x128xf32, #tpu.memory_space<hbm>>
    tpu.enqueue_indirect_dma source(%dma_start3A_110 : memref<10000x128xf32, #tpu.memory_space<hbm>>) target(%arg12 : memref<80x128xf32, #tpu.memory_space<vmem>>) offsets(%arg9 : memref<80xi32, #tpu.memory_space<vmem>>) semaphore(%arg17 : memref<!tpu.dma_semaphore, #tpu.memory_space<semaphore_mem>>)
    %add3A_111 = arith.constant 80 : i32
    %add3A_112 = arith.addi %add3A_76, %add3A_111 : i32
    %dma_wait3A_113 = arith.constant 0 : i32
    %dma_wait3A_114 = tpu.memref_slice %arg4[%add3A_112, %dma_wait3A_113] : memref<320000x128xf32, #tpu.memory_space<hbm>> -> memref<80x128xf32, #tpu.memory_space<hbm>>
    %dma_wait3A_115 = arith.constant 0 : i32
    %dma_wait3A_116 = tpu.memref_slice %arg4[%add3A_112, %dma_wait3A_115] : memref<320000x128xf32, #tpu.memory_space<hbm>> -> memref<80x128xf32, #tpu.memory_space<hbm>>
    tpu.wait_dma2 semaphore(%arg18 : memref<!tpu.dma_semaphore, #tpu.memory_space<semaphore_mem>>) src(%dma_wait3A_116 : memref<80x128xf32, #tpu.memory_space<hbm>>) dst(%arg13 : memref<80x128xf32, #tpu.memory_space<vmem>>)
    %dma_wait3A_117 = arith.constant 0 : i32
    %dma_wait3A_118 = arith.constant 0 : i32
    %dma_wait3A_119 = tpu.memref_slice %arg2[%dma_wait3A_117, %dma_wait3A_118] : memref<10000x128xf32, #tpu.memory_space<hbm>> -> memref<10000x128xf32, #tpu.memory_space<hbm>>
    tpu.wait_indirect_dma semaphore(%arg16 : memref<!tpu.dma_semaphore, #tpu.memory_space<semaphore_mem>>) src(%dma_wait3A_119 : memref<10000x128xf32, #tpu.memory_space<hbm>>) dst(%arg11 : memref<80x128xf32, #tpu.memory_space<vmem>>)
    %dma_wait3A_120 = arith.constant 0 : i32
    %dma_wait3A_121 = arith.constant 0 : i32
    %dma_wait3A_122 = tpu.memref_slice %arg3[%dma_wait3A_120, %dma_wait3A_121] : memref<10000x128xf32, #tpu.memory_space<hbm>> -> memref<10000x128xf32, #tpu.memory_space<hbm>>
    tpu.wait_indirect_dma semaphore(%arg17 : memref<!tpu.dma_semaphore, #tpu.memory_space<semaphore_mem>>) src(%dma_wait3A_122 : memref<10000x128xf32, #tpu.memory_space<hbm>>) dst(%arg12 : memref<80x128xf32, #tpu.memory_space<vmem>>)
    %dma_wait3A_123 = arith.constant 0 : i32
    %dma_wait3A_124 = arith.constant 0 : i32
    %dma_wait3A_125 = tpu.memref_slice %arg15[%dma_wait3A_123, %dma_wait3A_124] : memref<10112x128xf32, #tpu.memory_space<vmem_shared>> -> memref<10112x128xf32, #tpu.memory_space<vmem_shared>>
    tpu.wait_indirect_dma semaphore(%arg20 : memref<!tpu.dma_semaphore, #tpu.memory_space<semaphore_mem>>) src(%arg14 : memref<80x128xf32, #tpu.memory_space<vmem>>) dst(%dma_wait3A_125 : memref<10112x128xf32, #tpu.memory_space<vmem_shared>>)
    %scan3A_126 = arith.constant 0 : i32
    %scan3A_127 = arith.constant 0 : i32
    %scan3A_128 = arith.constant 80 : i32
    %scan3A_129 = arith.addi %scan3A_127, %scan3A_128 : i32
    %scan3A_130 = arith.constant 1 : i32
    scf.for %scan3A_139 = %scan3A_127 to %scan3A_129 step %scan3A_130  : i32 {
      %get3A = arith.index_cast %scan3A_139 : i32 to index
      %get3A_140 = arith.constant 0 : index
      %get3A_141 = tpu.vector_load %arg11[%get3A, %get3A_140] {strides = array<i32>} : memref<80x128xf32, #tpu.memory_space<vmem>>, vector<1x16xf32>,
      %get3A_142 = vector.shape_cast %get3A_141 : vector<1x16xf32> to vector<16xf32>
      %get3A_143 = arith.index_cast %scan3A_139 : i32 to index
      %get3A_144 = arith.constant 0 : index
      %get3A_145 = tpu.vector_load %arg12[%get3A_143, %get3A_144] {strides = array<i32>} : memref<80x128xf32, #tpu.memory_space<vmem>>, vector<1x16xf32>,
      %get3A_146 = vector.shape_cast %get3A_145 : vector<1x16xf32> to vector<16xf32>
      %add3A_147 = arith.addf %get3A_142, %get3A_146 : vector<16xf32>
      %get3A_148 = arith.index_cast %scan3A_139 : i32 to index
      %get3A_149 = arith.constant 0 : index
      %get3A_150 = tpu.vector_load %arg13[%get3A_148, %get3A_149] {strides = array<i32>} : memref<80x128xf32, #tpu.memory_space<vmem>>, vector<1x16xf32>,
      %get3A_151 = vector.shape_cast %get3A_150 : vector<1x16xf32> to vector<16xf32>
      %add3A_152 = arith.addf %add3A_147, %get3A_151 : vector<16xf32>
      %max3A = arith.constant 0.000000e+00 : f32
      %max3A_153 = vector.broadcast %max3A : f32 to vector<16xf32>
      %max3A_154 = arith.maximumf %add3A_152, %max3A_153 : vector<16xf32>
      %swap3A = arith.index_cast %scan3A_139 : i32 to index
      %swap3A_155 = arith.constant 0 : index
      %swap3A_156 = tpu.vector_load %arg13[%swap3A, %swap3A_155] {strides = array<i32>} : memref<80x128xf32, #tpu.memory_space<vmem>>, vector<1x16xf32>,
      %swap3A_157 = vector.shape_cast %swap3A_156 : vector<1x16xf32> to vector<16xf32>
      %swap3A_158 = vector.shape_cast %max3A_154 : vector<16xf32> to vector<1x16xf32>
      tpu.vector_store %arg13[%swap3A, %swap3A_155], %swap3A_158 {strides = array<i32>} : memref<80x128xf32, #tpu.memory_space<vmem>>, vector<1x16xf32>,
      %get3A_159 = arith.index_cast %scan3A_139 : i32 to index
      %get3A_160 = arith.constant 16 : index
      %get3A_161 = tpu.vector_load %arg11[%get3A_159, %get3A_160] {strides = array<i32>} : memref<80x128xf32, #tpu.memory_space<vmem>>, vector<1x16xf32>,
      %get3A_162 = vector.shape_cast %get3A_161 : vector<1x16xf32> to vector<16xf32>
      %get3A_163 = arith.index_cast %scan3A_139 : i32 to index
      %get3A_164 = arith.constant 16 : index
      %get3A_165 = tpu.vector_load %arg12[%get3A_163, %get3A_164] {strides = array<i32>} : memref<80x128xf32, #tpu.memory_space<vmem>>, vector<1x16xf32>,
      %get3A_166 = vector.shape_cast %get3A_165 : vector<1x16xf32> to vector<16xf32>
      %add3A_167 = arith.addf %get3A_162, %get3A_166 : vector<16xf32>
      %get3A_168 = arith.index_cast %scan3A_139 : i32 to index
      %get3A_169 = arith.constant 16 : index
      %get3A_170 = tpu.vector_load %arg13[%get3A_168, %get3A_169] {strides = array<i32>} : memref<80x128xf32, #tpu.memory_space<vmem>>, vector<1x16xf32>,
      %get3A_171 = vector.shape_cast %get3A_170 : vector<1x16xf32> to vector<16xf32>
      %add3A_172 = arith.addf %add3A_167, %get3A_171 : vector<16xf32>
      %max3A_173 = arith.constant 0.000000e+00 : f32
      %max3A_174 = vector.broadcast %max3A_173 : f32 to vector<16xf32>
      %max3A_175 = arith.maximumf %add3A_172, %max3A_174 : vector<16xf32>
      %swap3A_176 = arith.index_cast %scan3A_139 : i32 to index
      %swap3A_177 = arith.constant 16 : index
      %swap3A_178 = tpu.vector_load %arg13[%swap3A_176, %swap3A_177] {strides = array<i32>} : memref<80x128xf32, #tpu.memory_space<vmem>>, vector<1x16xf32>,
      %swap3A_179 = vector.shape_cast %swap3A_178 : vector<1x16xf32> to vector<16xf32>
      %swap3A_180 = vector.shape_cast %max3A_175 : vector<16xf32> to vector<1x16xf32>
      tpu.vector_store %arg13[%swap3A_176, %swap3A_177], %swap3A_180 {strides = array<i32>} : memref<80x128xf32, #tpu.memory_space<vmem>>, vector<1x16xf32>,
      %get3A_181 = arith.index_cast %scan3A_139 : i32 to index
      %get3A_182 = arith.constant 32 : index
      %get3A_183 = tpu.vector_load %arg11[%get3A_181, %get3A_182] {strides = array<i32>} : memref<80x128xf32, #tpu.memory_space<vmem>>, vector<1x16xf32>,
      %get3A_184 = vector.shape_cast %get3A_183 : vector<1x16xf32> to vector<16xf32>
      %get3A_185 = arith.index_cast %scan3A_139 : i32 to index
      %get3A_186 = arith.constant 32 : index
      %get3A_187 = tpu.vector_load %arg12[%get3A_185, %get3A_186] {strides = array<i32>} : memref<80x128xf32, #tpu.memory_space<vmem>>, vector<1x16xf32>,
      %get3A_188 = vector.shape_cast %get3A_187 : vector<1x16xf32> to vector<16xf32>
      %add3A_189 = arith.addf %get3A_184, %get3A_188 : vector<16xf32>
      %get3A_190 = arith.index_cast %scan3A_139 : i32 to index
      %get3A_191 = arith.constant 32 : index
      %get3A_192 = tpu.vector_load %arg13[%get3A_190, %get3A_191] {strides = array<i32>} : memref<80x128xf32, #tpu.memory_space<vmem>>, vector<1x16xf32>,
      %get3A_193 = vector.shape_cast %get3A_192 : vector<1x16xf32> to vector<16xf32>
      %add3A_194 = arith.addf %add3A_189, %get3A_193 : vector<16xf32>
      %max3A_195 = arith.constant 0.000000e+00 : f32
      %max3A_196 = vector.broadcast %max3A_195 : f32 to vector<16xf32>
      %max3A_197 = arith.maximumf %add3A_194, %max3A_196 : vector<16xf32>
      %swap3A_198 = arith.index_cast %scan3A_139 : i32 to index
      %swap3A_199 = arith.constant 32 : index
      %swap3A_200 = tpu.vector_load %arg13[%swap3A_198, %swap3A_199] {strides = array<i32>} : memref<80x128xf32, #tpu.memory_space<vmem>>, vector<1x16xf32>,
      %swap3A_201 = vector.shape_cast %swap3A_200 : vector<1x16xf32> to vector<16xf32>
      %swap3A_202 = vector.shape_cast %max3A_197 : vector<16xf32> to vector<1x16xf32>
      tpu.vector_store %arg13[%swap3A_198, %swap3A_199], %swap3A_202 {strides = array<i32>} : memref<80x128xf32, #tpu.memory_space<vmem>>, vector<1x16xf32>,
      %get3A_203 = arith.index_cast %scan3A_139 : i32 to index
      %get3A_204 = arith.constant 48 : index
      %get3A_205 = tpu.vector_load %arg11[%get3A_203, %get3A_204] {strides = array<i32>} : memref<80x128xf32, #tpu.memory_space<vmem>>, vector<1x16xf32>,
      %get3A_206 = vector.shape_cast %get3A_205 : vector<1x16xf32> to vector<16xf32>
      %get3A_207 = arith.index_cast %scan3A_139 : i32 to index
      %get3A_208 = arith.constant 48 : index
      %get3A_209 = tpu.vector_load %arg12[%get3A_207, %get3A_208] {strides = array<i32>} : memref<80x128xf32, #tpu.memory_space<vmem>>, vector<1x16xf32>,
      %get3A_210 = vector.shape_cast %get3A_209 : vector<1x16xf32> to vector<16xf32>
      %add3A_211 = arith.addf %get3A_206, %get3A_210 : vector<16xf32>
      %get3A_212 = arith.index_cast %scan3A_139 : i32 to index
      %get3A_213 = arith.constant 48 : index
      %get3A_214 = tpu.vector_load %arg13[%get3A_212, %get3A_213] {strides = array<i32>} : memref<80x128xf32, #tpu.memory_space<vmem>>, vector<1x16xf32>,
      %get3A_215 = vector.shape_cast %get3A_214 : vector<1x16xf32> to vector<16xf32>
      %add3A_216 = arith.addf %add3A_211, %get3A_215 : vector<16xf32>
      %max3A_217 = arith.constant 0.000000e+00 : f32
      %max3A_218 = vector.broadcast %max3A_217 : f32 to vector<16xf32>
      %max3A_219 = arith.maximumf %add3A_216, %max3A_218 : vector<16xf32>
      %swap3A_220 = arith.index_cast %scan3A_139 : i32 to index
      %swap3A_221 = arith.constant 48 : index
      %swap3A_222 = tpu.vector_load %arg13[%swap3A_220, %swap3A_221] {strides = array<i32>} : memref<80x128xf32, #tpu.memory_space<vmem>>, vector<1x16xf32>,
      %swap3A_223 = vector.shape_cast %swap3A_222 : vector<1x16xf32> to vector<16xf32>
      %swap3A_224 = vector.shape_cast %max3A_219 : vector<16xf32> to vector<1x16xf32>
      tpu.vector_store %arg13[%swap3A_220, %swap3A_221], %swap3A_224 {strides = array<i32>} : memref<80x128xf32, #tpu.memory_space<vmem>>, vector<1x16xf32>,
      %get3A_225 = arith.index_cast %scan3A_139 : i32 to index
      %get3A_226 = arith.constant 64 : index
      %get3A_227 = tpu.vector_load %arg11[%get3A_225, %get3A_226] {strides = array<i32>} : memref<80x128xf32, #tpu.memory_space<vmem>>, vector<1x16xf32>,
      %get3A_228 = vector.shape_cast %get3A_227 : vector<1x16xf32> to vector<16xf32>
      %get3A_229 = arith.index_cast %scan3A_139 : i32 to index
      %get3A_230 = arith.constant 64 : index
      %get3A_231 = tpu.vector_load %arg12[%get3A_229, %get3A_230] {strides = array<i32>} : memref<80x128xf32, #tpu.memory_space<vmem>>, vector<1x16xf32>,
      %get3A_232 = vector.shape_cast %get3A_231 : vector<1x16xf32> to vector<16xf32>
      %add3A_233 = arith.addf %get3A_228, %get3A_232 : vector<16xf32>
      %get3A_234 = arith.index_cast %scan3A_139 : i32 to index
      %get3A_235 = arith.constant 64 : index
      %get3A_236 = tpu.vector_load %arg13[%get3A_234, %get3A_235] {strides = array<i32>} : memref<80x128xf32, #tpu.memory_space<vmem>>, vector<1x16xf32>,
      %get3A_237 = vector.shape_cast %get3A_236 : vector<1x16xf32> to vector<16xf32>
      %add3A_238 = arith.addf %add3A_233, %get3A_237 : vector<16xf32>
      %max3A_239 = arith.constant 0.000000e+00 : f32
      %max3A_240 = vector.broadcast %max3A_239 : f32 to vector<16xf32>
      %max3A_241 = arith.maximumf %add3A_238, %max3A_240 : vector<16xf32>
      %swap3A_242 = arith.index_cast %scan3A_139 : i32 to index
      %swap3A_243 = arith.constant 64 : index
      %swap3A_244 = tpu.vector_load %arg13[%swap3A_242, %swap3A_243] {strides = array<i32>} : memref<80x128xf32, #tpu.memory_space<vmem>>, vector<1x16xf32>,
      %swap3A_245 = vector.shape_cast %swap3A_244 : vector<1x16xf32> to vector<16xf32>
      %swap3A_246 = vector.shape_cast %max3A_241 : vector<16xf32> to vector<1x16xf32>
      tpu.vector_store %arg13[%swap3A_242, %swap3A_243], %swap3A_246 {strides = array<i32>} : memref<80x128xf32, #tpu.memory_space<vmem>>, vector<1x16xf32>,
      %get3A_247 = arith.index_cast %scan3A_139 : i32 to index
      %get3A_248 = arith.constant 80 : index
      %get3A_249 = tpu.vector_load %arg11[%get3A_247, %get3A_248] {strides = array<i32>} : memref<80x128xf32, #tpu.memory_space<vmem>>, vector<1x16xf32>,
      %get3A_250 = vector.shape_cast %get3A_249 : vector<1x16xf32> to vector<16xf32>
      %get3A_251 = arith.index_cast %scan3A_139 : i32 to index
      %get3A_252 = arith.constant 80 : index
      %get3A_253 = tpu.vector_load %arg12[%get3A_251, %get3A_252] {strides = array<i32>} : memref<80x128xf32, #tpu.memory_space<vmem>>, vector<1x16xf32>,
      %get3A_254 = vector.shape_cast %get3A_253 : vector<1x16xf32> to vector<16xf32>
      %add3A_255 = arith.addf %get3A_250, %get3A_254 : vector<16xf32>
      %get3A_256 = arith.index_cast %scan3A_139 : i32 to index
      %get3A_257 = arith.constant 80 : index
      %get3A_258 = tpu.vector_load %arg13[%get3A_256, %get3A_257] {strides = array<i32>} : memref<80x128xf32, #tpu.memory_space<vmem>>, vector<1x16xf32>,
      %get3A_259 = vector.shape_cast %get3A_258 : vector<1x16xf32> to vector<16xf32>
      %add3A_260 = arith.addf %add3A_255, %get3A_259 : vector<16xf32>
      %max3A_261 = arith.constant 0.000000e+00 : f32
      %max3A_262 = vector.broadcast %max3A_261 : f32 to vector<16xf32>
      %max3A_263 = arith.maximumf %add3A_260, %max3A_262 : vector<16xf32>
      %swap3A_264 = arith.index_cast %scan3A_139 : i32 to index
      %swap3A_265 = arith.constant 80 : index
      %swap3A_266 = tpu.vector_load %arg13[%swap3A_264, %swap3A_265] {strides = array<i32>} : memref<80x128xf32, #tpu.memory_space<vmem>>, vector<1x16xf32>,
      %swap3A_267 = vector.shape_cast %swap3A_266 : vector<1x16xf32> to vector<16xf32>
      %swap3A_268 = vector.shape_cast %max3A_263 : vector<16xf32> to vector<1x16xf32>
      tpu.vector_store %arg13[%swap3A_264, %swap3A_265], %swap3A_268 {strides = array<i32>} : memref<80x128xf32, #tpu.memory_space<vmem>>, vector<1x16xf32>,
      %get3A_269 = arith.index_cast %scan3A_139 : i32 to index
      %get3A_270 = arith.constant 96 : index
      %get3A_271 = tpu.vector_load %arg11[%get3A_269, %get3A_270] {strides = array<i32>} : memref<80x128xf32, #tpu.memory_space<vmem>>, vector<1x16xf32>,
      %get3A_272 = vector.shape_cast %get3A_271 : vector<1x16xf32> to vector<16xf32>
      %get3A_273 = arith.index_cast %scan3A_139 : i32 to index
      %get3A_274 = arith.constant 96 : index
      %get3A_275 = tpu.vector_load %arg12[%get3A_273, %get3A_274] {strides = array<i32>} : memref<80x128xf32, #tpu.memory_space<vmem>>, vector<1x16xf32>,
      %get3A_276 = vector.shape_cast %get3A_275 : vector<1x16xf32> to vector<16xf32>
      %add3A_277 = arith.addf %get3A_272, %get3A_276 : vector<16xf32>
      %get3A_278 = arith.index_cast %scan3A_139 : i32 to index
      %get3A_279 = arith.constant 96 : index
      %get3A_280 = tpu.vector_load %arg13[%get3A_278, %get3A_279] {strides = array<i32>} : memref<80x128xf32, #tpu.memory_space<vmem>>, vector<1x16xf32>,
      %get3A_281 = vector.shape_cast %get3A_280 : vector<1x16xf32> to vector<16xf32>
      %add3A_282 = arith.addf %add3A_277, %get3A_281 : vector<16xf32>
      %max3A_283 = arith.constant 0.000000e+00 : f32
      %max3A_284 = vector.broadcast %max3A_283 : f32 to vector<16xf32>
      %max3A_285 = arith.maximumf %add3A_282, %max3A_284 : vector<16xf32>
      %swap3A_286 = arith.index_cast %scan3A_139 : i32 to index
      %swap3A_287 = arith.constant 96 : index
      %swap3A_288 = tpu.vector_load %arg13[%swap3A_286, %swap3A_287] {strides = array<i32>} : memref<80x128xf32, #tpu.memory_space<vmem>>, vector<1x16xf32>,
      %swap3A_289 = vector.shape_cast %swap3A_288 : vector<1x16xf32> to vector<16xf32>
      %swap3A_290 = vector.shape_cast %max3A_285 : vector<16xf32> to vector<1x16xf32>
      tpu.vector_store %arg13[%swap3A_286, %swap3A_287], %swap3A_290 {strides = array<i32>} : memref<80x128xf32, #tpu.memory_space<vmem>>, vector<1x16xf32>,
      %get3A_291 = arith.index_cast %scan3A_139 : i32 to index
      %get3A_292 = arith.constant 112 : index
      %get3A_293 = tpu.vector_load %arg11[%get3A_291, %get3A_292] {strides = array<i32>} : memref<80x128xf32, #tpu.memory_space<vmem>>, vector<1x16xf32>,
      %get3A_294 = vector.shape_cast %get3A_293 : vector<1x16xf32> to vector<16xf32>
      %get3A_295 = arith.index_cast %scan3A_139 : i32 to index
      %get3A_296 = arith.constant 112 : index
      %get3A_297 = tpu.vector_load %arg12[%get3A_295, %get3A_296] {strides = array<i32>} : memref<80x128xf32, #tpu.memory_space<vmem>>, vector<1x16xf32>,
      %get3A_298 = vector.shape_cast %get3A_297 : vector<1x16xf32> to vector<16xf32>
      %add3A_299 = arith.addf %get3A_294, %get3A_298 : vector<16xf32>
      %get3A_300 = arith.index_cast %scan3A_139 : i32 to index
      %get3A_301 = arith.constant 112 : index
      %get3A_302 = tpu.vector_load %arg13[%get3A_300, %get3A_301] {strides = array<i32>} : memref<80x128xf32, #tpu.memory_space<vmem>>, vector<1x16xf32>,
      %get3A_303 = vector.shape_cast %get3A_302 : vector<1x16xf32> to vector<16xf32>
      %add3A_304 = arith.addf %add3A_299, %get3A_303 : vector<16xf32>
      %max3A_305 = arith.constant 0.000000e+00 : f32
      %max3A_306 = vector.broadcast %max3A_305 : f32 to vector<16xf32>
      %max3A_307 = arith.maximumf %add3A_304, %max3A_306 : vector<16xf32>
      %swap3A_308 = arith.index_cast %scan3A_139 : i32 to index
      %swap3A_309 = arith.constant 112 : index
      %swap3A_310 = tpu.vector_load %arg13[%swap3A_308, %swap3A_309] {strides = array<i32>} : memref<80x128xf32, #tpu.memory_space<vmem>>, vector<1x16xf32>,
      %swap3A_311 = vector.shape_cast %swap3A_310 : vector<1x16xf32> to vector<16xf32>
      %swap3A_312 = vector.shape_cast %max3A_307 : vector<16xf32> to vector<1x16xf32>
      tpu.vector_store %arg13[%swap3A_308, %swap3A_309], %swap3A_312 {strides = array<i32>} : memref<80x128xf32, #tpu.memory_space<vmem>>, vector<1x16xf32>,
    }
    %scan3A_131 = arith.constant 80 : i32
    %dma_start3A_132 = arith.constant 0 : i32
    %dma_start3A_133 = arith.constant 0 : i32
    %dma_start3A_134 = tpu.memref_slice %arg15[%dma_start3A_132, %dma_start3A_133] : memref<10112x128xf32, #tpu.memory_space<vmem_shared>> -> memref<10112x128xf32, #tpu.memory_space<vmem_shared>>
    tpu.enqueue_indirect_dma source(%arg13 : memref<80x128xf32, #tpu.memory_space<vmem>>) target(%dma_start3A_134 : memref<10112x128xf32, #tpu.memory_space<vmem_shared>>) offsets(%arg9 : memref<80xi32, #tpu.memory_space<vmem>>) semaphore(%arg20 : memref<!tpu.dma_semaphore, #tpu.memory_space<semaphore_mem>>) {add = true}
    %dma_wait3A_135 = arith.constant 0 : i32
    %dma_wait3A_136 = arith.constant 0 : i32
    %dma_wait3A_137 = tpu.memref_slice %arg15[%dma_wait3A_135, %dma_wait3A_136] : memref<10112x128xf32, #tpu.memory_space<vmem_shared>> -> memref<10112x128xf32, #tpu.memory_space<vmem_shared>>
    tpu.wait_indirect_dma semaphore(%arg20 : memref<!tpu.dma_semaphore, #tpu.memory_space<semaphore_mem>>) src(%arg13 : memref<80x128xf32, #tpu.memory_space<vmem>>) dst(%dma_wait3A_137 : memref<10112x128xf32, #tpu.memory_space<vmem_shared>>)
    %barrier3A_138 = arith.constant 0 : index
    tpu.barrier barrier_id(%barrier3A_138)
    "tpu.region"() ({
      %run_scoped3A = tpu.sem_alloc : memref<!tpu.dma_semaphore, #tpu.memory_space<semaphore_mem>>
      %dma_start3A_139 = arith.constant 0 : i32
      %dma_start3A_140 = tpu.memref_slice %arg7[%add3A_8, %dma_start3A_139] : memref<20224x128xf32, #tpu.memory_space<hbm>> -> memref<632x128xf32, #tpu.memory_space<hbm>>
      %dma_start3A_141 = arith.constant 0 : i32
      %dma_start3A_142 = tpu.memref_slice %arg15[%mul3A_3, %dma_start3A_141] : memref<10112x128xf32, #tpu.memory_space<vmem_shared>> -> memref<632x128xf32, #tpu.memory_space<vmem_shared>>
      tpu.enqueue_dma source(%dma_start3A_142 : memref<632x128xf32, #tpu.memory_space<vmem_shared>>) target(%dma_start3A_140 : memref<632x128xf32, #tpu.memory_space<hbm>>) target_semaphore(%run_scoped3A : memref<!tpu.dma_semaphore, #tpu.memory_space<semaphore_mem>>)
      %dma_wait3A_143 = arith.constant 0 : i32
      %dma_wait3A_144 = tpu.memref_slice %arg7[%add3A_8, %dma_wait3A_143] : memref<20224x128xf32, #tpu.memory_space<hbm>> -> memref<632x128xf32, #tpu.memory_space<hbm>>
      %dma_wait3A_145 = arith.constant 0 : i32
      %dma_wait3A_146 = tpu.memref_slice %arg15[%mul3A_3, %dma_wait3A_145] : memref<10112x128xf32, #tpu.memory_space<vmem_shared>> -> memref<632x128xf32, #tpu.memory_space<vmem_shared>>
      tpu.wait_dma2 semaphore(%run_scoped3A : memref<!tpu.dma_semaphore, #tpu.memory_space<semaphore_mem>>) src(%dma_wait3A_146 : memref<632x128xf32, #tpu.memory_space<vmem_shared>>) dst(%dma_wait3A_144 : memref<632x128xf32, #tpu.memory_space<hbm>>)
      tpu.yield
    }) : () -> ()
    return
  }
}

module attributes {stable_mosaic.version = 14 : i64} {
  func.func @_node_proj_body(%arg0: i32, %arg1: memref<2000x128xf32, #tpu.memory_space<vmem>>, %arg2: memref<128x128xf32, #tpu.memory_space<vmem>>, %arg3: memref<128x128xf32, #tpu.memory_space<vmem>>, %arg4: memref<2000x128xf32, #tpu.memory_space<vmem>>, %arg5: memref<2000x128xf32, #tpu.memory_space<vmem>>) attributes {dimension_semantics = [#tpu.dimension_semantics<arbitrary>], iteration_bounds = array<i64: 5>, scalar_prefetch = 0 : i64, scratch_operands = 0 : i64, tpu.core_type = #tpu.core_type<tc>, window_params = [{transform_indices = @transform_0, window_bounds = array<i64: 2000, 128>}, {pipeline_mode = #tpu.pipeline_mode<synchronous>, transform_indices = @transform_1, window_bounds = array<i64: 128, 128>}, {pipeline_mode = #tpu.pipeline_mode<synchronous>, transform_indices = @transform_2, window_bounds = array<i64: 128, 128>}, {transform_indices = @transform_3, window_bounds = array<i64: 2000, 128>}, {transform_indices = @transform_4, window_bounds = array<i64: 2000, 128>}]} {
    %get3A = arith.constant 0 : index
    %get3A_0 = arith.constant 0 : index
    %get3A_1 = vector.load %arg1[%get3A, %get3A_0] : memref<2000x128xf32, #tpu.memory_space<vmem>>, vector<2000x128xf32>
    %get3A_2 = arith.constant 0 : index
    %get3A_3 = arith.constant 0 : index
    %get3A_4 = vector.load %arg2[%get3A_2, %get3A_3] : memref<128x128xf32, #tpu.memory_space<vmem>>, vector<128x128xf32>
    %dot_general3A = arith.constant dense<0.000000e+00> : vector<2000x128xf32>
    %dot_general3A_5 = tpu.matmul %get3A_1, %get3A_4, %dot_general3A {dimension_numbers = #tpu.dot_dimension_numbers<[1], [0], [0], [1], [0, 0, 1, 1], [], []>, transpose_lhs_hint = false} : vector<2000x128xf32>, vector<128x128xf32>, vector<2000x128xf32> -> vector<2000x128xf32>
    %swap3A = arith.constant 0 : index
    %swap3A_6 = arith.constant 0 : index
    %swap3A_7 = vector.load %arg4[%swap3A, %swap3A_6] : memref<2000x128xf32, #tpu.memory_space<vmem>>, vector<2000x128xf32>
    tpu.vector_store %arg4[%swap3A, %swap3A_6], %dot_general3A_5 {strides = array<i32>} : memref<2000x128xf32, #tpu.memory_space<vmem>>, vector<2000x128xf32>,
    %get3A_8 = arith.constant 0 : index
    %get3A_9 = arith.constant 0 : index
    %get3A_10 = vector.load %arg3[%get3A_8, %get3A_9] : memref<128x128xf32, #tpu.memory_space<vmem>>, vector<128x128xf32>
    %dot_general3A_11 = arith.constant dense<0.000000e+00> : vector<2000x128xf32>
    %dot_general3A_12 = tpu.matmul %get3A_1, %get3A_10, %dot_general3A_11 {dimension_numbers = #tpu.dot_dimension_numbers<[1], [0], [0], [1], [0, 0, 1, 1], [], []>, transpose_lhs_hint = false} : vector<2000x128xf32>, vector<128x128xf32>, vector<2000x128xf32> -> vector<2000x128xf32>
    %swap3A_13 = arith.constant 0 : index
    %swap3A_14 = arith.constant 0 : index
    %swap3A_15 = vector.load %arg5[%swap3A_13, %swap3A_14] : memref<2000x128xf32, #tpu.memory_space<vmem>>, vector<2000x128xf32>
    tpu.vector_store %arg5[%swap3A_13, %swap3A_14], %dot_general3A_12 {strides = array<i32>} : memref<2000x128xf32, #tpu.memory_space<vmem>>, vector<2000x128xf32>,
    return
  }
  func.func @transform_0(%arg0: i32) -> (i32, i32) {
    %c0_i32 = arith.constant 0 : i32
    %c0_i32_0 = arith.constant 0 : i32
    return %arg0, %c0_i32 : i32, i32
  }
  func.func @transform_1(%arg0: i32) -> (i32, i32) {
    %c0_i32 = arith.constant 0 : i32
    %c0_i32_0 = arith.constant 0 : i32
    %c0_i32_1 = arith.constant 0 : i32
    return %c0_i32, %c0_i32_0 : i32, i32
  }
  func.func @transform_2(%arg0: i32) -> (i32, i32) {
    %c0_i32 = arith.constant 0 : i32
    %c0_i32_0 = arith.constant 0 : i32
    %c0_i32_1 = arith.constant 0 : i32
    return %c0_i32, %c0_i32_0 : i32, i32
  }
  func.func @transform_3(%arg0: i32) -> (i32, i32) {
    %c0_i32 = arith.constant 0 : i32
    %c0_i32_0 = arith.constant 0 : i32
    return %arg0, %c0_i32 : i32, i32
  }
  func.func @transform_4(%arg0: i32) -> (i32, i32) {
    %c0_i32 = arith.constant 0 : i32
    %c0_i32_0 = arith.constant 0 : i32
    return %arg0, %c0_i32 : i32, i32
  }
}

module attributes {stable_mosaic.version = 14 : i64} {
  func.func @_edge_proj_body(%arg0: i32, %arg1: memref<2000x128xf32, #tpu.memory_space<vmem>>, %arg2: memref<128x128xf32, #tpu.memory_space<vmem>>, %arg3: memref<1x128xf32, #tpu.memory_space<vmem>>, %arg4: memref<2000x128xf32, #tpu.memory_space<vmem>>) attributes {dimension_semantics = [#tpu.dimension_semantics<arbitrary>], iteration_bounds = array<i64: 160>, scalar_prefetch = 0 : i64, scratch_operands = 0 : i64, tpu.core_type = #tpu.core_type<tc>, window_params = [{transform_indices = @transform_0, window_bounds = array<i64: 2000, 128>}, {pipeline_mode = #tpu.pipeline_mode<synchronous>, transform_indices = @transform_1, window_bounds = array<i64: 128, 128>}, {pipeline_mode = #tpu.pipeline_mode<synchronous>, transform_indices = @transform_2, window_bounds = array<i64: 1, 128>}, {transform_indices = @transform_3, window_bounds = array<i64: 2000, 128>}]} {
    %get3A = arith.constant 0 : index
    %get3A_0 = arith.constant 0 : index
    %get3A_1 = vector.load %arg1[%get3A, %get3A_0] : memref<2000x128xf32, #tpu.memory_space<vmem>>, vector<2000x128xf32>
    %get3A_2 = arith.constant 0 : index
    %get3A_3 = arith.constant 0 : index
    %get3A_4 = vector.load %arg2[%get3A_2, %get3A_3] : memref<128x128xf32, #tpu.memory_space<vmem>>, vector<128x128xf32>
    %dot_general3A = arith.constant dense<0.000000e+00> : vector<2000x128xf32>
    %dot_general3A_5 = tpu.matmul %get3A_1, %get3A_4, %dot_general3A {dimension_numbers = #tpu.dot_dimension_numbers<[1], [0], [0], [1], [0, 0, 1, 1], [], []>, transpose_lhs_hint = false} : vector<2000x128xf32>, vector<128x128xf32>, vector<2000x128xf32> -> vector<2000x128xf32>
    %get3A_6 = arith.constant 0 : index
    %get3A_7 = arith.constant 0 : index
    %get3A_8 = vector.load %arg3[%get3A_6, %get3A_7] : memref<1x128xf32, #tpu.memory_space<vmem>>, vector<1x128xf32>
    %add3A = vector.broadcast %get3A_8 : vector<1x128xf32> to vector<2000x128xf32>
    %add3A_9 = arith.addf %dot_general3A_5, %add3A : vector<2000x128xf32>
    %swap3A = arith.constant 0 : index
    %swap3A_10 = arith.constant 0 : index
    %swap3A_11 = vector.load %arg4[%swap3A, %swap3A_10] : memref<2000x128xf32, #tpu.memory_space<vmem>>, vector<2000x128xf32>
    tpu.vector_store %arg4[%swap3A, %swap3A_10], %add3A_9 {strides = array<i32>} : memref<2000x128xf32, #tpu.memory_space<vmem>>, vector<2000x128xf32>,
    return
  }
  func.func @transform_0(%arg0: i32) -> (i32, i32) {
    %c0_i32 = arith.constant 0 : i32
    %c0_i32_0 = arith.constant 0 : i32
    return %arg0, %c0_i32 : i32, i32
  }
  func.func @transform_1(%arg0: i32) -> (i32, i32) {
    %c0_i32 = arith.constant 0 : i32
    %c0_i32_0 = arith.constant 0 : i32
    %c0_i32_1 = arith.constant 0 : i32
    return %c0_i32, %c0_i32_0 : i32, i32
  }
  func.func @transform_2(%arg0: i32) -> (i32, i32) {
    %c0_i32 = arith.constant 0 : i32
    %c0_i32_0 = arith.constant 0 : i32
    %c0_i32_1 = arith.constant 0 : i32
    return %c0_i32, %c0_i32_0 : i32, i32
  }
  func.func @transform_3(%arg0: i32) -> (i32, i32) {
    %c0_i32 = arith.constant 0 : i32
    %c0_i32_0 = arith.constant 0 : i32
    return %arg0, %c0_i32 : i32, i32
  }
}

module attributes {stable_mosaic.version = 14 : i64} {
  func.func @_update_body(%arg0: i32, %arg1: memref<2000x128xf32, #tpu.memory_space<vmem>>, %arg2: memref<2000x128xf32, #tpu.memory_space<vmem>>, %arg3: memref<2000x128xf32, #tpu.memory_space<vmem>>, %arg4: memref<2000x16xf32, #tpu.memory_space<vmem>>, %arg5: memref<2000x16xf32, #tpu.memory_space<vmem>>, %arg6: memref<128x128xf32, #tpu.memory_space<vmem>>, %arg7: memref<128x128xf32, #tpu.memory_space<vmem>>, %arg8: memref<1x128xf32, #tpu.memory_space<vmem>>, %arg9: memref<2000x128xf32, #tpu.memory_space<vmem>>) attributes {dimension_semantics = [#tpu.dimension_semantics<arbitrary>], iteration_bounds = array<i64: 5>, scalar_prefetch = 0 : i64, scratch_operands = 0 : i64, tpu.core_type = #tpu.core_type<tc>, window_params = [{transform_indices = @transform_0, window_bounds = array<i64: 2000, 128>}, {transform_indices = @transform_1, window_bounds = array<i64: 2000, 128>}, {transform_indices = @transform_2, window_bounds = array<i64: 2000, 128>}, {transform_indices = @transform_3, window_bounds = array<i64: 2000, 16>}, {transform_indices = @transform_4, window_bounds = array<i64: 2000, 16>}, {pipeline_mode = #tpu.pipeline_mode<synchronous>, transform_indices = @transform_5, window_bounds = array<i64: 128, 128>}, {pipeline_mode = #tpu.pipeline_mode<synchronous>, transform_indices = @transform_6, window_bounds = array<i64: 128, 128>}, {pipeline_mode = #tpu.pipeline_mode<synchronous>, transform_indices = @transform_7, window_bounds = array<i64: 1, 128>}, {transform_indices = @transform_8, window_bounds = array<i64: 2000, 128>}]} {
    %get3A = arith.constant 0 : index
    %get3A_0 = arith.constant 0 : index
    %get3A_1 = vector.load %arg4[%get3A, %get3A_0] : memref<2000x16xf32, #tpu.memory_space<vmem>>, vector<2000x1xf32>
    %get3A_2 = arith.constant 0 : index
    %get3A_3 = arith.constant 0 : index
    %get3A_4 = vector.load %arg5[%get3A_2, %get3A_3] : memref<2000x16xf32, #tpu.memory_space<vmem>>, vector<2000x1xf32>
    %add3A = arith.addf %get3A_1, %get3A_4 : vector<2000x1xf32>
    %add3A_5 = arith.constant 9.99999997E-7 : f32
    %add3A_6 = vector.broadcast %add3A_5 : f32 to vector<2000x1xf32>
    %add3A_7 = arith.addf %add3A, %add3A_6 : vector<2000x1xf32>
    %get3A_8 = arith.constant 0 : index
    %get3A_9 = arith.constant 0 : index
    %get3A_10 = vector.load %arg2[%get3A_8, %get3A_9] : memref<2000x128xf32, #tpu.memory_space<vmem>>, vector<2000x128xf32>
    %get3A_11 = arith.constant 0 : index
    %get3A_12 = arith.constant 0 : index
    %get3A_13 = vector.load %arg3[%get3A_11, %get3A_12] : memref<2000x128xf32, #tpu.memory_space<vmem>>, vector<2000x128xf32>
    %add3A_14 = arith.addf %get3A_10, %get3A_13 : vector<2000x128xf32>
    %div3A = vector.broadcast %add3A_7 : vector<2000x1xf32> to vector<2000x128xf32>
    %div3A_15 = arith.divf %add3A_14, %div3A : vector<2000x128xf32>
    %get3A_16 = arith.constant 0 : index
    %get3A_17 = arith.constant 0 : index
    %get3A_18 = vector.load %arg1[%get3A_16, %get3A_17] : memref<2000x128xf32, #tpu.memory_space<vmem>>, vector<2000x128xf32>
    %get3A_19 = arith.constant 0 : index
    %get3A_20 = arith.constant 0 : index
    %get3A_21 = vector.load %arg6[%get3A_19, %get3A_20] : memref<128x128xf32, #tpu.memory_space<vmem>>, vector<128x128xf32>
    %dot_general3A = arith.constant dense<0.000000e+00> : vector<2000x128xf32>
    %dot_general3A_22 = tpu.matmul %get3A_18, %get3A_21, %dot_general3A {dimension_numbers = #tpu.dot_dimension_numbers<[1], [0], [0], [1], [0, 0, 1, 1], [], []>, transpose_lhs_hint = false} : vector<2000x128xf32>, vector<128x128xf32>, vector<2000x128xf32> -> vector<2000x128xf32>
    %get3A_23 = arith.constant 0 : index
    %get3A_24 = arith.constant 0 : index
    %get3A_25 = vector.load %arg7[%get3A_23, %get3A_24] : memref<128x128xf32, #tpu.memory_space<vmem>>, vector<128x128xf32>
    %dot_general3A_26 = arith.constant dense<0.000000e+00> : vector<2000x128xf32>
    %dot_general3A_27 = tpu.matmul %div3A_15, %get3A_25, %dot_general3A_26 {dimension_numbers = #tpu.dot_dimension_numbers<[1], [0], [0], [1], [0, 0, 1, 1], [], []>, transpose_lhs_hint = false} : vector<2000x128xf32>, vector<128x128xf32>, vector<2000x128xf32> -> vector<2000x128xf32>
    %add3A_28 = arith.addf %dot_general3A_22, %dot_general3A_27 : vector<2000x128xf32>
    %get3A_29 = arith.constant 0 : index
    %get3A_30 = arith.constant 0 : index
    %get3A_31 = vector.load %arg8[%get3A_29, %get3A_30] : memref<1x128xf32, #tpu.memory_space<vmem>>, vector<1x128xf32>
    %add3A_32 = vector.broadcast %get3A_31 : vector<1x128xf32> to vector<2000x128xf32>
    %add3A_33 = arith.addf %add3A_28, %add3A_32 : vector<2000x128xf32>
    %max3A = arith.constant 0.000000e+00 : f32
    %max3A_34 = vector.broadcast %max3A : f32 to vector<2000x128xf32>
    %max3A_35 = arith.maximumf %add3A_33, %max3A_34 : vector<2000x128xf32>
    %swap3A = arith.constant 0 : index
    %swap3A_36 = arith.constant 0 : index
    %swap3A_37 = vector.load %arg9[%swap3A, %swap3A_36] : memref<2000x128xf32, #tpu.memory_space<vmem>>, vector<2000x128xf32>
    tpu.vector_store %arg9[%swap3A, %swap3A_36], %max3A_35 {strides = array<i32>} : memref<2000x128xf32, #tpu.memory_space<vmem>>, vector<2000x128xf32>,
    return
  }
  func.func @transform_0(%arg0: i32) -> (i32, i32) {
    %c0_i32 = arith.constant 0 : i32
    %c0_i32_0 = arith.constant 0 : i32
    return %arg0, %c0_i32 : i32, i32
  }
  func.func @transform_1(%arg0: i32) -> (i32, i32) {
    %c0_i32 = arith.constant 0 : i32
    %c0_i32_0 = arith.constant 0 : i32
    return %arg0, %c0_i32 : i32, i32
  }
  func.func @transform_2(%arg0: i32) -> (i32, i32) {
    %c0_i32 = arith.constant 0 : i32
    %c0_i32_0 = arith.constant 0 : i32
    return %arg0, %c0_i32 : i32, i32
  }
  func.func @transform_3(%arg0: i32) -> (i32, i32) {
    %c0_i32 = arith.constant 0 : i32
    %c0_i32_0 = arith.constant 0 : i32
    return %arg0, %c0_i32 : i32, i32
  }
  func.func @transform_4(%arg0: i32) -> (i32, i32) {
    %c0_i32 = arith.constant 0 : i32
    %c0_i32_0 = arith.constant 0 : i32
    return %arg0, %c0_i32 : i32, i32
  }
  func.func @transform_5(%arg0: i32) -> (i32, i32) {
    %c0_i32 = arith.constant 0 : i32
    %c0_i32_0 = arith.constant 0 : i32
    %c0_i32_1 = arith.constant 0 : i32
    return %c0_i32, %c0_i32_0 : i32, i32
  }
  func.func @transform_6(%arg0: i32) -> (i32, i32) {
    %c0_i32 = arith.constant 0 : i32
    %c0_i32_0 = arith.constant 0 : i32
    %c0_i32_1 = arith.constant 0 : i32
    return %c0_i32, %c0_i32_0 : i32, i32
  }
  func.func @transform_7(%arg0: i32) -> (i32, i32) {
    %c0_i32 = arith.constant 0 : i32
    %c0_i32_0 = arith.constant 0 : i32
    %c0_i32_1 = arith.constant 0 : i32
    return %c0_i32, %c0_i32_0 : i32, i32
  }
  func.func @transform_8(%arg0: i32) -> (i32, i32) {
    %c0_i32 = arith.constant 0 : i32
    %c0_i32_0 = arith.constant 0 : i32
    return %arg0, %c0_i32 : i32, i32
  }
}

</mosaic_0001>

<sc_bundles>
// kernel: kernel.10.cloned.1.call-start
scs
__scs_entry_jumppad:
0x0: {  	(pc) =	sbr.rel $0x88, $3  }
0x1: {  	(tag) =	ssettag $0x0;
	lr =	simm.s32 $0x1  }
0x2: {  	[smem:$0x3F9A] =	sst lr;
	_ =	strace $0xD0000000  }
0x3: {  	_ = 	snop  }
0x4: {  	_ = 	snop  }
0x5: {  	_ = 	snop  }
0x6: {  	_ = 	snop  }
0x7: {  	_ = 	snop  }
__scs_overlays_trampoline_lowered:
0x8: {  	[smem:$0x3FA9] =	sst s0  }
0x9: {  	[smem:$0x3FAA] =	sst s1  }
0xa: {  	[smem:$0x3FAB] =	sst s2  }
0xb: {  	[smem:$0x3FAC] =	sst s3  }
0xc: {  	[smem:$0x3FAD] =	sst s4  }
0xd: {  	[smem:$0x3FAE] =	sst s5  }
0xe: {  	[smem:$0x3FAF] =	sst s6  }
0xf: {  	[smem:$0x3FB0] =	sst s7  }
0x10: {  	[smem:$0x3FB1] =	sst s8  }
0x11: {  	[smem:$0x3FB2] =	sst s9;
	s0 =	simm.s32 @!p0 $0x0  }
0x12: {  	s1 =	sld [smem:$0x3F98];
	s0 =	simm.s32 @p0 $0x1  }
0x13: {  	[smem:$0x3FB3] =	sst s0;
	s0 =	simm.s32 @!p1 $0x0  }
0x14: {  	s2 =	sld [smem:$0x3F97];
	s0 =	simm.s32 @p1 $0x1  }
0x15: {  	[smem:$0x3FB4] =	sst s0;
	s0 =	simm.s32 @!p2 $0x0  }
0x16: {  	s3 =	sld [smem:$0x3FDB];
	s0 =	simm.s32 @p2 $0x1  }
0x17: {  	s4 =	simm.s32 $0x1BF5;
	[smem:$0x3FB6] =	sst s0  }
0x18: {  	s0 =	sld [smem:$0x3F99];
	_ =	swait.ge [sflag:s4], $0x0  }
0x19: {  	s7 =	sld [smem:$0x3F9A]  }
0x1a: {  	s8 =	sadd.s32 $0xFFFFE003, lr  }
0x1b: {  	s9 =	sadd.s32 $0xFFFFFEF7, lr;
	s5 =	simm.s32 $0xFFFFFFFF;
	p2 =	slt.u32 s8, $0xFFFFF086  }
0x1c: {  	p1 =	slt.u32 s9, $0xF7A;
	s5 =	simm.s32 @!p2 $0x0  }
0x1d: {  	s5 =	simm.s32 @p1 $0x1;
	p0 =	seq.s32 s7, s2  }
0x1e: {  	s7 =	smul.u32 @!p0 $0xF7A, s2;
	p2 =	seq.s32 @!p0 s5, $0x0  }
0x1f: {  	s9 =	smul.u32 $0xF7A, s1;
	s8 =	simm.s32 @!p0 $0x1BF5;
	p2 =	por !p2, p0  }
0x20: {  	[sflag:s8] =	ssyncset.s32 @!p0 $0xFFFFF086;
	s6 =	sadd.s32 @!p0 s3, s7;
	s7 =	simm.s32 @!p0 $0x108  }
0x21: {  	s3 =	sadd.s32 s3, s9;
	s6 =	sadd.s32 @!p0 $0x88, s6;
	s7 =	simm.s32 @p2 $0x1082  }
0x22: {  	[simem:s7], [sflag:s8] =	dma.local @!p0 [hbm:s6], $0xF7A  }
0x23: {  	s9 =	sor.u32 $0xD0000000, s2;
	s6 =	simm.s32 $0x108;
	_ =	swait.ge @!p0 [sflag:s8], $0x0  }
0x24: {  	s3 =	sadd.s32 $0x88, s3;
	s6 =	simm.s32 @!p1 $0x1082;
	[sflag:s4] =	ssyncset.s32 $0xFFFFF086  }
0x25: {  	[simem:s6], [sflag:s4] =	dma.local [hbm:s3], $0xF7A  }
0x26: {  	[smem:$0x3F9A] =	sst s1;
	(tag) =	ssettag s2;
	_ =	strace s9  }
0x27: {  	s1 =	sld [smem:$0x3FAA]  }
0x28: {  	s2 =	sld [smem:$0x3FAB]  }
0x29: {  	s4 =	sld [smem:$0x3FAD]  }
0x2a: {  	p0 =	seq.s32 s5, $0x0;
	s5 =	sld [smem:$0x3FAE]  }
0x2b: {  	s6 =	sld [smem:$0x3FAF]  }
0x2c: {  	s7 =	sld [smem:$0x3FB0]  }
0x2d: {  	s3 =	simm.s32 $0x108;
	s8 =	sld [smem:$0x3FB1]  }
0x2e: {  	s3 =	simm.s32 @!p0 $0x1082;
	s9 =	sld [smem:$0x3FB2]  }
0x2f: {  	lr =	sadd.s32 s0, s3;
	s0 =	sld [smem:$0x3FA9]  }
0x30: {  	s3 =	sld [smem:$0x3FAC]  }
0x31: {  	[smem:$0x3FB5] =	sst s10  }
0x32: {  	s10 =	sld [smem:$0x3FB3];
	_ =	sdelay $0x3  }
0x33: {  	p0 =	seq.s32 s10, $0x1;
	s10 =	sld [smem:$0x3FB5];
	_ =	sdelay $0x3  }
0x34: {  	[smem:$0x3FB5] =	sst s10  }
0x35: {  	s10 =	sld [smem:$0x3FB4];
	_ =	sdelay $0x3  }
0x36: {  	p1 =	seq.s32 s10, $0x1;
	s10 =	sld [smem:$0x3FB5];
	_ =	sdelay $0x3  }
0x37: {  	[smem:$0x3FB5] =	sst s10  }
0x38: {  	s10 =	sld [smem:$0x3FB6]  }
0x39: {  	_ = 	snop;
	(pc) =	sbr.ind lr, $3  }
0x3a: {  	_ = 	snop  }
0x3b: {  	_ = 	snop  }
0x3c: {  	p2 =	seq.s32 s10, $0x1;
	s10 =	sld [smem:$0x3FB5]  }
0x3d: {  	_ =	shalt  }
0x3e: {  	_ =	shalt  }
0x3f: {  	_ =	shalt  }
0x40: {  	_ =	shalt  }
0x41: {  	_ =	shalt  }
0x42: {  	_ =	shalt  }
0x43: {  	_ =	shalt  }
0x44: {  	_ =	shalt  }
0x45: {  	_ =	shalt  }
0x46: {  	_ =	shalt  }
0x47: {  	_ =	shalt  }
0x48: {  	_ =	shalt  }
0x49: {  	_ =	shalt  }
0x4a: {  	_ =	shalt  }
0x4b: {  	_ =	shalt  }
0x4c: {  	_ =	shalt  }
0x4d: {  	_ =	shalt  }
0x4e: {  	_ =	shalt  }
0x4f: {  	_ =	shalt  }
0x50: {  	_ =	shalt  }
0x51: {  	_ =	shalt  }
0x52: {  	_ =	shalt  }
0x53: {  	_ =	shalt  }
0x54: {  	_ =	shalt  }
0x55: {  	_ =	shalt  }
0x56: {  	_ =	shalt  }
0x57: {  	_ =	shalt  }
0x58: {  	_ =	shalt  }
0x59: {  	_ =	shalt  }
0x5a: {  	_ =	shalt  }
0x5b: {  	_ =	shalt  }
0x5c: {  	_ =	shalt  }
0x5d: {  	_ =	shalt  }
0x5e: {  	_ =	shalt  }
0x5f: {  	_ =	shalt  }
0x60: {  	_ =	shalt  }
0x61: {  	_ =	shalt  }
0x62: {  	_ =	shalt  }
0x63: {  	_ =	shalt  }
0x64: {  	_ =	shalt  }
0x65: {  	_ =	shalt  }
0x66: {  	_ =	shalt  }
0x67: {  	_ =	shalt  }
0x68: {  	_ =	shalt  }
0x69: {  	_ =	shalt  }
0x6a: {  	_ =	shalt  }
0x6b: {  	_ =	shalt  }
0x6c: {  	_ =	shalt  }
0x6d: {  	_ =	shalt  }
0x6e: {  	_ =	shalt  }
0x6f: {  	_ =	shalt  }
0x70: {  	_ =	shalt  }
0x71: {  	_ =	shalt  }
0x72: {  	_ =	shalt  }
0x73: {  	_ =	shalt  }
0x74: {  	_ =	shalt  }
0x75: {  	_ =	shalt  }
0x76: {  	_ =	shalt  }
0x77: {  	_ =	shalt  }
0x78: {  	_ =	shalt  }
0x79: {  	_ =	shalt  }
0x7a: {  	_ =	shalt  }
0x7b: {  	_ =	shalt  }
0x7c: {  	_ =	shalt  }
0x7d: {  	_ =	shalt  }
0x7e: {  	_ =	shalt  }
0x7f: {  	_ =	shalt  }
0x80: {  	_ =	shalt  }
0x81: {  	_ =	shalt  }
0x82: {  	_ =	shalt  }
0x83: {  	_ =	shalt  }
0x84: {  	_ =	shalt  }
0x85: {  	_ =	shalt  }
0x86: {  	_ =	shalt  }
0x87: {  	_ =	shalt  }
.Lfunc_end0:
.L_simem_size_0:
called_computation.1_lowered:
.L_overlay_start_0:
0x88: {  	s2 =	sld [smem:$0x3FD9]  }
0x89: {  	s3 =	sld [smem:$0x3FFE];
	_ =	sdelay $0x1  }
0x8a: {  	s1 =	srdreg.scid  }
0x8b: {  	s0 =	sand.u32 $0x1, s1  }
0x8c: {  	s17 =	sshll.u32 s0, $0xA;
	s2 =	sadd.s32 s3, s2  }
0x8d: {  	s2 =	sadd.s32 s2, s17  }
0x8e: {  	[smem:$0x3FC1] =	sst s2  }
0x8f: {  	_ = 	snop  }
0x90: {  	s2 =	sld [smem:$0x3FD0];
	(tm) =	ssettm $0x1  }
0x91: {  	s18 =	sld [smem:$0x3FFB];
	_ =	sdelay $0x3  }
0x92: {  	_ =	strace s18  }
0x93: {  	s3 =	sld [smem:$0x3FFC];
	_ =	sdelay $0x3  }
0x94: {  	_ =	strace s3  }
0x95: {  	s3 =	sld [smem:$0x3FFD];
	_ =	sdelay $0x3  }
0x96: {  	_ =	strace s3  }
0x97: {  	_ =	strace $0x8FFFFFFF  }
0x98: {  	s19 =	sld [smem:$0x3FDB];
	_ =	sdelay $0x1  }
0x99: {  	s4 =	simm.s32 $_scs_section_size  }
0x9a: {  	s5 =	simm.s32 $_size__tile_overlayer_lowered;
	s6 =	simm.s32 $_tile_overlayer_lowered  }
0x9b: {  	s22 =	simm.s32 $0x1BFF;
	s21 =	sshll.u32 s6, $0x1;
	s3 =	sadd.s32 s4, s19  }
0x9c: {  	s7 =	simm.s32 $0x0;
	s20 =	sshll.u32 s5, $0x1;
	s5 =	sadd.s32 s21, s3  }
0x9d: {  	[timem:s7], [sflag:s22] =	dma.local [hbm:s5], s20  }
0x9e: {  	_ =	swait.ge [sflag:s22], s20  }
0x9f: {  	s4 =	ssub.s32 $0x0, s20;
	[sflag:s22] =	ssyncset.done $0x0  }
0xa0: {  	[sflag:s22] =	ssyncadd.s32 s4;
	_ =	sdelay $0x1  }
0xa1: {  	s23 =	simm.s32 $0x1B8B  }
0xa2: {  	_ =	swait.ge [sflag:s23], $0x1  }
0xa3: {  	[sflag:s23] =	ssyncset.done $0x0  }
0xa4: {  	s25 =	simm.s32 $0x1B8E;
	s24 =	sld [smem:$0x3FFE];
	[sflag:s23] =	ssyncadd.s32 $0xFFFFFFFF  }
0xa5: {  	s26 =	simm.s32 $execute0_lowered;
	[smem:$0x3FD2] =	sst s25  }
0xa6: {  	s5 =	sshll.u32 s26, $0x1;
	_ =	strace $0x80000046;
	[dreg:$0x1] =	wrdreg $0xFFFFFFFF  }
0xa7: {  	s28 =	simm.s32 $_size_execute0_lowered;
	s3 =	sadd.s32 s3, s5;
	[dreg:$0x0] =	wrdreg $0x0  }
0xa8: {  	s5 =	sshll.u32 s28, $0x1;
	[dreg:$0x2] =	wrdreg s3  }
0xa9: {  	[dreg:$0x3] =	wrdreg s5  }
0xaa: {  	[dreg:$0x4] =	wrdreg $0xC0  }
0xab: {  	_ =	task [dreg:s7], $0x5FFFF  }
0xac: {  	[dreg:$0x1] =	wrdreg $0xFFFFFFFF  }
0xad: {  	[dreg:$0x0] =	wrdreg $0x60  }
0xae: {  	[dreg:$0x2] =	wrdreg s2  }
0xaf: {  	[dreg:$0x3] =	wrdreg s24  }
0xb0: {  	[dreg:$0x4] =	wrdreg $0xA1800  }
0xb1: {  	[dreg:$0x5] =	wrdreg $0xA  }
0xb2: {  	_ =	task.clear_ibuf [dreg:s7], $0x6FFFF;
	_ =	strace $0x90000046  }
0xb3: {  	s29 =	simm.s32 $0xA;
	_ =	strace $0x80000048  }
0xb4: {  	_ =	swait.ge [sflag:s29], $0x1  }
0xb5: {  	[sflag:s29] =	ssyncadd.s32 $0xFFFFFFFF  }
0xb6: {  	_ =	strace $0x90000048  }
0xb7: {  	_ =	sfence  }
0xb8: {  	s30 =	sld [smem:$0x0];
	_ =	sdelay $0x2  }
0xb9: {  	s31 =	sshll.u32 s1, $0xD;
	s1 =	sshrl.u32 s1, $0x2  }
0xba: {  	s3 =	sand.u32 $0x4000, s31;
	s1 =	sadd.s32 s1, s30  }
0xbb: {  	s0 =	sor.u32 s3, s0;
	s1 =	sshll.u32 s1, $0x11  }
0xbc: {  	s0 =	sor.u32 s1, s0  }
0xbd: {  	s0 =	sadd.s32 $0x8F2B, s0  }
0xbe: {  	[sflag:s0] =	ssyncadd.remote.s32 $0x1  }
0xbf: {  	_ =	sfence.sel $0xFFFF  }
0xc0: {  	[dreg:$0x0] =	wrdreg $0xFFFFFFFF;
	(pc) =	sbr.abs _section_cstart, $3  }
0xc1: {  	[dreg:$0x1] =	wrdreg $0xFFFFFFFF  }
0xc2: {  	_ =	task.clear_ibuf [dreg:s7], $0x2FFFF;
	_ =	strace $0x9FFFFFFF  }
0xc3: {  	(tm) =	ssettm $0x7FFFFFFF  }
tec
execute0_lowered:
.L_overlay_start_1:
0x0: {  	(tag) =	ssettag $0x1  }
0x1: {  	s1 =	rddreg [dreg:$0x0]  }
0x2: {  	s0 =	rddreg [dreg:$0x1]  }
0x3: {  	s3 =	rddreg [dreg:$0x2]  }
0x4: {  	s2 =	srdreg.scid;
	s12 =	stileid.u32  }
0x5: {  	s4 =	simm.s32 $0x0;
	s30 =	simm.s32 $0x5180;
	s31 =	simm.s32 $0x6  }
0x6: {  	s2 =	sand.u32 $0x1, s2;
	s7 =	smul.u32 $0x2780, s12;
	[smem:$0x7FF] =	sst s4  }
0x7: {  	s5 =	sadd.s32 $0x15A00, s0;
	s10 =	smul.u32 $0x4F000, s12;
	s23 =	sshll.u32 s12, $0x1  }
0x8: {  	s8 =	smul.u32 $0x27800, s2;
	s11 =	ssub.s32 $0x2, s2;
	s2 =	sor.u32 s2, s23  }
0x9: {  	s6 =	sadd.s32 $0x3CC00, s0;
	_ =	strace $0x80000047;
	s25 =	smul.u32 $0x2710, s2  }
0xa: {  	s10 =	sshrl.u32 s10, $0x2;
	s24 =	sshrl.u32 s11, $0x1;
	s2 =	smul.u32 $0x27100, s2  }
0xb: {  	s9 =	sadd.s32 s7, s8;
	s7 =	sadd.s32 $0x1E00, s0;
	s8 =	sadd.s32 $0xBC00, s0  }
0xc: {  	s0 =	sadd.s32 s9, s0;
	s9 =	sadd.s32 s10, s3;
	s10 =	ssub.s32 s11, s24  }
0xd: {  	s16 =	sshrl.u32 s25, $0x3;
	s2 =	sadd.s32 s6, s2;
	s19 =	sadd.s32 $0x26C0, s25  }
0xe: {  	s26 =	sadd.s32 $0x2800, s9;
	s13 =	sadd.s32 $0x5000, s9;
	[dreg:$0xa] =	wrdreg s2  }
0xf: {  	s14 =	sadd.s32 $0x7800, s9;
	s15 =	sadd.s32 $0xA000, s9;
	[dreg:$0x4] =	wrdreg s26  }
0x10: {  	s12 =	sadd.s32 s8, s16;
	s22 =	sshrl.u32 s19, $0x3;
	[dreg:$0x5] =	wrdreg s13  }
0x11: {  	s2 =	sshll.u32 s19, $0x4;
	s0 =	sadd.s32 $0x51EC00, s0;
	[dreg:$0x6] =	wrdreg s14  }
0x12: {  	s28 =	sadd.s32 $0xF000, s9;
	s29 =	sadd.s32 $0x11800, s9;
	[dreg:$0x7] =	wrdreg s15  }
0x13: {  	s19 =	simm.s32 $0x5;
	s14 =	sadd.s32 $0x50, s25;
	[dreg:$0x9] =	wrdreg s12  }
0x14: {  	s13 =	sadd.s32 s7, s16;
	s23 =	sadd.s32 s7, s22;
	[dreg:$0x11] =	wrdreg s0  }
0x15: {  	s24 =	sadd.s32 s8, s22;
	s2 =	sadd.s32 s6, s2;
	[dreg:$0x8] =	wrdreg s13  }
0x16: {  	s25 =	smax.u32 s10, $0x1;
	s26 =	sadd.s32 $0xC800, s9;
	[dreg:$0xe] =	wrdreg s23  }
0x17: {  	s0 =	simm.s32 $0x80;
	s10 =	simm.s32 $0x180;
	[dreg:$0xf] =	wrdreg s24  }
0x18: {  	s12 =	simm.s32 $0x3;
	s15 =	simm.s32 $0x2;
	[dreg:$0x10] =	wrdreg s2  }
0x19: {  	s16 =	simm.s32 $0x100;
	s17 =	sshrl.u32 s14, $0x3;
	[dreg:$0x12] =	wrdreg s25  }
0x1a: {  	s21 =	sshll.u32 s14, $0x4;
	[dreg:$0x13] =	wrdreg s26;
	s18 =	sadd.s32 s7, s17  }
0x1b: {  	s2 =	simm.s32 $0x50;
	s20 =	sadd.s32 s8, s17;
	[dreg:$0xb] =	wrdreg s18  }
0x1c: {  	s13 =	simm.s32 $0x1;
	s11 =	sadd.s32 s6, s21;
	[dreg:$0xc] =	wrdreg s20  }
0x1d: {  	s26 =	simm.s32 $0x0;
	s17 =	simm.s32 $0x7980;
	[dreg:$0xd] =	wrdreg s11  }
0x1e: {  	v0 =	vimm.f32 $0.0e+00;
	s11 =	simm.s32 $0x2980;
	s18 =	simm.s32 $0x4;
	s20 =	simm.s32 $0x0  }
.LBB2_1:
0x1f: {  	s21 =	simm.s32 $0x0;
	s22 =	simm.s32 $0x200  }
.LBB2_2:
0x20: {  	p0 =	sne.s32 s22, $0x9E00;
	[tilespmem:s21+$0x51F0] =	vst v0  }
0x21: {  	[tilespmem:s21+$0x5180] =	vst v0  }
0x22: {  	[tilespmem:s21+$0x5190] =	vst v0  }
.Ltmp0:
0x23: {  	[tilespmem:s21+$0x51A0] =	vst v0;
	(pc) =	sbr.rel @p0 .LBB2_2-.Ltmp0, $4  }
0x24: {  	[tilespmem:s21+$0x51B0] =	vst v0  }
0x25: {  	[tilespmem:s21+$0x51C0] =	vst v0  }
0x26: {  	[tilespmem:s21+$0x51D0] =	vst v0  }
0x27: {  	[tilespmem:s21+$0x51E0] =	vst v0;
	s21 =	sshra.s32 s22, $0x2;
	s22 =	sadd.s32 $0x200, s22  }
0x28: {  	[tilespmem:s21+$0x51F0] =	vst v0  }
0x29: {  	[tilespmem:s21+$0x5180] =	vst v0  }
0x2a: {  	[tilespmem:s21+$0x5190] =	vst v0  }
0x2b: {  	[tilespmem:s21+$0x51A0] =	vst v0  }
0x2c: {  	[tilespmem:s21+$0x51B0] =	vst v0  }
0x2d: {  	[tilespmem:s21+$0x51C0] =	vst v0  }
0x2e: {  	[tilespmem:s21+$0x51D0] =	vst v0  }
0x2f: {  	[tilespmem:s21+$0x51E0] =	vst v0  }
0x30: {  	[spmem:s9] =	stream.linear.scatter [tilespmem:s30], [sflag:$0x6], $0x2800, $0x38;
	[tilespmem:$0x1DD80] =	vst v63  }
0x31: {  	_ =	swait.ge [sflag:s31], $0x2800  }
0x32: {  	[sflag:s31] =	ssyncset.done $0x0  }
0x33: {  	s22 =	rddreg [dreg:$0x4];
	[sflag:s31] =	ssyncadd.s32 $0xFFFFD800  }
0x34: {  	[spmem:s22] =	stream.linear.scatter [tilespmem:s30], [sflag:$0x6], $0x2800, $0x38;
	[tilespmem:$0x1DD80] =	vst v63  }
0x35: {  	_ =	swait.ge [sflag:s31], $0x2800  }
0x36: {  	[sflag:s31] =	ssyncset.done $0x0  }
0x37: {  	s23 =	rddreg [dreg:$0x5];
	[sflag:s31] =	ssyncadd.s32 $0xFFFFD800  }
0x38: {  	[spmem:s23] =	stream.linear.scatter [tilespmem:s30], [sflag:$0x6], $0x2800, $0x38;
	[tilespmem:$0x1DD80] =	vst v63  }
0x39: {  	_ =	swait.ge [sflag:s31], $0x2800  }
0x3a: {  	[sflag:s31] =	ssyncset.done $0x0  }
0x3b: {  	s24 =	rddreg [dreg:$0x6];
	[sflag:s31] =	ssyncadd.s32 $0xFFFFD800  }
0x3c: {  	[spmem:s24] =	stream.linear.scatter [tilespmem:s30], [sflag:$0x6], $0x2800, $0x38;
	[tilespmem:$0x1DD80] =	vst v63  }
0x3d: {  	_ =	swait.ge [sflag:s31], $0x2800  }
0x3e: {  	[sflag:s31] =	ssyncset.done $0x0  }
0x3f: {  	s25 =	rddreg [dreg:$0x7];
	[sflag:s31] =	ssyncadd.s32 $0xFFFFD800  }
0x40: {  	[spmem:s25] =	stream.linear.scatter [tilespmem:s30], [sflag:$0x6], $0x2800, $0x38;
	[tilespmem:$0x1DD80] =	vst v63  }
0x41: {  	_ =	swait.ge [sflag:s31], $0x2800  }
0x42: {  	[sflag:s31] =	ssyncset.done $0x0  }
0x43: {  	s22 =	rddreg [dreg:$0x13];
	[sflag:s31] =	ssyncadd.s32 $0xFFFFD800  }
0x44: {  	[spmem:s22] =	stream.linear.scatter [tilespmem:s30], [sflag:$0x6], $0x2800, $0x38;
	[tilespmem:$0x1DD80] =	vst v63  }
0x45: {  	_ =	swait.ge [sflag:s31], $0x2800  }
0x46: {  	[sflag:s31] =	ssyncset.done $0x0  }
0x47: {  	[sflag:s31] =	ssyncadd.s32 $0xFFFFD800  }
0x48: {  	[spmem:s28] =	stream.linear.scatter [tilespmem:s30], [sflag:$0x6], $0x2800, $0x38;
	[tilespmem:$0x1DD80] =	vst v63  }
0x49: {  	_ =	swait.ge [sflag:s31], $0x2800  }
0x4a: {  	[sflag:s31] =	ssyncset.done $0x0  }
0x4b: {  	[sflag:s31] =	ssyncadd.s32 $0xFFFFD800  }
0x4c: {  	[spmem:s29] =	stream.linear.scatter [tilespmem:s30], [sflag:$0x6], $0x2400, $0x38;
	[tilespmem:$0x1DD80] =	vst v63  }
0x4d: {  	_ =	swait.ge [sflag:s31], $0x2400  }
0x4e: {  	[sflag:s31] =	ssyncset.done $0x0  }
0x4f: {  	[sflag:s31] =	ssyncadd.s32 $0xFFFFDC00  }
0x50: {  	[bflag:$0x0] =	sbarrier.arrive $0xFFFF  }
0x51: {  	s23 =	simm.s32 $0x0;
	s22 =	rddreg [dreg:$0x8]  }
0x52: {  	[tilespmem:s23], [sflag:$0x6] =	stream.linear.gather [hbm4b:s22+s23], $0x50, $0x38;
	[tilespmem:$0x1DD80] =	vst v63  }
0x53: {  	_ =	swait.ge [sflag:s31], $0x50  }
0x54: {  	[sflag:s31] =	ssyncset.done $0x0  }
0x55: {  	s24 =	rddreg [dreg:$0x9];
	[sflag:s31] =	ssyncadd.s32 $0xFFFFFFB0  }
0x56: {  	[tilespmem:s0], [sflag:$0x6] =	stream.linear.gather [hbm4b:s24+s23], $0x50, $0x38;
	[tilespmem:$0x1DD80] =	vst v63  }
0x57: {  	_ =	swait.ge [sflag:s31], $0x50  }
0x58: {  	[sflag:s31] =	ssyncset.done $0x0  }
0x59: {  	s25 =	rddreg [dreg:$0xa];
	[sflag:s31] =	ssyncadd.s32 $0xFFFFFFB0  }
0x5a: {  	[tilespmem:s30], [sflag:$0x3] =	stream.linear.gather [hbm4b:s25+s23], $0x2800, $0x38;
	[tilespmem:$0x1DD80] =	vst v63  }
0x5b: {  	_ = 	snop  }
0x5c: {  	[tilespmem:s10], [sflag:$0x1] =	stream.indirect.gather [hbm4b:s1+s2], $0x80, s23, s2, $0xb8;
	[tilespmem:$0x1DD80] =	vst v63  }
0x5d: {  	_ = 	snop  }
0x5e: {  	[tilespmem:s11], [sflag:$0x2] =	stream.indirect.gather [hbm4b:s5+s2], $0x80, s0, s2, $0xb8;
	[tilespmem:$0x1DD80] =	vst v63  }
0x5f: {  	_ =	swait.ge [sflag:s12], $0x2800  }
0x60: {  	[sflag:s12] =	ssyncset.done $0x0  }
0x61: {  	[sflag:s12] =	ssyncadd.s32 $0xFFFFD800  }
0x62: {  	_ =	swait.ge [sflag:s13], $0x2800  }
0x63: {  	[sflag:s13] =	ssyncset.done $0x0  }
0x64: {  	[sflag:s13] =	ssyncadd.s32 $0xFFFFD800  }
0x65: {  	_ =	swait.ge [sflag:s15], $0x2800  }
0x66: {  	[sflag:s15] =	ssyncset.done $0x0  }
0x67: {  	s21 =	simm.s32 $0x0;
	[sflag:s15] =	ssyncadd.s32 $0xFFFFD800  }
0x68: {  	v13 =	vld [tilespmem:s21+$0x180]  }
0x69: {  	v18 =	vld [tilespmem:s21+$0x2980]  }
0x6a: {  	v20 =	vld [tilespmem:s21+$0x190]  }
0x6b: {  	v21 =	vld [tilespmem:s21+$0x2990]  }
0x6c: {  	v6 =	vld [tilespmem:s21+$0x1A0]  }
0x6d: {  	v10 =	vld [tilespmem:s21+$0x29A0]  }
0x6e: {  	v8 =	vld [tilespmem:s21+$0x1B0]  }
0x6f: {  	v12 =	vld [tilespmem:s21+$0x29B0]  }
0x70: {  	v9 =	vld [tilespmem:s21+$0x1C0]  }
0x71: {  	v11 =	vld [tilespmem:s21+$0x29C0]  }
0x72: {  	v5 =	vld [tilespmem:s21+$0x1D0]  }
0x73: {  	v7 =	vld [tilespmem:s21+$0x29D0]  }
0x74: {  	v3 =	vld [tilespmem:s21+$0x1E0]  }
0x75: {  	v4 =	vld [tilespmem:s21+$0x29E0]  }
0x76: {  	v1 =	vld [tilespmem:s21+$0x1F0]  }
0x77: {  	v2 =	vld [tilespmem:s21+$0x29F0]  }
0x78: {  	v17 =	vld [tilespmem:s21+$0x5180]  }
0x79: {  	v16 =	vld [tilespmem:s21+$0x5190]  }
0x7a: {  	v15 =	vld [tilespmem:s21+$0x51A0]  }
0x7b: {  	v14 =	vld [tilespmem:s21+$0x51B0];
	v19 =	vadd.f32 v18, v13  }
0x7c: {  	s22 =	simm.s32 $0x200;
	v18 =	vadd.f32 v21, v20;
	v13 =	vld [tilespmem:s21+$0x51C0]  }
.LBB2_4:
0x7d: {  	p0 =	sne.s32 s22, $0x9E00;
	v17 =	vadd.f32 v17, v19;
	v6 =	vadd.f32 v10, v6;
	v10 =	vld [tilespmem:s21+$0x51D0]  }
0x7e: {  	v8 =	vadd.f32 v12, v8;
	v16 =	vadd.f32 v16, v18;
	v12 =	vld [tilespmem:s21+$0x51E0]  }
0x7f: {  	s23 =	sshra.s32 s22, $0x2;
	v9 =	vadd.f32 v11, v9;
	v17 =	vmax.f32 v17, $0.0e+00;
	v6 =	vadd.f32 v15, v6;
	v11 =	vld [tilespmem:s21+$0x51F0]  }
0x80: {  	v5 =	vadd.f32 v7, v5;
	v18 =	vld [tilespmem:s23+$0x180];
	[tilespmem:s21+$0x5180] =	vst v17;
	v15 =	vmax.f32 v16, $0.0e+00;
	v8 =	vadd.f32 v14, v8  }
0x81: {  	v3 =	vadd.f32 v4, v3;
	v14 =	vld [tilespmem:s23+$0x2980];
	[tilespmem:s21+$0x5190] =	vst v15;
	v6 =	vmax.f32 v6, $0.0e+00;
	v7 =	vadd.f32 v13, v9  }
0x82: {  	v1 =	vadd.f32 v2, v1;
	v13 =	vld [tilespmem:s23+$0x190];
	[tilespmem:s21+$0x51A0] =	vst v6;
	v4 =	vmax.f32 v8, $0.0e+00;
	v5 =	vadd.f32 v10, v5  }
0x83: {  	v20 =	vld [tilespmem:s23+$0x2990];
	[tilespmem:s21+$0x51B0] =	vst v4;
	v2 =	vmax.f32 v7, $0.0e+00;
	v3 =	vadd.f32 v12, v3  }
0x84: {  	v6 =	vld [tilespmem:s23+$0x1A0];
	[tilespmem:s21+$0x51C0] =	vst v2;
	v2 =	vmax.f32 v5, $0.0e+00;
	v1 =	vadd.f32 v11, v1  }
0x85: {  	v10 =	vld [tilespmem:s23+$0x29A0];
	[tilespmem:s21+$0x51D0] =	vst v2;
	v2 =	vmax.f32 v3, $0.0e+00  }
0x86: {  	v8 =	vld [tilespmem:s23+$0x1B0];
	[tilespmem:s21+$0x51E0] =	vst v2;
	v1 =	vmax.f32 v1, $0.0e+00  }
0x87: {  	v12 =	vld [tilespmem:s23+$0x29B0];
	[tilespmem:s21+$0x51F0] =	vst v1;
	s21 =	smov.u32 s23  }
0x88: {  	v9 =	vld [tilespmem:s21+$0x1C0]  }
0x89: {  	v11 =	vld [tilespmem:s21+$0x29C0]  }
0x8a: {  	v5 =	vld [tilespmem:s21+$0x1D0]  }
0x8b: {  	v7 =	vld [tilespmem:s21+$0x29D0]  }
0x8c: {  	v3 =	vld [tilespmem:s21+$0x1E0]  }
0x8d: {  	v4 =	vld [tilespmem:s21+$0x29E0]  }
0x8e: {  	v1 =	vld [tilespmem:s21+$0x1F0]  }
0x8f: {  	v2 =	vld [tilespmem:s21+$0x29F0]  }
.Ltmp1:
0x90: {  	v17 =	vld [tilespmem:s21+$0x5180];
	(pc) =	sbr.rel @p0 .LBB2_4-.Ltmp1, $4  }
0x91: {  	v16 =	vld [tilespmem:s21+$0x5190]  }
0x92: {  	v15 =	vld [tilespmem:s21+$0x51A0]  }
0x93: {  	v19 =	vadd.f32 v14, v18;
	v14 =	vld [tilespmem:s21+$0x51B0]  }
0x94: {  	s22 =	sadd.s32 $0x200, s22;
	v18 =	vadd.f32 v20, v13;
	v13 =	vld [tilespmem:s21+$0x51C0]  }
0x95: {  	v17 =	vadd.f32 v17, v19;
	v6 =	vadd.f32 v10, v6;
	v58 =	vld [tilespmem:s21+$0x51D0]  }
0x96: {  	v8 =	vadd.f32 v12, v8;
	v60 =	vld [tilespmem:s21+$0x51F0];
	v16 =	vadd.f32 v16, v18  }
0x97: {  	v59 =	vld [tilespmem:s21+$0x51E0];
	v9 =	vadd.f32 v11, v9;
	v17 =	vmax.f32 v17, $0.0e+00;
	v6 =	vadd.f32 v15, v6  }
0x98: {  	v5 =	vadd.f32 v7, v5;
	[tilespmem:s21+$0x5180] =	vst v17;
	v61 =	vmax.f32 v16, $0.0e+00;
	v8 =	vadd.f32 v14, v8  }
0x99: {  	v1 =	vadd.f32 v2, v1;
	[tilespmem:s21+$0x5190] =	vst v61;
	v6 =	vmax.f32 v6, $0.0e+00;
	v62 =	vadd.f32 v13, v9  }
0x9a: {  	v3 =	vadd.f32 v4, v3;
	[tilespmem:s21+$0x51A0] =	vst v6;
	v63 =	vmax.f32 v8, $0.0e+00;
	v5 =	vadd.f32 v58, v5  }
0x9b: {  	v1 =	vadd.f32 v60, v1;
	[tilespmem:s21+$0x51B0] =	vst v63;
	v2 =	vmax.f32 v62, $0.0e+00  }
0x9c: {  	v3 =	vadd.f32 v59, v3;
	[tilespmem:s21+$0x51C0] =	vst v2;
	v2 =	vmax.f32 v5, $0.0e+00  }
0x9d: {  	v1 =	vmax.f32 v1, $0.0e+00;
	[tilespmem:s21+$0x51D0] =	vst v2  }
0x9e: {  	v2 =	vmax.f32 v3, $0.0e+00;
	[tilespmem:s21+$0x51F0] =	vst v1  }
0x9f: {  	[tilespmem:s21+$0x51E0] =	vst v2  }
0xa0: {  	[spmem:s3] =	stream.indirect.scatter.add.f32 [tilespmem:s30], [sflag:$0x5], $0x80, s0, s2, $0xb8;
	[tilespmem:$0x1DD80] =	vst v63  }
0xa1: {  	s22 =	rddreg [dreg:$0xb];
	s21 =	simm.s32 $0x0  }
0xa2: {  	[tilespmem:s21], [sflag:$0x6] =	stream.linear.gather [hbm4b:s22+s21], $0x50, $0x38;
	[tilespmem:$0x1DD80] =	vst v63  }
0xa3: {  	_ =	swait.ge [sflag:s31], $0x50  }
0xa4: {  	[sflag:s31] =	ssyncset.done $0x0  }
0xa5: {  	s24 =	rddreg [dreg:$0xc];
	[sflag:s31] =	ssyncadd.s32 $0xFFFFFFB0  }
0xa6: {  	[tilespmem:s16], [sflag:$0x6] =	stream.linear.gather [hbm4b:s24+s21], $0x50, $0x38;
	[tilespmem:$0x1DD80] =	vst v63  }
0xa7: {  	_ =	swait.ge [sflag:s31], $0x50  }
0xa8: {  	[sflag:s31] =	ssyncset.done $0x0  }
0xa9: {  	s25 =	rddreg [dreg:$0xd];
	[sflag:s31] =	ssyncadd.s32 $0xFFFFFFB0  }
0xaa: {  	[tilespmem:s17], [sflag:$0x4] =	stream.linear.gather [hbm4b:s25+s21], $0x2800, $0x38;
	[tilespmem:$0x1DD80] =	vst v63  }
0xab: {  	_ = 	snop  }
0xac: {  	[tilespmem:s10], [sflag:$0x1] =	stream.indirect.gather [hbm4b:s1+s2], $0x80, s21, s2, $0xb8;
	[tilespmem:$0x1DD80] =	vst v63  }
0xad: {  	_ = 	snop  }
0xae: {  	[tilespmem:s11], [sflag:$0x2] =	stream.indirect.gather [hbm4b:s5+s2], $0x80, s16, s2, $0xb8;
	[tilespmem:$0x1DD80] =	vst v63  }
.LBB2_6:
0xaf: {  	_ =	swait.ge [sflag:s18], $0x2800  }
0xb0: {  	[sflag:s18] =	ssyncset.done $0x0  }
0xb1: {  	[sflag:s18] =	ssyncadd.s32 $0xFFFFD800  }
0xb2: {  	_ =	swait.ge [sflag:s13], $0x2800  }
0xb3: {  	[sflag:s13] =	ssyncset.done $0x0  }
0xb4: {  	[sflag:s13] =	ssyncadd.s32 $0xFFFFD800  }
0xb5: {  	_ =	swait.ge [sflag:s15], $0x2800  }
0xb6: {  	[sflag:s15] =	ssyncset.done $0x0  }
0xb7: {  	[sflag:s15] =	ssyncadd.s32 $0xFFFFD800  }
0xb8: {  	_ =	swait.ge [sflag:s19], $0x2800  }
0xb9: {  	[sflag:s19] =	ssyncset.done $0x0  }
0xba: {  	s22 =	simm.s32 $0x0;
	[sflag:s19] =	ssyncadd.s32 $0xFFFFD800  }
0xbb: {  	v13 =	vld [tilespmem:s22+$0x180]  }
0xbc: {  	v18 =	vld [tilespmem:s22+$0x2980]  }
0xbd: {  	v20 =	vld [tilespmem:s22+$0x190]  }
0xbe: {  	v21 =	vld [tilespmem:s22+$0x2990]  }
0xbf: {  	v6 =	vld [tilespmem:s22+$0x1A0]  }
0xc0: {  	v10 =	vld [tilespmem:s22+$0x29A0]  }
0xc1: {  	v8 =	vld [tilespmem:s22+$0x1B0]  }
0xc2: {  	v12 =	vld [tilespmem:s22+$0x29B0]  }
0xc3: {  	v9 =	vld [tilespmem:s22+$0x1C0]  }
0xc4: {  	v11 =	vld [tilespmem:s22+$0x29C0]  }
0xc5: {  	v5 =	vld [tilespmem:s22+$0x1D0]  }
0xc6: {  	v7 =	vld [tilespmem:s22+$0x29D0]  }
0xc7: {  	v3 =	vld [tilespmem:s22+$0x1E0]  }
0xc8: {  	v4 =	vld [tilespmem:s22+$0x29E0]  }
0xc9: {  	v1 =	vld [tilespmem:s22+$0x1F0]  }
0xca: {  	v2 =	vld [tilespmem:s22+$0x29F0]  }
0xcb: {  	v17 =	vld [tilespmem:s22+$0x7980]  }
0xcc: {  	v16 =	vld [tilespmem:s22+$0x7990]  }
0xcd: {  	v15 =	vld [tilespmem:s22+$0x79A0]  }
0xce: {  	v14 =	vld [tilespmem:s22+$0x79B0];
	v19 =	vadd.f32 v18, v13  }
0xcf: {  	s23 =	simm.s32 $0x200;
	v18 =	vadd.f32 v21, v20;
	v13 =	vld [tilespmem:s22+$0x79C0]  }
.LBB2_7:
0xd0: {  	p0 =	sne.s32 s23, $0x9E00;
	v17 =	vadd.f32 v17, v19;
	v6 =	vadd.f32 v10, v6;
	v10 =	vld [tilespmem:s22+$0x79D0]  }
0xd1: {  	v8 =	vadd.f32 v12, v8;
	v16 =	vadd.f32 v16, v18;
	v12 =	vld [tilespmem:s22+$0x79E0]  }
0xd2: {  	s24 =	sshra.s32 s23, $0x2;
	v9 =	vadd.f32 v11, v9;
	v17 =	vmax.f32 v17, $0.0e+00;
	v6 =	vadd.f32 v15, v6;
	v11 =	vld [tilespmem:s22+$0x79F0]  }
0xd3: {  	v5 =	vadd.f32 v7, v5;
	v18 =	vld [tilespmem:s24+$0x180];
	[tilespmem:s22+$0x7980] =	vst v17;
	v15 =	vmax.f32 v16, $0.0e+00;
	v8 =	vadd.f32 v14, v8  }
0xd4: {  	v3 =	vadd.f32 v4, v3;
	v14 =	vld [tilespmem:s24+$0x2980];
	[tilespmem:s22+$0x7990] =	vst v15;
	v6 =	vmax.f32 v6, $0.0e+00;
	v7 =	vadd.f32 v13, v9  }
0xd5: {  	v1 =	vadd.f32 v2, v1;
	v13 =	vld [tilespmem:s24+$0x190];
	[tilespmem:s22+$0x79A0] =	vst v6;
	v4 =	vmax.f32 v8, $0.0e+00;
	v5 =	vadd.f32 v10, v5  }
0xd6: {  	v20 =	vld [tilespmem:s24+$0x2990];
	[tilespmem:s22+$0x79B0] =	vst v4;
	v2 =	vmax.f32 v7, $0.0e+00;
	v3 =	vadd.f32 v12, v3  }
0xd7: {  	v6 =	vld [tilespmem:s24+$0x1A0];
	[tilespmem:s22+$0x79C0] =	vst v2;
	v2 =	vmax.f32 v5, $0.0e+00;
	v1 =	vadd.f32 v11, v1  }
0xd8: {  	v10 =	vld [tilespmem:s24+$0x29A0];
	[tilespmem:s22+$0x79D0] =	vst v2;
	v2 =	vmax.f32 v3, $0.0e+00  }
0xd9: {  	v8 =	vld [tilespmem:s24+$0x1B0];
	[tilespmem:s22+$0x79E0] =	vst v2;
	v1 =	vmax.f32 v1, $0.0e+00  }
0xda: {  	v12 =	vld [tilespmem:s24+$0x29B0];
	[tilespmem:s22+$0x79F0] =	vst v1;
	s22 =	smov.u32 s24  }
0xdb: {  	v9 =	vld [tilespmem:s22+$0x1C0]  }
0xdc: {  	v11 =	vld [tilespmem:s22+$0x29C0]  }
0xdd: {  	v5 =	vld [tilespmem:s22+$0x1D0]  }
0xde: {  	v7 =	vld [tilespmem:s22+$0x29D0]  }
0xdf: {  	v3 =	vld [tilespmem:s22+$0x1E0]  }
0xe0: {  	v4 =	vld [tilespmem:s22+$0x29E0]  }
0xe1: {  	v1 =	vld [tilespmem:s22+$0x1F0]  }
0xe2: {  	v2 =	vld [tilespmem:s22+$0x29F0]  }
.Ltmp2:
0xe3: {  	v17 =	vld [tilespmem:s22+$0x7980];
	(pc) =	sbr.rel @p0 .LBB2_7-.Ltmp2, $4  }
0xe4: {  	v16 =	vld [tilespmem:s22+$0x7990]  }
0xe5: {  	v15 =	vld [tilespmem:s22+$0x79A0]  }
0xe6: {  	v19 =	vadd.f32 v14, v18;
	v14 =	vld [tilespmem:s22+$0x79B0]  }
0xe7: {  	s23 =	sadd.s32 $0x200, s23;
	v18 =	vadd.f32 v20, v13;
	v13 =	vld [tilespmem:s22+$0x79C0]  }
0xe8: {  	v17 =	vadd.f32 v17, v19  }
0xe9: {  	v6 =	vadd.f32 v10, v6;
	v10 =	vld [tilespmem:s22+$0x79D0];
	v8 =	vadd.f32 v12, v8  }
0xea: {  	v9 =	vadd.f32 v11, v9;
	v11 =	vld [tilespmem:s22+$0x79F0];
	v16 =	vadd.f32 v16, v18  }
0xeb: {  	v12 =	vld [tilespmem:s22+$0x79E0];
	v17 =	vmax.f32 v17, $0.0e+00;
	v6 =	vadd.f32 v15, v6  }
0xec: {  	v5 =	vadd.f32 v7, v5;
	[tilespmem:s22+$0x7980] =	vst v17;
	v15 =	vmax.f32 v16, $0.0e+00;
	v8 =	vadd.f32 v14, v8  }
0xed: {  	v1 =	vadd.f32 v2, v1;
	[tilespmem:s22+$0x7990] =	vst v15;
	v6 =	vmax.f32 v6, $0.0e+00;
	v7 =	vadd.f32 v13, v9  }
0xee: {  	v3 =	vadd.f32 v4, v3;
	[tilespmem:s22+$0x79A0] =	vst v6;
	v4 =	vmax.f32 v8, $0.0e+00;
	v5 =	vadd.f32 v10, v5  }
0xef: {  	v1 =	vadd.f32 v11, v1;
	[tilespmem:s22+$0x79B0] =	vst v4;
	v2 =	vmax.f32 v7, $0.0e+00  }
0xf0: {  	v3 =	vadd.f32 v12, v3;
	[tilespmem:s22+$0x79C0] =	vst v2;
	v2 =	vmax.f32 v5, $0.0e+00  }
0xf1: {  	s23 =	smul.u32 $0xA0, s21;
	v1 =	vmax.f32 v1, $0.0e+00;
	[tilespmem:s22+$0x79D0] =	vst v2  }
0xf2: {  	v2 =	vmax.f32 v3, $0.0e+00;
	[tilespmem:s22+$0x79F0] =	vst v1  }
0xf3: {  	[tilespmem:s22+$0x79E0] =	vst v2;
	s22 =	sadd.s32 s23, s14  }
0xf4: {  	[spmem:s3] =	stream.indirect.scatter.add.f32 [tilespmem:s17], [sflag:$0x5], $0x80, s16, s2, $0xb8;
	[tilespmem:$0x1DD80] =	vst v63  }
0xf5: {  	s23 =	sadd.s32 $0x50, s22  }
0xf6: {  	s24 =	sshrl.u32 s23, $0x3  }
0xf7: {  	s25 =	sadd.s32 s7, s24  }
0xf8: {  	[tilespmem:s26], [sflag:$0x6] =	stream.linear.gather [hbm4b:s25+s26], $0x50, $0x38;
	[tilespmem:$0x1DD80] =	vst v63  }
0xf9: {  	_ =	swait.ge [sflag:s31], $0x50  }
0xfa: {  	[sflag:s31] =	ssyncset.done $0x0  }
0xfb: {  	s24 =	sadd.s32 s8, s24;
	[sflag:s31] =	ssyncadd.s32 $0xFFFFFFB0  }
0xfc: {  	[tilespmem:s0], [sflag:$0x6] =	stream.linear.gather [hbm4b:s24+s26], $0x50, $0x38;
	[tilespmem:$0x1DD80] =	vst v63  }
0xfd: {  	_ =	swait.ge [sflag:s31], $0x50  }
0xfe: {  	s23 =	sshll.u32 s23, $0x4;
	[sflag:s31] =	ssyncset.done $0x0  }
0xff: {  	s23 =	sadd.s32 s6, s23;
	[sflag:s31] =	ssyncadd.s32 $0xFFFFFFB0  }
0x100: {  	[tilespmem:s30], [sflag:$0x3] =	stream.linear.gather [hbm4b:s23+s26], $0x2800, $0x38;
	[tilespmem:$0x1DD80] =	vst v63  }
0x101: {  	_ = 	snop  }
0x102: {  	[tilespmem:s10], [sflag:$0x1] =	stream.indirect.gather [hbm4b:s1+s2], $0x80, s26, s2, $0xb8;
	[tilespmem:$0x1DD80] =	vst v63  }
0x103: {  	_ = 	snop  }
0x104: {  	[tilespmem:s11], [sflag:$0x2] =	stream.indirect.gather [hbm4b:s5+s2], $0x80, s0, s2, $0xb8;
	[tilespmem:$0x1DD80] =	vst v63  }
0x105: {  	_ =	swait.ge [sflag:s12], $0x2800  }
0x106: {  	[sflag:s12] =	ssyncset.done $0x0  }
0x107: {  	[sflag:s12] =	ssyncadd.s32 $0xFFFFD800  }
0x108: {  	_ =	swait.ge [sflag:s13], $0x2800  }
0x109: {  	[sflag:s13] =	ssyncset.done $0x0  }
0x10a: {  	[sflag:s13] =	ssyncadd.s32 $0xFFFFD800  }
0x10b: {  	_ =	swait.ge [sflag:s15], $0x2800  }
0x10c: {  	[sflag:s15] =	ssyncset.done $0x0  }
0x10d: {  	[sflag:s15] =	ssyncadd.s32 $0xFFFFD800  }
0x10e: {  	_ =	swait.ge [sflag:s19], $0x2800  }
0x10f: {  	[sflag:s19] =	ssyncset.done $0x0  }
0x110: {  	s23 =	simm.s32 $0x0;
	[sflag:s19] =	ssyncadd.s32 $0xFFFFD800  }
0x111: {  	v13 =	vld [tilespmem:s23+$0x180]  }
0x112: {  	v18 =	vld [tilespmem:s23+$0x2980]  }
0x113: {  	v20 =	vld [tilespmem:s23+$0x190]  }
0x114: {  	v21 =	vld [tilespmem:s23+$0x2990]  }
0x115: {  	v6 =	vld [tilespmem:s23+$0x1A0]  }
0x116: {  	v10 =	vld [tilespmem:s23+$0x29A0]  }
0x117: {  	v8 =	vld [tilespmem:s23+$0x1B0]  }
0x118: {  	v12 =	vld [tilespmem:s23+$0x29B0]  }
0x119: {  	v9 =	vld [tilespmem:s23+$0x1C0]  }
0x11a: {  	v11 =	vld [tilespmem:s23+$0x29C0]  }
0x11b: {  	v5 =	vld [tilespmem:s23+$0x1D0]  }
0x11c: {  	v7 =	vld [tilespmem:s23+$0x29D0]  }
0x11d: {  	v3 =	vld [tilespmem:s23+$0x1E0]  }
0x11e: {  	v4 =	vld [tilespmem:s23+$0x29E0]  }
0x11f: {  	v1 =	vld [tilespmem:s23+$0x1F0]  }
0x120: {  	v2 =	vld [tilespmem:s23+$0x29F0]  }
0x121: {  	v17 =	vld [tilespmem:s23+$0x5180]  }
0x122: {  	v16 =	vld [tilespmem:s23+$0x5190]  }
0x123: {  	v15 =	vld [tilespmem:s23+$0x51A0]  }
0x124: {  	v14 =	vld [tilespmem:s23+$0x51B0];
	v19 =	vadd.f32 v18, v13  }
0x125: {  	s24 =	simm.s32 $0x200;
	v18 =	vadd.f32 v21, v20;
	v13 =	vld [tilespmem:s23+$0x51C0]  }
.LBB2_9:
0x126: {  	p0 =	sne.s32 s24, $0x9E00;
	v17 =	vadd.f32 v17, v19;
	v6 =	vadd.f32 v10, v6;
	v10 =	vld [tilespmem:s23+$0x51D0]  }
0x127: {  	v8 =	vadd.f32 v12, v8;
	v16 =	vadd.f32 v16, v18;
	v12 =	vld [tilespmem:s23+$0x51E0]  }
0x128: {  	s25 =	sshra.s32 s24, $0x2;
	v9 =	vadd.f32 v11, v9;
	v17 =	vmax.f32 v17, $0.0e+00;
	v6 =	vadd.f32 v15, v6;
	v11 =	vld [tilespmem:s23+$0x51F0]  }
0x129: {  	v5 =	vadd.f32 v7, v5;
	v18 =	vld [tilespmem:s25+$0x180];
	[tilespmem:s23+$0x5180] =	vst v17;
	v15 =	vmax.f32 v16, $0.0e+00;
	v8 =	vadd.f32 v14, v8  }
0x12a: {  	v3 =	vadd.f32 v4, v3;
	v14 =	vld [tilespmem:s25+$0x2980];
	[tilespmem:s23+$0x5190] =	vst v15;
	v6 =	vmax.f32 v6, $0.0e+00;
	v7 =	vadd.f32 v13, v9  }
0x12b: {  	v1 =	vadd.f32 v2, v1;
	v13 =	vld [tilespmem:s25+$0x190];
	[tilespmem:s23+$0x51A0] =	vst v6;
	v4 =	vmax.f32 v8, $0.0e+00;
	v5 =	vadd.f32 v10, v5  }
0x12c: {  	v20 =	vld [tilespmem:s25+$0x2990];
	[tilespmem:s23+$0x51B0] =	vst v4;
	v2 =	vmax.f32 v7, $0.0e+00;
	v3 =	vadd.f32 v12, v3  }
0x12d: {  	v6 =	vld [tilespmem:s25+$0x1A0];
	[tilespmem:s23+$0x51C0] =	vst v2;
	v2 =	vmax.f32 v5, $0.0e+00;
	v1 =	vadd.f32 v11, v1  }
0x12e: {  	v10 =	vld [tilespmem:s25+$0x29A0];
	[tilespmem:s23+$0x51D0] =	vst v2;
	v2 =	vmax.f32 v3, $0.0e+00  }
0x12f: {  	v8 =	vld [tilespmem:s25+$0x1B0];
	[tilespmem:s23+$0x51E0] =	vst v2;
	v1 =	vmax.f32 v1, $0.0e+00  }
0x130: {  	v12 =	vld [tilespmem:s25+$0x29B0];
	[tilespmem:s23+$0x51F0] =	vst v1;
	s23 =	smov.u32 s25  }
0x131: {  	v9 =	vld [tilespmem:s23+$0x1C0]  }
0x132: {  	v11 =	vld [tilespmem:s23+$0x29C0]  }
0x133: {  	v5 =	vld [tilespmem:s23+$0x1D0]  }
0x134: {  	v7 =	vld [tilespmem:s23+$0x29D0]  }
0x135: {  	v3 =	vld [tilespmem:s23+$0x1E0]  }
0x136: {  	v4 =	vld [tilespmem:s23+$0x29E0]  }
0x137: {  	v1 =	vld [tilespmem:s23+$0x1F0]  }
0x138: {  	v2 =	vld [tilespmem:s23+$0x29F0]  }
.Ltmp3:
0x139: {  	v17 =	vld [tilespmem:s23+$0x5180];
	(pc) =	sbr.rel @p0 .LBB2_9-.Ltmp3, $4  }
0x13a: {  	v16 =	vld [tilespmem:s23+$0x5190]  }
0x13b: {  	v15 =	vld [tilespmem:s23+$0x51A0]  }
0x13c: {  	v19 =	vadd.f32 v14, v18;
	v14 =	vld [tilespmem:s23+$0x51B0]  }
0x13d: {  	s24 =	sadd.s32 $0x200, s24;
	v18 =	vadd.f32 v20, v13;
	v13 =	vld [tilespmem:s23+$0x51C0]  }
0x13e: {  	v17 =	vadd.f32 v17, v19;
	v6 =	vadd.f32 v10, v6;
	v58 =	vld [tilespmem:s23+$0x51D0]  }
0x13f: {  	v8 =	vadd.f32 v12, v8;
	v60 =	vld [tilespmem:s23+$0x51F0];
	v16 =	vadd.f32 v16, v18  }
0x140: {  	v59 =	vld [tilespmem:s23+$0x51E0];
	v9 =	vadd.f32 v11, v9;
	v17 =	vmax.f32 v17, $0.0e+00;
	v6 =	vadd.f32 v15, v6  }
0x141: {  	v5 =	vadd.f32 v7, v5;
	[tilespmem:s23+$0x5180] =	vst v17;
	v61 =	vmax.f32 v16, $0.0e+00;
	v8 =	vadd.f32 v14, v8  }
0x142: {  	v1 =	vadd.f32 v2, v1;
	[tilespmem:s23+$0x5190] =	vst v61;
	v6 =	vmax.f32 v6, $0.0e+00;
	v62 =	vadd.f32 v13, v9  }
0x143: {  	v3 =	vadd.f32 v4, v3;
	[tilespmem:s23+$0x51A0] =	vst v6;
	v63 =	vmax.f32 v8, $0.0e+00;
	v5 =	vadd.f32 v58, v5  }
0x144: {  	v1 =	vadd.f32 v60, v1;
	[tilespmem:s23+$0x51B0] =	vst v63;
	v2 =	vmax.f32 v62, $0.0e+00  }
0x145: {  	v3 =	vadd.f32 v59, v3;
	[tilespmem:s23+$0x51C0] =	vst v2;
	v2 =	vmax.f32 v5, $0.0e+00  }
0x146: {  	v1 =	vmax.f32 v1, $0.0e+00;
	[tilespmem:s23+$0x51D0] =	vst v2  }
0x147: {  	s22 =	sadd.s32 $0xA0, s22;
	v2 =	vmax.f32 v3, $0.0e+00;
	[tilespmem:s23+$0x51F0] =	vst v1  }
0x148: {  	s25 =	sshrl.u32 s22, $0x3;
	[tilespmem:s23+$0x51E0] =	vst v2  }
0x149: {  	[spmem:s3] =	stream.indirect.scatter.add.f32 [tilespmem:s30], [sflag:$0x5], $0x80, s0, s2, $0xb8;
	[tilespmem:$0x1DD80] =	vst v63  }
0x14a: {  	s24 =	sadd.s32 s7, s25  }
0x14b: {  	[tilespmem:s4], [sflag:$0x6] =	stream.linear.gather [hbm4b:s24+s4], $0x50, $0x38;
	[tilespmem:$0x1DD80] =	vst v63  }
0x14c: {  	_ =	swait.ge [sflag:s31], $0x50  }
0x14d: {  	[sflag:s31] =	ssyncset.done $0x0  }
0x14e: {  	s23 =	sadd.s32 s8, s25;
	[sflag:s31] =	ssyncadd.s32 $0xFFFFFFB0  }
0x14f: {  	[tilespmem:s16], [sflag:$0x6] =	stream.linear.gather [hbm4b:s23+s4], $0x50, $0x38;
	[tilespmem:$0x1DD80] =	vst v63  }
0x150: {  	_ =	swait.ge [sflag:s31], $0x50  }
0x151: {  	s21 =	sadd.s32 $0x1, s21;
	s22 =	sshll.u32 s22, $0x4;
	[sflag:s31] =	ssyncset.done $0x0  }
0x152: {  	p0 =	sne.s32 s21, $0x3D;
	s22 =	sadd.s32 s6, s22;
	[sflag:s31] =	ssyncadd.s32 $0xFFFFFFB0  }
0x153: {  	[tilespmem:s17], [sflag:$0x4] =	stream.linear.gather [hbm4b:s22+s4], $0x2800, $0x38;
	[tilespmem:$0x1DD80] =	vst v63  }
.Ltmp4:
0x154: {  	_ = 	snop;
	(pc) =	sbr.rel @p0 .LBB2_6-.Ltmp4, $4  }
0x155: {  	_ = 	snop  }
0x156: {  	[tilespmem:s10], [sflag:$0x1] =	stream.indirect.gather [hbm4b:s1+s2], $0x80, s4, s2, $0xb8;
	[tilespmem:$0x1DD80] =	vst v63  }
0x157: {  	_ = 	snop  }
0x158: {  	[tilespmem:s11], [sflag:$0x2] =	stream.indirect.gather [hbm4b:s5+s2], $0x80, s16, s2, $0xb8;
	[tilespmem:$0x1DD80] =	vst v63  }
0x159: {  	_ =	swait.ge [sflag:s18], $0x2800  }
0x15a: {  	[sflag:s18] =	ssyncset.done $0x0  }
0x15b: {  	[sflag:s18] =	ssyncadd.s32 $0xFFFFD800  }
0x15c: {  	_ =	swait.ge [sflag:s13], $0x2800  }
0x15d: {  	[sflag:s13] =	ssyncset.done $0x0  }
0x15e: {  	[sflag:s13] =	ssyncadd.s32 $0xFFFFD800  }
0x15f: {  	_ =	swait.ge [sflag:s15], $0x2800  }
0x160: {  	[sflag:s15] =	ssyncset.done $0x0  }
0x161: {  	[sflag:s15] =	ssyncadd.s32 $0xFFFFD800  }
0x162: {  	_ =	swait.ge [sflag:s19], $0x2800  }
0x163: {  	[sflag:s19] =	ssyncset.done $0x0  }
0x164: {  	s21 =	simm.s32 $0x0;
	[sflag:s19] =	ssyncadd.s32 $0xFFFFD800  }
0x165: {  	v13 =	vld [tilespmem:s21+$0x180]  }
0x166: {  	v18 =	vld [tilespmem:s21+$0x2980]  }
0x167: {  	v20 =	vld [tilespmem:s21+$0x190]  }
0x168: {  	v21 =	vld [tilespmem:s21+$0x2990]  }
0x169: {  	v6 =	vld [tilespmem:s21+$0x1A0]  }
0x16a: {  	v10 =	vld [tilespmem:s21+$0x29A0]  }
0x16b: {  	v8 =	vld [tilespmem:s21+$0x1B0]  }
0x16c: {  	v12 =	vld [tilespmem:s21+$0x29B0]  }
0x16d: {  	v9 =	vld [tilespmem:s21+$0x1C0]  }
0x16e: {  	v11 =	vld [tilespmem:s21+$0x29C0]  }
0x16f: {  	v5 =	vld [tilespmem:s21+$0x1D0]  }
0x170: {  	v7 =	vld [tilespmem:s21+$0x29D0]  }
0x171: {  	v3 =	vld [tilespmem:s21+$0x1E0]  }
0x172: {  	v4 =	vld [tilespmem:s21+$0x29E0]  }
0x173: {  	v1 =	vld [tilespmem:s21+$0x1F0]  }
0x174: {  	v2 =	vld [tilespmem:s21+$0x29F0]  }
0x175: {  	v17 =	vld [tilespmem:s21+$0x7980]  }
0x176: {  	v16 =	vld [tilespmem:s21+$0x7990]  }
0x177: {  	v15 =	vld [tilespmem:s21+$0x79A0]  }
0x178: {  	v14 =	vld [tilespmem:s21+$0x79B0];
	v19 =	vadd.f32 v18, v13  }
0x179: {  	s22 =	simm.s32 $0x200;
	v18 =	vadd.f32 v21, v20;
	v13 =	vld [tilespmem:s21+$0x79C0]  }
.LBB2_12:
0x17a: {  	p0 =	sne.s32 s22, $0x9E00;
	v17 =	vadd.f32 v17, v19;
	v6 =	vadd.f32 v10, v6;
	v10 =	vld [tilespmem:s21+$0x79D0]  }
0x17b: {  	v8 =	vadd.f32 v12, v8;
	v16 =	vadd.f32 v16, v18;
	v12 =	vld [tilespmem:s21+$0x79E0]  }
0x17c: {  	s23 =	sshra.s32 s22, $0x2;
	v9 =	vadd.f32 v11, v9;
	v17 =	vmax.f32 v17, $0.0e+00;
	v6 =	vadd.f32 v15, v6;
	v11 =	vld [tilespmem:s21+$0x79F0]  }
0x17d: {  	v5 =	vadd.f32 v7, v5;
	v18 =	vld [tilespmem:s23+$0x180];
	[tilespmem:s21+$0x7980] =	vst v17;
	v15 =	vmax.f32 v16, $0.0e+00;
	v8 =	vadd.f32 v14, v8  }
0x17e: {  	v3 =	vadd.f32 v4, v3;
	v14 =	vld [tilespmem:s23+$0x2980];
	[tilespmem:s21+$0x7990] =	vst v15;
	v6 =	vmax.f32 v6, $0.0e+00;
	v7 =	vadd.f32 v13, v9  }
0x17f: {  	v1 =	vadd.f32 v2, v1;
	v13 =	vld [tilespmem:s23+$0x190];
	[tilespmem:s21+$0x79A0] =	vst v6;
	v4 =	vmax.f32 v8, $0.0e+00;
	v5 =	vadd.f32 v10, v5  }
0x180: {  	v20 =	vld [tilespmem:s23+$0x2990];
	[tilespmem:s21+$0x79B0] =	vst v4;
	v2 =	vmax.f32 v7, $0.0e+00;
	v3 =	vadd.f32 v12, v3  }
0x181: {  	v6 =	vld [tilespmem:s23+$0x1A0];
	[tilespmem:s21+$0x79C0] =	vst v2;
	v2 =	vmax.f32 v5, $0.0e+00;
	v1 =	vadd.f32 v11, v1  }
0x182: {  	v10 =	vld [tilespmem:s23+$0x29A0];
	[tilespmem:s21+$0x79D0] =	vst v2;
	v2 =	vmax.f32 v3, $0.0e+00  }
0x183: {  	v8 =	vld [tilespmem:s23+$0x1B0];
	[tilespmem:s21+$0x79E0] =	vst v2;
	v1 =	vmax.f32 v1, $0.0e+00  }
0x184: {  	v12 =	vld [tilespmem:s23+$0x29B0];
	[tilespmem:s21+$0x79F0] =	vst v1;
	s21 =	smov.u32 s23  }
0x185: {  	v9 =	vld [tilespmem:s21+$0x1C0]  }
0x186: {  	v11 =	vld [tilespmem:s21+$0x29C0]  }
0x187: {  	v5 =	vld [tilespmem:s21+$0x1D0]  }
0x188: {  	v7 =	vld [tilespmem:s21+$0x29D0]  }
0x189: {  	v3 =	vld [tilespmem:s21+$0x1E0]  }
0x18a: {  	v4 =	vld [tilespmem:s21+$0x29E0]  }
0x18b: {  	v1 =	vld [tilespmem:s21+$0x1F0]  }
0x18c: {  	v2 =	vld [tilespmem:s21+$0x29F0]  }
.Ltmp5:
0x18d: {  	v17 =	vld [tilespmem:s21+$0x7980];
	(pc) =	sbr.rel @p0 .LBB2_12-.Ltmp5, $4  }
0x18e: {  	v16 =	vld [tilespmem:s21+$0x7990]  }
0x18f: {  	v15 =	vld [tilespmem:s21+$0x79A0]  }
0x190: {  	v19 =	vadd.f32 v14, v18;
	v14 =	vld [tilespmem:s21+$0x79B0]  }
0x191: {  	s22 =	sadd.s32 $0x200, s22;
	v18 =	vadd.f32 v20, v13;
	v13 =	vld [tilespmem:s21+$0x79C0]  }
0x192: {  	v17 =	vadd.f32 v17, v19  }
0x193: {  	v6 =	vadd.f32 v10, v6;
	v10 =	vld [tilespmem:s21+$0x79D0];
	v8 =	vadd.f32 v12, v8  }
0x194: {  	v9 =	vadd.f32 v11, v9;
	v11 =	vld [tilespmem:s21+$0x79F0];
	v16 =	vadd.f32 v16, v18  }
0x195: {  	v12 =	vld [tilespmem:s21+$0x79E0];
	v17 =	vmax.f32 v17, $0.0e+00;
	v6 =	vadd.f32 v15, v6  }
0x196: {  	v5 =	vadd.f32 v7, v5;
	[tilespmem:s21+$0x7980] =	vst v17;
	v15 =	vmax.f32 v16, $0.0e+00;
	v8 =	vadd.f32 v14, v8  }
0x197: {  	v1 =	vadd.f32 v2, v1;
	[tilespmem:s21+$0x7990] =	vst v15;
	v6 =	vmax.f32 v6, $0.0e+00;
	v7 =	vadd.f32 v13, v9  }
0x198: {  	v3 =	vadd.f32 v4, v3;
	[tilespmem:s21+$0x79A0] =	vst v6;
	v4 =	vmax.f32 v8, $0.0e+00;
	v5 =	vadd.f32 v10, v5  }
0x199: {  	v1 =	vadd.f32 v11, v1;
	[tilespmem:s21+$0x79B0] =	vst v4;
	v2 =	vmax.f32 v7, $0.0e+00  }
0x19a: {  	v3 =	vadd.f32 v12, v3;
	[tilespmem:s21+$0x79C0] =	vst v2;
	v2 =	vmax.f32 v5, $0.0e+00  }
0x19b: {  	v1 =	vmax.f32 v1, $0.0e+00;
	[tilespmem:s21+$0x79D0] =	vst v2  }
0x19c: {  	v2 =	vmax.f32 v3, $0.0e+00;
	[tilespmem:s21+$0x79F0] =	vst v1  }
0x19d: {  	[tilespmem:s21+$0x79E0] =	vst v2  }
0x19e: {  	[spmem:s3] =	stream.indirect.scatter.add.f32 [tilespmem:s17], [sflag:$0x5], $0x80, s16, s2, $0xb8;
	[tilespmem:$0x1DD80] =	vst v63  }
0x19f: {  	s23 =	simm.s32 $0x0;
	s22 =	rddreg [dreg:$0xe]  }
0x1a0: {  	[tilespmem:s23], [sflag:$0x6] =	stream.linear.gather [hbm4b:s22+s23], $0x50, $0x38;
	[tilespmem:$0x1DD80] =	vst v63  }
0x1a1: {  	_ =	swait.ge [sflag:s31], $0x50  }
0x1a2: {  	[sflag:s31] =	ssyncset.done $0x0  }
0x1a3: {  	s24 =	rddreg [dreg:$0xf];
	[sflag:s31] =	ssyncadd.s32 $0xFFFFFFB0  }
0x1a4: {  	[tilespmem:s0], [sflag:$0x6] =	stream.linear.gather [hbm4b:s24+s23], $0x50, $0x38;
	[tilespmem:$0x1DD80] =	vst v63  }
0x1a5: {  	_ =	swait.ge [sflag:s31], $0x50  }
0x1a6: {  	[sflag:s31] =	ssyncset.done $0x0  }
0x1a7: {  	s25 =	rddreg [dreg:$0x10];
	[sflag:s31] =	ssyncadd.s32 $0xFFFFFFB0  }
0x1a8: {  	[tilespmem:s30], [sflag:$0x3] =	stream.linear.gather [hbm4b:s25+s23], $0x2800, $0x38;
	[tilespmem:$0x1DD80] =	vst v63  }
0x1a9: {  	_ = 	snop  }
0x1aa: {  	[tilespmem:s10], [sflag:$0x1] =	stream.indirect.gather [hbm4b:s1+s2], $0x80, s23, s2, $0xb8;
	[tilespmem:$0x1DD80] =	vst v63  }
0x1ab: {  	_ = 	snop  }
0x1ac: {  	[tilespmem:s11], [sflag:$0x2] =	stream.indirect.gather [hbm4b:s5+s2], $0x80, s0, s2, $0xb8;
	[tilespmem:$0x1DD80] =	vst v63  }
0x1ad: {  	_ =	swait.ge [sflag:s12], $0x2800  }
0x1ae: {  	[sflag:s12] =	ssyncset.done $0x0  }
0x1af: {  	[sflag:s12] =	ssyncadd.s32 $0xFFFFD800  }
0x1b0: {  	_ =	swait.ge [sflag:s13], $0x2800  }
0x1b1: {  	[sflag:s13] =	ssyncset.done $0x0  }
0x1b2: {  	[sflag:s13] =	ssyncadd.s32 $0xFFFFD800  }
0x1b3: {  	_ =	swait.ge [sflag:s15], $0x2800  }
0x1b4: {  	[sflag:s15] =	ssyncset.done $0x0  }
0x1b5: {  	[sflag:s15] =	ssyncadd.s32 $0xFFFFD800  }
0x1b6: {  	_ =	swait.ge [sflag:s19], $0x2800  }
0x1b7: {  	[sflag:s19] =	ssyncset.done $0x0  }
0x1b8: {  	s21 =	simm.s32 $0x0;
	[sflag:s19] =	ssyncadd.s32 $0xFFFFD800  }
0x1b9: {  	v13 =	vld [tilespmem:s21+$0x180]  }
0x1ba: {  	v18 =	vld [tilespmem:s21+$0x2980]  }
0x1bb: {  	v20 =	vld [tilespmem:s21+$0x190]  }
0x1bc: {  	v21 =	vld [tilespmem:s21+$0x2990]  }
0x1bd: {  	v6 =	vld [tilespmem:s21+$0x1A0]  }
0x1be: {  	v10 =	vld [tilespmem:s21+$0x29A0]  }
0x1bf: {  	v8 =	vld [tilespmem:s21+$0x1B0]  }
0x1c0: {  	v12 =	vld [tilespmem:s21+$0x29B0]  }
0x1c1: {  	v9 =	vld [tilespmem:s21+$0x1C0]  }
0x1c2: {  	v11 =	vld [tilespmem:s21+$0x29C0]  }
0x1c3: {  	v5 =	vld [tilespmem:s21+$0x1D0]  }
0x1c4: {  	v7 =	vld [tilespmem:s21+$0x29D0]  }
0x1c5: {  	v3 =	vld [tilespmem:s21+$0x1E0]  }
0x1c6: {  	v4 =	vld [tilespmem:s21+$0x29E0]  }
0x1c7: {  	v1 =	vld [tilespmem:s21+$0x1F0]  }
0x1c8: {  	v2 =	vld [tilespmem:s21+$0x29F0]  }
0x1c9: {  	v17 =	vld [tilespmem:s21+$0x5180]  }
0x1ca: {  	v16 =	vld [tilespmem:s21+$0x5190]  }
0x1cb: {  	v15 =	vld [tilespmem:s21+$0x51A0]  }
0x1cc: {  	v14 =	vld [tilespmem:s21+$0x51B0];
	v19 =	vadd.f32 v18, v13  }
0x1cd: {  	s22 =	simm.s32 $0x200;
	v18 =	vadd.f32 v21, v20;
	v13 =	vld [tilespmem:s21+$0x51C0]  }
.LBB2_14:
0x1ce: {  	p0 =	sne.s32 s22, $0x9E00;
	v17 =	vadd.f32 v17, v19;
	v6 =	vadd.f32 v10, v6;
	v10 =	vld [tilespmem:s21+$0x51D0]  }
0x1cf: {  	v8 =	vadd.f32 v12, v8;
	v16 =	vadd.f32 v16, v18;
	v12 =	vld [tilespmem:s21+$0x51E0]  }
0x1d0: {  	s23 =	sshra.s32 s22, $0x2;
	v9 =	vadd.f32 v11, v9;
	v17 =	vmax.f32 v17, $0.0e+00;
	v6 =	vadd.f32 v15, v6;
	v11 =	vld [tilespmem:s21+$0x51F0]  }
0x1d1: {  	v5 =	vadd.f32 v7, v5;
	v18 =	vld [tilespmem:s23+$0x180];
	[tilespmem:s21+$0x5180] =	vst v17;
	v15 =	vmax.f32 v16, $0.0e+00;
	v8 =	vadd.f32 v14, v8  }
0x1d2: {  	v3 =	vadd.f32 v4, v3;
	v14 =	vld [tilespmem:s23+$0x2980];
	[tilespmem:s21+$0x5190] =	vst v15;
	v6 =	vmax.f32 v6, $0.0e+00;
	v7 =	vadd.f32 v13, v9  }
0x1d3: {  	v1 =	vadd.f32 v2, v1;
	v13 =	vld [tilespmem:s23+$0x190];
	[tilespmem:s21+$0x51A0] =	vst v6;
	v4 =	vmax.f32 v8, $0.0e+00;
	v5 =	vadd.f32 v10, v5  }
0x1d4: {  	v20 =	vld [tilespmem:s23+$0x2990];
	[tilespmem:s21+$0x51B0] =	vst v4;
	v2 =	vmax.f32 v7, $0.0e+00;
	v3 =	vadd.f32 v12, v3  }
0x1d5: {  	v6 =	vld [tilespmem:s23+$0x1A0];
	[tilespmem:s21+$0x51C0] =	vst v2;
	v2 =	vmax.f32 v5, $0.0e+00;
	v1 =	vadd.f32 v11, v1  }
0x1d6: {  	v10 =	vld [tilespmem:s23+$0x29A0];
	[tilespmem:s21+$0x51D0] =	vst v2;
	v2 =	vmax.f32 v3, $0.0e+00  }
0x1d7: {  	v8 =	vld [tilespmem:s23+$0x1B0];
	[tilespmem:s21+$0x51E0] =	vst v2;
	v1 =	vmax.f32 v1, $0.0e+00  }
0x1d8: {  	v12 =	vld [tilespmem:s23+$0x29B0];
	[tilespmem:s21+$0x51F0] =	vst v1;
	s21 =	smov.u32 s23  }
0x1d9: {  	v9 =	vld [tilespmem:s21+$0x1C0]  }
0x1da: {  	v11 =	vld [tilespmem:s21+$0x29C0]  }
0x1db: {  	v5 =	vld [tilespmem:s21+$0x1D0]  }
0x1dc: {  	v7 =	vld [tilespmem:s21+$0x29D0]  }
0x1dd: {  	v3 =	vld [tilespmem:s21+$0x1E0]  }
0x1de: {  	v4 =	vld [tilespmem:s21+$0x29E0]  }
0x1df: {  	v1 =	vld [tilespmem:s21+$0x1F0]  }
0x1e0: {  	v2 =	vld [tilespmem:s21+$0x29F0]  }
.Ltmp6:
0x1e1: {  	v17 =	vld [tilespmem:s21+$0x5180];
	(pc) =	sbr.rel @p0 .LBB2_14-.Ltmp6, $4  }
0x1e2: {  	v16 =	vld [tilespmem:s21+$0x5190]  }
0x1e3: {  	v15 =	vld [tilespmem:s21+$0x51A0]  }
0x1e4: {  	v19 =	vadd.f32 v14, v18;
	v14 =	vld [tilespmem:s21+$0x51B0]  }
0x1e5: {  	s22 =	sadd.s32 $0x200, s22;
	v18 =	vadd.f32 v20, v13;
	v13 =	vld [tilespmem:s21+$0x51C0]  }
0x1e6: {  	v17 =	vadd.f32 v17, v19;
	v6 =	vadd.f32 v10, v6;
	v58 =	vld [tilespmem:s21+$0x51D0]  }
0x1e7: {  	v8 =	vadd.f32 v12, v8;
	v60 =	vld [tilespmem:s21+$0x51F0];
	v16 =	vadd.f32 v16, v18  }
0x1e8: {  	v59 =	vld [tilespmem:s21+$0x51E0];
	v9 =	vadd.f32 v11, v9;
	v17 =	vmax.f32 v17, $0.0e+00;
	v6 =	vadd.f32 v15, v6  }
0x1e9: {  	v5 =	vadd.f32 v7, v5;
	[tilespmem:s21+$0x5180] =	vst v17;
	v61 =	vmax.f32 v16, $0.0e+00;
	v8 =	vadd.f32 v14, v8  }
0x1ea: {  	v1 =	vadd.f32 v2, v1;
	[tilespmem:s21+$0x5190] =	vst v61;
	v6 =	vmax.f32 v6, $0.0e+00;
	v62 =	vadd.f32 v13, v9  }
0x1eb: {  	v3 =	vadd.f32 v4, v3;
	[tilespmem:s21+$0x51A0] =	vst v6;
	v63 =	vmax.f32 v8, $0.0e+00;
	v5 =	vadd.f32 v58, v5  }
0x1ec: {  	v1 =	vadd.f32 v60, v1;
	[tilespmem:s21+$0x51B0] =	vst v63;
	v2 =	vmax.f32 v62, $0.0e+00  }
0x1ed: {  	v3 =	vadd.f32 v59, v3;
	[tilespmem:s21+$0x51C0] =	vst v2;
	v2 =	vmax.f32 v5, $0.0e+00  }
0x1ee: {  	v1 =	vmax.f32 v1, $0.0e+00;
	[tilespmem:s21+$0x51D0] =	vst v2  }
0x1ef: {  	v2 =	vmax.f32 v3, $0.0e+00;
	[tilespmem:s21+$0x51F0] =	vst v1  }
0x1f0: {  	[tilespmem:s21+$0x51E0] =	vst v2  }
0x1f1: {  	[spmem:s3] =	stream.indirect.scatter.add.f32 [tilespmem:s30], [sflag:$0x5], $0x80, s0, s2, $0xb8;
	[tilespmem:$0x1DD80] =	vst v63  }
0x1f2: {  	_ =	swait.ge [sflag:s19], $0x2800  }
0x1f3: {  	[sflag:s19] =	ssyncset.done $0x0  }
0x1f4: {  	s24 =	stileid.u32;
	[sflag:s19] =	ssyncadd.s32 $0xFFFFD800  }
0x1f5: {  	s21 =	sshll.u32 s24, $0x6;
	[bflag:$0x0] =	sbarrier.arrive $0xFFFF  }
0x1f6: {  	s22 =	sshrl.u32 s9, $0x3;
	s21 =	sor.u32 $0x1C06, s21;
	s23 =	rddreg [dreg:$0x11]  }
0x1f7: {  	[hbm:s23], [sflag:s21] =	dma.local [spmem:s22], $0x2780  }
0x1f8: {  	_ =	swait.ge [sflag:s31], $0x2780  }
0x1f9: {  	s20 =	sadd.s32 $0x1, s20;
	s25 =	rddreg [dreg:$0x12]  }
0x1fa: {  	p0 =	sne.s32 s20, s25  }
.Ltmp7:
0x1fb: {  	_ = 	snop;
	(pc) =	sbr.rel @p0 .LBB2_1-.Ltmp7, $3  }
0x1fc: {  	_ =	sdelay $0x1  }
0x1fd: {  	[sflag:s31] =	ssyncset.done $0x0  }
0x1fe: {  	[sflag:s31] =	ssyncadd.s32 $0xFFFFD880  }
0x1ff: {  	_ =	sfence.sel $0x180000  }
0x200: {  	[bflag:$0x0] =	sbarrier.arrive $0xFFFF  }
0x201: {  	_ =	strace $0x90000047  }
0x202: {  	s0 =	stileid.u32;
	[bflag:$0x2] =	sbarrier.arrive $0xFFFF  }
0x203: {  	p0 =	sne.s32 s0, $0x0;
	s0 =	rddreg [dreg:$0x3]  }
0x204: {  	s0 =	sadd.s32 @!p0 $0x100000, s0  }
0x205: {  	[sflag:s0] =	ssyncadd.tile.s32 @!p0 $0x1;
	_ =	shalt  }
.Lfunc_end2:
_tile_overlayer_lowered:
.L_overlay_start_2:
0x206: {  	(tag) =	ssettag $0x2  }
0x207: {  	s0 =	rddreg [dreg:$0x0];
	s2 =	stileid.u32  }
0x208: {  	s1 =	rddreg [dreg:$0x1];
	p0 =	sne.s32 s2, $0x0  }
0x209: {  	s3 =	rddreg [dreg:$0x2];
	[bflag:$0x3] =	sbarrier.arrive $0xFFFF;
	s2 =	simm.s32 @!p0 $0x1C06  }
0x20a: {  	[timem:s3], [sflag:s2] =	dma.local @!p0 [hbm:s0], s1  }
0x20b: {  	s0 =	simm.s32 @!p0 $0x6  }
0x20c: {  	_ =	swait.ge @!p0 [sflag:s0], s1  }
0x20d: {  	s1 =	ssub.s32 @!p0 $0x0, s1;
	[sflag:s0] =	ssyncset.done @!p0 $0x0  }
0x20e: {  	[sflag:s0] =	ssyncadd.s32 @!p0 s1  }
0x20f: {  	[bflag:$0x3] =	sbarrier.arrive $0xFFFF  }
0x210: {  	_ =	shalt  }

// kernel: kernel.7.cloned.1.call-start
scs
__scs_entry_jumppad:
0x0: {  	(pc) =	sbr.rel $0x88, $3  }
0x1: {  	(tag) =	ssettag $0x0;
	lr =	simm.s32 $0x1  }
0x2: {  	[smem:$0x3F9A] =	sst lr;
	_ =	strace $0xD0000000  }
0x3: {  	_ = 	snop  }
0x4: {  	_ = 	snop  }
0x5: {  	_ = 	snop  }
0x6: {  	_ = 	snop  }
0x7: {  	_ = 	snop  }
__scs_overlays_trampoline_lowered:
0x8: {  	[smem:$0x3FA9] =	sst s0  }
0x9: {  	[smem:$0x3FAA] =	sst s1  }
0xa: {  	[smem:$0x3FAB] =	sst s2  }
0xb: {  	[smem:$0x3FAC] =	sst s3  }
0xc: {  	[smem:$0x3FAD] =	sst s4  }
0xd: {  	[smem:$0x3FAE] =	sst s5  }
0xe: {  	[smem:$0x3FAF] =	sst s6  }
0xf: {  	[smem:$0x3FB0] =	sst s7  }
0x10: {  	[smem:$0x3FB1] =	sst s8  }
0x11: {  	[smem:$0x3FB2] =	sst s9;
	s0 =	simm.s32 @!p0 $0x0  }
0x12: {  	s1 =	sld [smem:$0x3F98];
	s0 =	simm.s32 @p0 $0x1  }
0x13: {  	[smem:$0x3FB3] =	sst s0;
	s0 =	simm.s32 @!p1 $0x0  }
0x14: {  	s2 =	sld [smem:$0x3F97];
	s0 =	simm.s32 @p1 $0x1  }
0x15: {  	[smem:$0x3FB4] =	sst s0;
	s0 =	simm.s32 @!p2 $0x0  }
0x16: {  	s3 =	sld [smem:$0x3FDB];
	s0 =	simm.s32 @p2 $0x1  }
0x17: {  	s4 =	simm.s32 $0x1BF5;
	[smem:$0x3FB6] =	sst s0  }
0x18: {  	s0 =	sld [smem:$0x3F99];
	_ =	swait.ge [sflag:s4], $0x0  }
0x19: {  	s7 =	sld [smem:$0x3F9A]  }
0x1a: {  	s8 =	sadd.s32 $0xFFFFE003, lr  }
0x1b: {  	s9 =	sadd.s32 $0xFFFFFEF7, lr;
	s5 =	simm.s32 $0xFFFFFFFF;
	p2 =	slt.u32 s8, $0xFFFFF086  }
0x1c: {  	p1 =	slt.u32 s9, $0xF7A;
	s5 =	simm.s32 @!p2 $0x0  }
0x1d: {  	s5 =	simm.s32 @p1 $0x1;
	p0 =	seq.s32 s7, s2  }
0x1e: {  	s7 =	smul.u32 @!p0 $0xF7A, s2;
	p2 =	seq.s32 @!p0 s5, $0x0  }
0x1f: {  	s9 =	smul.u32 $0xF7A, s1;
	s8 =	simm.s32 @!p0 $0x1BF5;
	p2 =	por !p2, p0  }
0x20: {  	[sflag:s8] =	ssyncset.s32 @!p0 $0xFFFFF086;
	s6 =	sadd.s32 @!p0 s3, s7;
	s7 =	simm.s32 @!p0 $0x108  }
0x21: {  	s3 =	sadd.s32 s3, s9;
	s6 =	sadd.s32 @!p0 $0x88, s6;
	s7 =	simm.s32 @p2 $0x1082  }
0x22: {  	[simem:s7], [sflag:s8] =	dma.local @!p0 [hbm:s6], $0xF7A  }
0x23: {  	s9 =	sor.u32 $0xD0000000, s2;
	s6 =	simm.s32 $0x108;
	_ =	swait.ge @!p0 [sflag:s8], $0x0  }
0x24: {  	s3 =	sadd.s32 $0x88, s3;
	s6 =	simm.s32 @!p1 $0x1082;
	[sflag:s4] =	ssyncset.s32 $0xFFFFF086  }
0x25: {  	[simem:s6], [sflag:s4] =	dma.local [hbm:s3], $0xF7A  }
0x26: {  	[smem:$0x3F9A] =	sst s1;
	(tag) =	ssettag s2;
	_ =	strace s9  }
0x27: {  	s1 =	sld [smem:$0x3FAA]  }
0x28: {  	s2 =	sld [smem:$0x3FAB]  }
0x29: {  	s4 =	sld [smem:$0x3FAD]  }
0x2a: {  	p0 =	seq.s32 s5, $0x0;
	s5 =	sld [smem:$0x3FAE]  }
0x2b: {  	s6 =	sld [smem:$0x3FAF]  }
0x2c: {  	s7 =	sld [smem:$0x3FB0]  }
0x2d: {  	s3 =	simm.s32 $0x108;
	s8 =	sld [smem:$0x3FB1]  }
0x2e: {  	s3 =	simm.s32 @!p0 $0x1082;
	s9 =	sld [smem:$0x3FB2]  }
0x2f: {  	lr =	sadd.s32 s0, s3;
	s0 =	sld [smem:$0x3FA9]  }
0x30: {  	s3 =	sld [smem:$0x3FAC]  }
0x31: {  	[smem:$0x3FB5] =	sst s10  }
0x32: {  	s10 =	sld [smem:$0x3FB3];
	_ =	sdelay $0x3  }
0x33: {  	p0 =	seq.s32 s10, $0x1;
	s10 =	sld [smem:$0x3FB5];
	_ =	sdelay $0x3  }
0x34: {  	[smem:$0x3FB5] =	sst s10  }
0x35: {  	s10 =	sld [smem:$0x3FB4];
	_ =	sdelay $0x3  }
0x36: {  	p1 =	seq.s32 s10, $0x1;
	s10 =	sld [smem:$0x3FB5];
	_ =	sdelay $0x3  }
0x37: {  	[smem:$0x3FB5] =	sst s10  }
0x38: {  	s10 =	sld [smem:$0x3FB6]  }
0x39: {  	_ = 	snop;
	(pc) =	sbr.ind lr, $3  }
0x3a: {  	_ = 	snop  }
0x3b: {  	_ = 	snop  }
0x3c: {  	p2 =	seq.s32 s10, $0x1;
	s10 =	sld [smem:$0x3FB5]  }
0x3d: {  	_ =	shalt  }
0x3e: {  	_ =	shalt  }
0x3f: {  	_ =	shalt  }
0x40: {  	_ =	shalt  }
0x41: {  	_ =	shalt  }
0x42: {  	_ =	shalt  }
0x43: {  	_ =	shalt  }
0x44: {  	_ =	shalt  }
0x45: {  	_ =	shalt  }
0x46: {  	_ =	shalt  }
0x47: {  	_ =	shalt  }
0x48: {  	_ =	shalt  }
0x49: {  	_ =	shalt  }
0x4a: {  	_ =	shalt  }
0x4b: {  	_ =	shalt  }
0x4c: {  	_ =	shalt  }
0x4d: {  	_ =	shalt  }
0x4e: {  	_ =	shalt  }
0x4f: {  	_ =	shalt  }
0x50: {  	_ =	shalt  }
0x51: {  	_ =	shalt  }
0x52: {  	_ =	shalt  }
0x53: {  	_ =	shalt  }
0x54: {  	_ =	shalt  }
0x55: {  	_ =	shalt  }
0x56: {  	_ =	shalt  }
0x57: {  	_ =	shalt  }
0x58: {  	_ =	shalt  }
0x59: {  	_ =	shalt  }
0x5a: {  	_ =	shalt  }
0x5b: {  	_ =	shalt  }
0x5c: {  	_ =	shalt  }
0x5d: {  	_ =	shalt  }
0x5e: {  	_ =	shalt  }
0x5f: {  	_ =	shalt  }
0x60: {  	_ =	shalt  }
0x61: {  	_ =	shalt  }
0x62: {  	_ =	shalt  }
0x63: {  	_ =	shalt  }
0x64: {  	_ =	shalt  }
0x65: {  	_ =	shalt  }
0x66: {  	_ =	shalt  }
0x67: {  	_ =	shalt  }
0x68: {  	_ =	shalt  }
0x69: {  	_ =	shalt  }
0x6a: {  	_ =	shalt  }
0x6b: {  	_ =	shalt  }
0x6c: {  	_ =	shalt  }
0x6d: {  	_ =	shalt  }
0x6e: {  	_ =	shalt  }
0x6f: {  	_ =	shalt  }
0x70: {  	_ =	shalt  }
0x71: {  	_ =	shalt  }
0x72: {  	_ =	shalt  }
0x73: {  	_ =	shalt  }
0x74: {  	_ =	shalt  }
0x75: {  	_ =	shalt  }
0x76: {  	_ =	shalt  }
0x77: {  	_ =	shalt  }
0x78: {  	_ =	shalt  }
0x79: {  	_ =	shalt  }
0x7a: {  	_ =	shalt  }
0x7b: {  	_ =	shalt  }
0x7c: {  	_ =	shalt  }
0x7d: {  	_ =	shalt  }
0x7e: {  	_ =	shalt  }
0x7f: {  	_ =	shalt  }
0x80: {  	_ =	shalt  }
0x81: {  	_ =	shalt  }
0x82: {  	_ =	shalt  }
0x83: {  	_ =	shalt  }
0x84: {  	_ =	shalt  }
0x85: {  	_ =	shalt  }
0x86: {  	_ =	shalt  }
0x87: {  	_ =	shalt  }
.Lfunc_end0:
.L_simem_size_0:
called_computation_lowered:
.L_overlay_start_0:
0x88: {  	s2 =	sld [smem:$0x3FD9]  }
0x89: {  	s3 =	sld [smem:$0x3FFE];
	_ =	sdelay $0x1  }
0x8a: {  	s1 =	srdreg.scid  }
0x8b: {  	s0 =	sand.u32 $0x1, s1  }
0x8c: {  	s17 =	sshll.u32 s0, $0xA;
	s2 =	sadd.s32 s3, s2  }
0x8d: {  	s2 =	sadd.s32 s2, s17  }
0x8e: {  	[smem:$0x3FC1] =	sst s2  }
0x8f: {  	_ = 	snop  }
0x90: {  	(tm) =	ssettm $0x1  }
0x91: {  	s18 =	sld [smem:$0x3FFB];
	_ =	sdelay $0x3  }
0x92: {  	_ =	strace s18  }
0x93: {  	s2 =	sld [smem:$0x3FFC];
	_ =	sdelay $0x3  }
0x94: {  	_ =	strace s2  }
0x95: {  	s2 =	sld [smem:$0x3FFD];
	_ =	sdelay $0x3  }
0x96: {  	_ =	strace s2  }
0x97: {  	_ =	strace $0x8FFFFFFF  }
0x98: {  	s19 =	sld [smem:$0x3FDB];
	_ =	sdelay $0x1  }
0x99: {  	s20 =	simm.s32 $_scs_section_size  }
0x9a: {  	s4 =	simm.s32 $_size__tile_overlayer_lowered;
	s5 =	simm.s32 $_tile_overlayer_lowered  }
0x9b: {  	s6 =	simm.s32 $0x1BFF;
	s21 =	sshll.u32 s5, $0x1;
	s3 =	sadd.s32 s20, s19  }
0x9c: {  	s22 =	simm.s32 $0x0;
	s4 =	sshll.u32 s4, $0x1;
	s5 =	sadd.s32 s21, s3  }
0x9d: {  	[timem:s22], [sflag:s6] =	dma.local [hbm:s5], s4  }
0x9e: {  	_ =	swait.ge [sflag:s6], s4  }
0x9f: {  	s4 =	ssub.s32 $0x0, s4;
	[sflag:s6] =	ssyncset.done $0x0  }
0xa0: {  	[sflag:s6] =	ssyncadd.s32 s4;
	_ =	sdelay $0x1  }
0xa1: {  	s23 =	simm.s32 $0x1B8B  }
0xa2: {  	_ =	swait.ge [sflag:s23], $0x1  }
0xa3: {  	[sflag:s23] =	ssyncset.done $0x0  }
0xa4: {  	[sflag:s23] =	ssyncadd.s32 $0xFFFFFFFF  }
0xa5: {  	s4 =	sld [smem:$0x0]  }
0xa6: {  	s5 =	sand.u32 $0xFFFFFFFE, s1  }
0xa7: {  	p0 =	sne.s32 s1, s5  }
0xa8: {  	s5 =	sshll.u32 @p0 s5, $0xE  }
0xa9: {  	s5 =	sadd.s32 @p0 $0x11B8D, s5;
	s6 =	sshll.u32 @p0 s4, $0x11  }
0xaa: {  	s5 =	sor.u32 @p0 s6, s5  }
0xab: {  	[sflag:s5] =	ssyncadd.remote.s32 @p0 $0x1;
	_ =	sdelay $0x1  }
0xac: {  	s5 =	simm.s32 @p0 $0x1B8D  }
0xad: {  	_ =	swait.eq @p0 [sflag:s5], $0x1  }
0xae: {  	[sflag:s5] =	ssyncadd.s32 @p0 $0xFFFFFFFF  }
0xaf: {  	s6 =	sshll.u32 @!p0 s1, $0xE  }
0xb0: {  	s6 =	sor.u32 @!p0 $0x4000, s6;
	s5 =	simm.s32 @!p0 $0x1B8D  }
0xb1: {  	s4 =	sshll.u32 @!p0 s4, $0x11;
	s6 =	sadd.s32 @!p0 $0x11B8D, s6;
	_ =	swait.eq @!p0 [sflag:s5], $0x1  }
0xb2: {  	s4 =	sor.u32 @!p0 s4, s6;
	[sflag:s5] =	ssyncadd.s32 @!p0 $0xFFFFFFFF  }
0xb3: {  	s25 =	simm.s32 $0x1B8E;
	s24 =	sld [smem:$0x3FFE];
	[sflag:s4] =	ssyncadd.remote.s32 @!p0 $0x1  }
0xb4: {  	s26 =	simm.s32 $execute0_lowered;
	[smem:$0x3FD2] =	sst s25  }
0xb5: {  	s5 =	sshll.u32 s26, $0x1;
	_ =	strace $0x80000049;
	[dreg:$0x1] =	wrdreg $0xFFFFFFFF  }
0xb6: {  	s28 =	simm.s32 $_size_execute0_lowered;
	s3 =	sadd.s32 s3, s5;
	[dreg:$0x0] =	wrdreg $0x0  }
0xb7: {  	s5 =	sshll.u32 s28, $0x1;
	[dreg:$0x2] =	wrdreg s3  }
0xb8: {  	[dreg:$0x3] =	wrdreg s5  }
0xb9: {  	[dreg:$0x4] =	wrdreg $0xC0  }
0xba: {  	_ =	task [dreg:s22], $0x5FFFF  }
0xbb: {  	[dreg:$0x1] =	wrdreg $0xFFFFFFFF  }
0xbc: {  	[dreg:$0x0] =	wrdreg $0x60  }
0xbd: {  	[dreg:$0x2] =	wrdreg s24  }
0xbe: {  	[dreg:$0x3] =	wrdreg $0x29000  }
0xbf: {  	[dreg:$0x4] =	wrdreg $0x9  }
0xc0: {  	_ =	task.clear_ibuf [dreg:s22], $0x5FFFF;
	_ =	strace $0x90000049  }
0xc1: {  	s29 =	simm.s32 $0x9;
	_ =	strace $0x8000004B  }
0xc2: {  	_ =	swait.ge [sflag:s29], $0x1  }
0xc3: {  	[sflag:s29] =	ssyncadd.s32 $0xFFFFFFFF  }
0xc4: {  	_ =	strace $0x9000004B  }
0xc5: {  	_ =	sfence  }
0xc6: {  	s30 =	sld [smem:$0x0];
	_ =	sdelay $0x2  }
0xc7: {  	s31 =	sshll.u32 s1, $0xD;
	s1 =	sshrl.u32 s1, $0x2  }
0xc8: {  	s4 =	sand.u32 $0x4000, s31;
	s1 =	sadd.s32 s1, s30  }
0xc9: {  	s0 =	sor.u32 s4, s0;
	s1 =	sshll.u32 s1, $0x11  }
0xca: {  	s0 =	sor.u32 s1, s0  }
0xcb: {  	s0 =	sadd.s32 $0x8F2B, s0  }
0xcc: {  	[sflag:s0] =	ssyncadd.remote.s32 $0x1  }
0xcd: {  	_ =	sfence.sel $0xFFFF  }
0xce: {  	[dreg:$0x0] =	wrdreg $0xFFFFFFFF;
	(pc) =	sbr.abs _section_cstart, $3  }
0xcf: {  	[dreg:$0x1] =	wrdreg $0xFFFFFFFF  }
0xd0: {  	_ =	task.clear_ibuf [dreg:s22], $0x2FFFF;
	_ =	strace $0x9FFFFFFF  }
0xd1: {  	(tm) =	ssettm $0x7FFFFFFF  }
tec
execute0_lowered:
.L_overlay_start_1:
0x0: {  	(tag) =	ssettag $0x1  }
0x1: {  	s5 =	rddreg [dreg:$0x0];
	s1 =	srdreg.scid  }
0x2: {  	s0 =	stileid.u32;
	s2 =	rddreg [dreg:$0x1]  }
0x3: {  	s3 =	simm.s32 $0x0;
	s20 =	simm.s32 $0x100;
	s21 =	simm.s32 $0x2  }
0x4: {  	s22 =	simm.s32 $0x50;
	s23 =	simm.s32 $0x80;
	s4 =	smul.u32 $0x2780, s0  }
0x5: {  	s24 =	simm.s32 $0x1;
	s25 =	simm.s32 $0x0;
	s7 =	smul.u32 $0x4F000, s0  }
0x6: {  	s9 =	sand.u32 $0x1, s1;
	s1 =	rddreg [dreg:$0x2];
	s13 =	smul.u32 $0x4E20, s0  }
0x7: {  	[smem:$0x7FF] =	sst s3;
	s30 =	sshll.u32 s0, $0x1;
	s6 =	smul.u32 $0x27800, s9  }
0x8: {  	_ =	strace $0x8000004A;
	s31 =	ssub.s32 $0x2, s9;
	s14 =	smul.u32 $0x2710, s9  }
0x9: {  	s7 =	sshrl.u32 s7, $0x2;
	s8 =	sshrl.u32 s31, $0x1;
	s6 =	sadd.s32 s4, s6  }
0xa: {  	s4 =	sadd.s32 $0xBC00, s5;
	s16 =	ssub.s32 s31, s8;
	s18 =	sadd.s32 s14, s13  }
0xb: {  	s15 =	sadd.s32 s6, s5;
	s5 =	sor.u32 s9, s30;
	s17 =	sadd.s32 $0x50, s18  }
0xc: {  	s16 =	smax.u32 s16, $0x1;
	s18 =	sadd.s32 $0xA0, s18;
	s11 =	smul.u32 $0x2710, s5  }
0xd: {  	s5 =	sadd.s32 s7, s2;
	s15 =	sadd.s32 $0x56DC00, s15;
	s19 =	sshrl.u32 s17, $0x3  }
0xe: {  	s6 =	sadd.s32 $0x2800, s5;
	s7 =	sadd.s32 $0x5000, s5;
	s8 =	sadd.s32 $0x7800, s5  }
0xf: {  	s9 =	sadd.s32 $0xA000, s5;
	s10 =	sadd.s32 $0xC800, s5;
	s12 =	sshrl.u32 s11, $0x3  }
0x10: {  	s13 =	sadd.s32 $0x11800, s5;
	s19 =	sadd.s32 s19, s4;
	s12 =	sadd.s32 s4, s12  }
0x11: {  	v0 =	vimm.f32 $0.0e+00;
	v1 =	vimm.f32 $1.000000000e+00;
	s11 =	sadd.s32 $0xF000, s5;
	s14 =	sadd.s32 $0x4D8, s12;
	s17 =	sadd.s32 $0x4CE, s12  }
.LBB2_1:
0x12: {  	s26 =	simm.s32 $0x0;
	s28 =	simm.s32 $0x200  }
.LBB2_2:
0x13: {  	p0 =	sne.s32 s28, $0x9E00;
	[tilespmem:s26+$0x170] =	vst v0  }
0x14: {  	[tilespmem:s26+$0x100] =	vst v0  }
0x15: {  	[tilespmem:s26+$0x110] =	vst v0  }
.Ltmp0:
0x16: {  	[tilespmem:s26+$0x120] =	vst v0;
	(pc) =	sbr.rel @p0 .LBB2_2-.Ltmp0, $4  }
0x17: {  	[tilespmem:s26+$0x130] =	vst v0  }
0x18: {  	[tilespmem:s26+$0x140] =	vst v0  }
0x19: {  	[tilespmem:s26+$0x150] =	vst v0  }
0x1a: {  	[tilespmem:s26+$0x160] =	vst v0;
	s26 =	sshra.s32 s28, $0x2;
	s28 =	sadd.s32 $0x200, s28  }
0x1b: {  	[tilespmem:s26+$0x170] =	vst v0  }
0x1c: {  	[tilespmem:s26+$0x100] =	vst v0  }
0x1d: {  	[tilespmem:s26+$0x110] =	vst v0  }
0x1e: {  	[tilespmem:s26+$0x120] =	vst v0  }
0x1f: {  	[tilespmem:s26+$0x130] =	vst v0  }
0x20: {  	[tilespmem:s26+$0x140] =	vst v0  }
0x21: {  	[tilespmem:s26+$0x150] =	vst v0  }
0x22: {  	[tilespmem:s26+$0x160] =	vst v0  }
0x23: {  	[spmem:s5] =	stream.linear.scatter [tilespmem:s20], [sflag:$0x2], $0x2800, $0x38;
	[tilespmem:$0x16500] =	vst v63  }
0x24: {  	_ =	swait.ge [sflag:s21], $0x2800  }
0x25: {  	[sflag:s21] =	ssyncset.done $0x0  }
0x26: {  	[sflag:s21] =	ssyncadd.s32 $0xFFFFD800  }
0x27: {  	[spmem:s6] =	stream.linear.scatter [tilespmem:s20], [sflag:$0x2], $0x2800, $0x38;
	[tilespmem:$0x16500] =	vst v63  }
0x28: {  	_ =	swait.ge [sflag:s21], $0x2800  }
0x29: {  	[sflag:s21] =	ssyncset.done $0x0  }
0x2a: {  	[sflag:s21] =	ssyncadd.s32 $0xFFFFD800  }
0x2b: {  	[spmem:s7] =	stream.linear.scatter [tilespmem:s20], [sflag:$0x2], $0x2800, $0x38;
	[tilespmem:$0x16500] =	vst v63  }
0x2c: {  	_ =	swait.ge [sflag:s21], $0x2800  }
0x2d: {  	[sflag:s21] =	ssyncset.done $0x0  }
0x2e: {  	[sflag:s21] =	ssyncadd.s32 $0xFFFFD800  }
0x2f: {  	[spmem:s8] =	stream.linear.scatter [tilespmem:s20], [sflag:$0x2], $0x2800, $0x38;
	[tilespmem:$0x16500] =	vst v63  }
0x30: {  	_ =	swait.ge [sflag:s21], $0x2800  }
0x31: {  	[sflag:s21] =	ssyncset.done $0x0  }
0x32: {  	[sflag:s21] =	ssyncadd.s32 $0xFFFFD800  }
0x33: {  	[spmem:s9] =	stream.linear.scatter [tilespmem:s20], [sflag:$0x2], $0x2800, $0x38;
	[tilespmem:$0x16500] =	vst v63  }
0x34: {  	_ =	swait.ge [sflag:s21], $0x2800  }
0x35: {  	[sflag:s21] =	ssyncset.done $0x0  }
0x36: {  	[sflag:s21] =	ssyncadd.s32 $0xFFFFD800  }
0x37: {  	[spmem:s10] =	stream.linear.scatter [tilespmem:s20], [sflag:$0x2], $0x2800, $0x38;
	[tilespmem:$0x16500] =	vst v63  }
0x38: {  	_ =	swait.ge [sflag:s21], $0x2800  }
0x39: {  	[sflag:s21] =	ssyncset.done $0x0  }
0x3a: {  	[sflag:s21] =	ssyncadd.s32 $0xFFFFD800  }
0x3b: {  	[spmem:s11] =	stream.linear.scatter [tilespmem:s20], [sflag:$0x2], $0x2800, $0x38;
	[tilespmem:$0x16500] =	vst v63  }
0x3c: {  	_ =	swait.ge [sflag:s21], $0x2800  }
0x3d: {  	[sflag:s21] =	ssyncset.done $0x0  }
0x3e: {  	[sflag:s21] =	ssyncadd.s32 $0xFFFFD800  }
0x3f: {  	[spmem:s13] =	stream.linear.scatter [tilespmem:s20], [sflag:$0x2], $0x2400, $0x38;
	[tilespmem:$0x16500] =	vst v63  }
0x40: {  	_ =	swait.ge [sflag:s21], $0x2400  }
0x41: {  	[sflag:s21] =	ssyncset.done $0x0  }
0x42: {  	[sflag:s21] =	ssyncadd.s32 $0xFFFFDC00  }
0x43: {  	s26 =	simm.s32 $0x0;
	s28 =	simm.s32 $0x200;
	[bflag:$0x0] =	sbarrier.arrive $0xFFFF  }
.LBB2_4:
0x44: {  	p0 =	sne.s32 s28, $0x9E00;
	[tilespmem:s26+$0x170] =	vst v1  }
0x45: {  	[tilespmem:s26+$0x100] =	vst v1  }
0x46: {  	[tilespmem:s26+$0x110] =	vst v1  }
.Ltmp1:
0x47: {  	[tilespmem:s26+$0x120] =	vst v1;
	(pc) =	sbr.rel @p0 .LBB2_4-.Ltmp1, $4  }
0x48: {  	[tilespmem:s26+$0x130] =	vst v1  }
0x49: {  	[tilespmem:s26+$0x140] =	vst v1  }
0x4a: {  	[tilespmem:s26+$0x150] =	vst v1  }
0x4b: {  	[tilespmem:s26+$0x160] =	vst v1;
	s26 =	sshra.s32 s28, $0x2;
	s28 =	sadd.s32 $0x200, s28  }
0x4c: {  	[tilespmem:s26+$0x170] =	vst v1  }
0x4d: {  	[tilespmem:s26+$0x100] =	vst v1  }
0x4e: {  	[tilespmem:s26+$0x110] =	vst v1  }
0x4f: {  	[tilespmem:s26+$0x120] =	vst v1  }
0x50: {  	[tilespmem:s26+$0x130] =	vst v1  }
0x51: {  	[tilespmem:s26+$0x140] =	vst v1  }
0x52: {  	[tilespmem:s26+$0x150] =	vst v1  }
0x53: {  	[tilespmem:s26+$0x160] =	vst v1;
	s29 =	simm.s32 $0x0  }
0x54: {  	[tilespmem:s29], [sflag:$0x2] =	stream.linear.gather [hbm4b:s12+s29], $0x50, $0x38;
	[tilespmem:$0x16500] =	vst v63  }
0x55: {  	_ =	swait.ge [sflag:s21], $0x50  }
0x56: {  	[sflag:s21] =	ssyncset.done $0x0  }
0x57: {  	[sflag:s21] =	ssyncadd.s32 $0xFFFFFFB0  }
0x58: {  	[spmem:s2] =	stream.indirect.scatter.add.f32 [tilespmem:s20], [sflag:$0x1], $0x80, s3, s22, $0xb8;
	[tilespmem:$0x16500] =	vst v63  }
0x59: {  	s30 =	sadd.s32 $0x0, s19  }
0x5a: {  	[tilespmem:s23], [sflag:$0x2] =	stream.linear.gather [hbm4b:s30+s3], $0x50, $0x38;
	[tilespmem:$0x16500] =	vst v63  }
0x5b: {  	_ =	swait.ge [sflag:s21], $0x50  }
0x5c: {  	[sflag:s21] =	ssyncset.done $0x0  }
0x5d: {  	[sflag:s21] =	ssyncadd.s32 $0xFFFFFFB0  }
0x5e: {  	_ =	swait.ge [sflag:s24], $0x2800  }
0x5f: {  	[sflag:s24] =	ssyncset.done $0x0  }
0x60: {  	s31 =	sshrl.u32 s18, $0x3;
	[sflag:s24] =	ssyncadd.s32 $0xFFFFD800  }
0x61: {  	[spmem:s2] =	stream.indirect.scatter.add.f32 [tilespmem:s20], [sflag:$0x1], $0x80, s23, s22, $0xb8;
	[tilespmem:$0x16500] =	vst v63  }
0x62: {  	s26 =	sadd.s32 s4, s31  }
0x63: {  	[tilespmem:s3], [sflag:$0x2] =	stream.linear.gather [hbm4b:s26+s3], $0x50, $0x38;
	[tilespmem:$0x16500] =	vst v63  }
0x64: {  	_ =	swait.ge [sflag:s21], $0x50  }
0x65: {  	[sflag:s21] =	ssyncset.done $0x0  }
0x66: {  	[sflag:s21] =	ssyncadd.s32 $0xFFFFFFB0  }
0x67: {  	_ =	swait.ge [sflag:s24], $0x2800  }
0x68: {  	s28 =	smov.u32 s18;
	s26 =	simm.s32 $0x14;
	[sflag:s24] =	ssyncset.done $0x0  }
.LBB2_6:
0x69: {  	p0 =	sne.s32 s26, $0x4B0;
	[sflag:s24] =	ssyncadd.s32 $0xFFFFD800;
	s28 =	sadd.s32 $0xA0, s28  }
0x6a: {  	[spmem:s2] =	stream.indirect.scatter.add.f32 [tilespmem:s20], [sflag:$0x1], $0x80, s3, s22, $0xb8;
	[tilespmem:$0x16500] =	vst v63  }
0x6b: {  	s29 =	sadd.s32 s26, s19;
	s26 =	sadd.s32 $0x14, s26  }
0x6c: {  	[tilespmem:s23], [sflag:$0x2] =	stream.linear.gather [hbm4b:s29+s3], $0x50, $0x38;
	[tilespmem:$0x16500] =	vst v63  }
0x6d: {  	_ =	swait.ge [sflag:s21], $0x50  }
0x6e: {  	[sflag:s21] =	ssyncset.done $0x0  }
0x6f: {  	[sflag:s21] =	ssyncadd.s32 $0xFFFFFFB0  }
0x70: {  	_ =	swait.ge [sflag:s24], $0x2800  }
0x71: {  	[sflag:s24] =	ssyncset.done $0x0  }
0x72: {  	s29 =	sshrl.u32 s28, $0x3;
	[sflag:s24] =	ssyncadd.s32 $0xFFFFD800  }
0x73: {  	[spmem:s2] =	stream.indirect.scatter.add.f32 [tilespmem:s20], [sflag:$0x1], $0x80, s23, s22, $0xb8;
	[tilespmem:$0x16500] =	vst v63  }
0x74: {  	s29 =	sadd.s32 s4, s29  }
0x75: {  	[tilespmem:s3], [sflag:$0x2] =	stream.linear.gather [hbm4b:s29+s3], $0x50, $0x38;
	[tilespmem:$0x16500] =	vst v63  }
.Ltmp2:
0x76: {  	_ =	swait.ge [sflag:s21], $0x50;
	(pc) =	sbr.rel @p0 .LBB2_6-.Ltmp2, $4  }
0x77: {  	[sflag:s21] =	ssyncset.done $0x0  }
0x78: {  	[sflag:s21] =	ssyncadd.s32 $0xFFFFFFB0  }
0x79: {  	_ =	swait.ge [sflag:s24], $0x2800  }
0x7a: {  	[sflag:s24] =	ssyncset.done $0x0  }
0x7b: {  	[sflag:s24] =	ssyncadd.s32 $0xFFFFD800  }
0x7c: {  	[spmem:s2] =	stream.indirect.scatter.add.f32 [tilespmem:s20], [sflag:$0x1], $0x80, s3, s22, $0xb8;
	[tilespmem:$0x16500] =	vst v63  }
0x7d: {  	_ = 	snop  }
0x7e: {  	[tilespmem:s23], [sflag:$0x2] =	stream.linear.gather [hbm4b:s17+s3], $0x50, $0x38;
	[tilespmem:$0x16500] =	vst v63  }
0x7f: {  	_ =	swait.ge [sflag:s21], $0x50  }
0x80: {  	[sflag:s21] =	ssyncset.done $0x0  }
0x81: {  	[sflag:s21] =	ssyncadd.s32 $0xFFFFFFB0  }
0x82: {  	_ =	swait.ge [sflag:s24], $0x2800  }
0x83: {  	[sflag:s24] =	ssyncset.done $0x0  }
0x84: {  	[sflag:s24] =	ssyncadd.s32 $0xFFFFD800  }
0x85: {  	[spmem:s2] =	stream.indirect.scatter.add.f32 [tilespmem:s20], [sflag:$0x1], $0x80, s23, s22, $0xb8;
	[tilespmem:$0x16500] =	vst v63  }
0x86: {  	_ =	swait.ge [sflag:s24], $0x2800  }
0x87: {  	[sflag:s24] =	ssyncset.done $0x0  }
0x88: {  	[sflag:s24] =	ssyncadd.s32 $0xFFFFD800  }
0x89: {  	[tilespmem:s3], [sflag:$0x2] =	stream.linear.gather [hbm4b:s14+s3], $0x50, $0x38;
	[tilespmem:$0x16500] =	vst v63  }
0x8a: {  	_ =	swait.ge [sflag:s21], $0x50  }
0x8b: {  	[sflag:s21] =	ssyncset.done $0x0  }
0x8c: {  	[sflag:s21] =	ssyncadd.s32 $0xFFFFFFB0  }
0x8d: {  	[spmem:s2] =	stream.indirect.scatter.add.f32 [tilespmem:s20], [sflag:$0x1], $0x80, s3, s22, $0xb8;
	[tilespmem:$0x16500] =	vst v63  }
0x8e: {  	_ =	swait.ge [sflag:s24], $0x2800  }
0x8f: {  	s26 =	sshll.u32 s0, $0x6;
	s25 =	sadd.s32 $0x1, s25;
	[sflag:s24] =	ssyncset.done $0x0  }
0x90: {  	s28 =	sshrl.u32 s5, $0x3;
	p0 =	sne.s32 s25, s16;
	[sflag:s24] =	ssyncadd.s32 $0xFFFFD800  }
.Ltmp3:
0x91: {  	s26 =	sor.u32 $0x1C02, s26;
	[bflag:$0x0] =	sbarrier.arrive $0xFFFF;
	(pc) =	sbr.rel @p0 .LBB2_1-.Ltmp3, $4  }
0x92: {  	[hbm:s15], [sflag:s26] =	dma.local [spmem:s28], $0x2780  }
0x93: {  	_ =	swait.ge [sflag:s21], $0x2780  }
0x94: {  	[sflag:s21] =	ssyncset.done $0x0  }
0x95: {  	[sflag:s21] =	ssyncadd.s32 $0xFFFFD880  }
0x96: {  	_ =	sfence.sel $0x180000  }
0x97: {  	[bflag:$0x0] =	sbarrier.arrive $0xFFFF  }
0x98: {  	p0 =	sne.s32 s0, $0x0;
	_ =	strace $0x9000004A  }
0x99: {  	s0 =	sadd.s32 @!p0 $0x100000, s1;
	[bflag:$0x2] =	sbarrier.arrive $0xFFFF  }
0x9a: {  	[sflag:s0] =	ssyncadd.tile.s32 @!p0 $0x1;
	_ =	shalt  }
.Lfunc_end2:
_tile_overlayer_lowered:
.L_overlay_start_2:
0x9b: {  	(tag) =	ssettag $0x2  }
0x9c: {  	s0 =	rddreg [dreg:$0x0];
	s2 =	stileid.u32  }
0x9d: {  	s1 =	rddreg [dreg:$0x1];
	p0 =	sne.s32 s2, $0x0  }
0x9e: {  	s3 =	rddreg [dreg:$0x2];
	[bflag:$0x3] =	sbarrier.arrive $0xFFFF;
	s2 =	simm.s32 @!p0 $0x1C02  }
0x9f: {  	[timem:s3], [sflag:s2] =	dma.local @!p0 [hbm:s0], s1  }
0xa0: {  	s0 =	simm.s32 @!p0 $0x2  }
0xa1: {  	_ =	swait.ge @!p0 [sflag:s0], s1  }
0xa2: {  	s1 =	ssub.s32 @!p0 $0x0, s1;
	[sflag:s0] =	ssyncset.done @!p0 $0x0  }
0xa3: {  	[sflag:s0] =	ssyncadd.s32 @!p0 s1  }
0xa4: {  	[bflag:$0x3] =	sbarrier.arrive $0xFFFF  }
0xa5: {  	_ =	shalt  }

</sc_bundles>
